<compile_context>
chip_gen: v7x
topology: tpu7x:2x2x1
jax: 0.10.2.dev20260603
libtpu: 0.0.44.dev20260713+nightly
codegen_flags: <defaults>
</compile_context>

<pallas_src>
import functools

import jax
import jax.numpy as jnp
from jax import lax
from jax.experimental import pallas as pl
from jax.experimental.pallas import tpu as pltpu
from jax.experimental.pallas import tpu_sc as plsc

_B = 16384
_D = 128
_NTABLE = 64
_NC = 2
_NS = 16
_L = 16
_NW = _NC * _NS
_BPW = _B // _NW
_CHUNK = 64
_NCHUNK = _BPW // _CHUNK


def _grid_index(w, inv_step):
    c = w * inv_step - 0.5
    t = c.astype(jnp.int32)
    up = jnp.where(c > t.astype(jnp.float32), 1, 0)
    return jnp.minimum(jnp.maximum(t + up, 0), _NTABLE // 8 - 1)


@functools.cache
def _build():
    @functools.partial(
        pl.kernel,
        out_type=jax.ShapeDtypeStruct((_B, _D), jnp.float32),
        mesh=plsc.VectorSubcoreMesh(core_axis_name="c", subcore_axis_name="s"),
        scratch_types=[
            pltpu.VMEM((_BPW,), jnp.float32),
            pltpu.VMEM((_BPW,), jnp.float32),
            pltpu.VMEM((_NCHUNK, _CHUNK), jnp.int32),
            pltpu.VMEM((_BPW, _D), jnp.float32),
            pltpu.VMEM_SHARED((_NTABLE, _D), jnp.float32),
            pltpu.SemaphoreType.DMA,
            pltpu.SemaphoreType.DMA,
        ],
    )
    def _sc_lookup(
        cw_hbm, xw_hbm, table_hbm, out_hbm, cw_v, xw_v, idx_v, rows_v, table_sh, sem, out_sem
    ):
        cid = lax.axis_index("c")
        sid = lax.axis_index("s")
        wid = sid * _NC + cid
        base = wid * _BPW
        @pl.when(sid == 0)
        def _stage_table():
            pltpu.async_copy(table_hbm, table_sh, out_sem)

        in_cw = pltpu.async_copy(cw_hbm.at[pl.ds(base, _BPW)], cw_v, sem)
        in_xw = pltpu.async_copy(xw_hbm.at[pl.ds(base, _BPW)], xw_v, sem)
        in_cw.wait()
        in_xw.wait()

        for i in range(_BPW // _L):
            ci = _grid_index(cw_v[pl.ds(i * _L, _L)], 1.0)
            xi = _grid_index(xw_v[pl.ds(i * _L, _L)], 2.0)
            idx_v[i // (_CHUNK // _L), pl.ds((i % (_CHUNK // _L)) * _L, _L)] = ci + xi * 8

        @pl.when(sid == 0)
        def _wait_table():
            pltpu.make_async_copy(table_hbm, table_sh, out_sem).wait()

        plsc.subcore_barrier()

        copies = [
            pltpu.async_copy(
                table_sh.at[idx_v.at[j]],
                rows_v.at[pl.ds(j * _CHUNK, _CHUNK)],
                sem,
            )
            for j in range(_NCHUNK)
        ]
        out_copies = []
        for j in range(_NCHUNK):
            copies[j].wait()
            out_copies.append(
                pltpu.async_copy(
                    rows_v.at[pl.ds(j * _CHUNK, _CHUNK)],
                    out_hbm.at[pl.ds(base + j * _CHUNK, _CHUNK)],
                    out_sem,
                )
            )
        for oc in out_copies:
            oc.wait()

    return _sc_lookup


def kernel(class_ws, x_cond_ws, embedding_table):
    return _build()(
        class_ws.astype(jnp.float32),
        x_cond_ws.astype(jnp.float32),
        embedding_table.astype(jnp.float32),
    )

# --- scband reference (transcript-rebuilt; emitter-appended) ---
"""Pipeline reference for scband-guidance-embedder-joint-62843961475834 (READ-ONLY COPY).

The authoritative reference and input builder live on the scoring server;
editing this copy changes nothing except your own understanding.
"""

import jax, jax.numpy as jnp
import numpy as np

CLASS_WS_SET = jnp.array([0.0, 1.0, 2.0, 3.0, 4.0, 5.0, 6.0, 7.0], dtype=jnp.float32)
X_COND_WS_SET = jnp.array([0.0, 0.5, 1.0, 1.5, 2.0, 2.5, 3.0, 3.5], dtype=jnp.float32)
B = 16384
D = 128
N_TABLE = CLASS_WS_SET.shape[0] * X_COND_WS_SET.shape[0]


def setup_inputs(seed: int = 0) -> dict:
    key = jax.random.key(seed)
    k1, k2, k3 = jax.random.split(key, 3)
    class_ws = jax.random.uniform(k1, (B,), dtype=jnp.float32) * 8.0
    x_cond_ws = jax.random.uniform(k2, (B,), dtype=jnp.float32) * 4.0
    embedding_table = jax.random.normal(k3, (N_TABLE, D), dtype=jnp.float32) * 0.02
    return {"class_ws": class_ws, "x_cond_ws": x_cond_ws, "embedding_table": embedding_table}


def reference(class_ws, x_cond_ws, embedding_table):
    cw = class_ws.reshape(-1, 1).astype(jnp.float32)
    xw = x_cond_ws.reshape(-1, 1).astype(jnp.float32)
    class_diff = jnp.abs(cw - CLASS_WS_SET.reshape(1, -1))
    x_cond_diff = jnp.abs(xw - X_COND_WS_SET.reshape(1, -1))
    class_idx = jnp.argmin(class_diff, axis=1)
    xcond_idx = jnp.argmin(x_cond_diff, axis=1)
    n_x = X_COND_WS_SET.shape[0]
    combined_indices = class_idx + xcond_idx * n_x
    return jnp.take(embedding_table, combined_indices, axis=0)

if __name__ == "__main__":
    import jax
    _d = setup_inputs()
    print(jax.jit(kernel)(*tuple(_d.values())))

</pallas_src>

<mosaic_0001>
#map = affine_map<(d0, d1) -> (0)>
#map1 = affine_map<(d0, d1) -> (0, 0)>
module attributes {stable_mosaic.version = 14 : i64} {
  func.func @_sc_lookup(%arg0: i32, %arg1: i32, %arg2: memref<16384xf32, #tpu.memory_space<hbm>>, %arg3: memref<16384xf32, #tpu.memory_space<hbm>>, %arg4: memref<64x128xf32, #tpu.memory_space<hbm>>, %arg5: memref<16384x128xf32, #tpu.memory_space<hbm>>, %arg6: memref<512xf32, #tpu.memory_space<vmem>>, %arg7: memref<512xf32, #tpu.memory_space<vmem>>, %arg8: memref<8x64xi32, #tpu.memory_space<vmem>>, %arg9: memref<512x128xf32, #tpu.memory_space<vmem>>, %arg10: memref<64x128xf32, #tpu.memory_space<vmem_shared>>, %arg11: memref<!tpu.dma_semaphore, #tpu.memory_space<semaphore_mem>>, %arg12: memref<!tpu.dma_semaphore, #tpu.memory_space<semaphore_mem>>) attributes {dimension_semantics = [#tpu.dimension_semantics<core_parallel>, #tpu.dimension_semantics<subcore_parallel>], iteration_bounds = array<i64: 2, 16>, scalar_prefetch = 0 : i64, scratch_operands = 7 : i64, tpu.core_type = #tpu.core_type<sc_vector_subcore>, window_params = [{transform_indices = #map}, {transform_indices = #map}, {transform_indices = #map1}, {transform_indices = #map1}]} {
    %mul3A = arith.constant 2 : i32
    %mul3A_0 = arith.muli %arg1, %mul3A : i32
    %add3A = arith.addi %mul3A_0, %arg0 : i32
    %mul3A_1 = arith.constant 512 : i32
    %mul3A_2 = arith.muli %add3A, %mul3A_1 : i32
    %eq3A = arith.constant 0 : i32
    %eq3A_3 = arith.cmpi eq, %arg1, %eq3A : i32
    %convert_element_type3A = arith.extui %eq3A_3 : i1 to i32
    %cond3A = arith.constant 0 : i32
    %cond3A_4 = arith.cmpi ne, %convert_element_type3A, %cond3A : i32
    scf.if %cond3A_4 {
      tpu.enqueue_dma source(%arg4 : memref<64x128xf32, #tpu.memory_space<hbm>>) target(%arg10 : memref<64x128xf32, #tpu.memory_space<vmem_shared>>) target_semaphore(%arg12 : memref<!tpu.dma_semaphore, #tpu.memory_space<semaphore_mem>>)
    } else {
    }
    %dma_start3A = tpu.memref_slice %arg2[%mul3A_2] : memref<16384xf32, #tpu.memory_space<hbm>> -> memref<512xf32, #tpu.memory_space<hbm>>
    %dma_start3A_5 = tpu.memref_slice %arg2[%mul3A_2] : memref<16384xf32, #tpu.memory_space<hbm>> -> memref<512xf32, #tpu.memory_space<hbm>>
    tpu.enqueue_dma source(%dma_start3A_5 : memref<512xf32, #tpu.memory_space<hbm>>) target(%arg6 : memref<512xf32, #tpu.memory_space<vmem>>) target_semaphore(%arg11 : memref<!tpu.dma_semaphore, #tpu.memory_space<semaphore_mem>>)
    %dma_start3A_6 = tpu.memref_slice %arg3[%mul3A_2] : memref<16384xf32, #tpu.memory_space<hbm>> -> memref<512xf32, #tpu.memory_space<hbm>>
    %dma_start3A_7 = tpu.memref_slice %arg3[%mul3A_2] : memref<16384xf32, #tpu.memory_space<hbm>> -> memref<512xf32, #tpu.memory_space<hbm>>
    tpu.enqueue_dma source(%dma_start3A_7 : memref<512xf32, #tpu.memory_space<hbm>>) target(%arg7 : memref<512xf32, #tpu.memory_space<vmem>>) target_semaphore(%arg11 : memref<!tpu.dma_semaphore, #tpu.memory_space<semaphore_mem>>)
    %dma_wait3A = tpu.memref_slice %arg2[%mul3A_2] : memref<16384xf32, #tpu.memory_space<hbm>> -> memref<512xf32, #tpu.memory_space<hbm>>
    %dma_wait3A_8 = tpu.memref_slice %arg2[%mul3A_2] : memref<16384xf32, #tpu.memory_space<hbm>> -> memref<512xf32, #tpu.memory_space<hbm>>
    tpu.wait_dma2 semaphore(%arg11 : memref<!tpu.dma_semaphore, #tpu.memory_space<semaphore_mem>>) src(%dma_wait3A_8 : memref<512xf32, #tpu.memory_space<hbm>>) dst(%arg6 : memref<512xf32, #tpu.memory_space<vmem>>)
    %dma_wait3A_9 = tpu.memref_slice %arg3[%mul3A_2] : memref<16384xf32, #tpu.memory_space<hbm>> -> memref<512xf32, #tpu.memory_space<hbm>>
    %dma_wait3A_10 = tpu.memref_slice %arg3[%mul3A_2] : memref<16384xf32, #tpu.memory_space<hbm>> -> memref<512xf32, #tpu.memory_space<hbm>>
    tpu.wait_dma2 semaphore(%arg11 : memref<!tpu.dma_semaphore, #tpu.memory_space<semaphore_mem>>) src(%dma_wait3A_10 : memref<512xf32, #tpu.memory_space<hbm>>) dst(%arg7 : memref<512xf32, #tpu.memory_space<vmem>>)
    %get3A = arith.constant 0 : index
    %get3A_11 = tpu.vector_load %arg6[%get3A] {strides = array<i32>} : memref<512xf32, #tpu.memory_space<vmem>>, vector<16xf32>,
    %get3A_12 = vector.shape_cast %get3A_11 : vector<16xf32> to vector<16xf32>
    %mul3A_13 = arith.constant 1.000000e+00 : f32
    %mul3A_14 = vector.broadcast %mul3A_13 : f32 to vector<16xf32>
    %mul3A_15 = arith.mulf %get3A_12, %mul3A_14 : vector<16xf32>
    %sub3A = arith.constant 5.000000e-01 : f32
    %sub3A_16 = vector.broadcast %sub3A : f32 to vector<16xf32>
    %sub3A_17 = arith.subf %mul3A_15, %sub3A_16 : vector<16xf32>
    %convert_element_type3A_18 = arith.fptosi %sub3A_17 : vector<16xf32> to vector<16xi32>
    %convert_element_type3A_19 = arith.sitofp %convert_element_type3A_18 : vector<16xi32> to vector<16xf32>
    %gt3A = arith.cmpf ogt, %sub3A_17, %convert_element_type3A_19 : vector<16xf32>
    %jit3A = arith.constant 1 : i32
    %jit3A_20 = arith.constant 0 : i32
    %broadcast_in_dim3A = vector.broadcast %jit3A : i32 to vector<16xi32>
    %broadcast_in_dim3A_21 = vector.broadcast %jit3A_20 : i32 to vector<16xi32>
    %select_n3A = arith.select %gt3A, %broadcast_in_dim3A, %broadcast_in_dim3A_21 : vector<16xi1>, vector<16xi32>
    %add3A_22 = arith.addi %convert_element_type3A_18, %select_n3A : vector<16xi32>
    %max3A = arith.constant 0 : i32
    %max3A_23 = vector.broadcast %max3A : i32 to vector<16xi32>
    %max3A_24 = arith.maxsi %add3A_22, %max3A_23 : vector<16xi32>
    %min3A = arith.constant 7 : i32
    %min3A_25 = vector.broadcast %min3A : i32 to vector<16xi32>
    %min3A_26 = arith.minsi %max3A_24, %min3A_25 : vector<16xi32>
    %get3A_27 = arith.constant 0 : index
    %get3A_28 = tpu.vector_load %arg7[%get3A_27] {strides = array<i32>} : memref<512xf32, #tpu.memory_space<vmem>>, vector<16xf32>,
    %get3A_29 = vector.shape_cast %get3A_28 : vector<16xf32> to vector<16xf32>
    %mul3A_30 = arith.constant 2.000000e+00 : f32
    %mul3A_31 = vector.broadcast %mul3A_30 : f32 to vector<16xf32>
    %mul3A_32 = arith.mulf %get3A_29, %mul3A_31 : vector<16xf32>
    %sub3A_33 = arith.constant 5.000000e-01 : f32
    %sub3A_34 = vector.broadcast %sub3A_33 : f32 to vector<16xf32>
    %sub3A_35 = arith.subf %mul3A_32, %sub3A_34 : vector<16xf32>
    %convert_element_type3A_36 = arith.fptosi %sub3A_35 : vector<16xf32> to vector<16xi32>
    %convert_element_type3A_37 = arith.sitofp %convert_element_type3A_36 : vector<16xi32> to vector<16xf32>
    %gt3A_38 = arith.cmpf ogt, %sub3A_35, %convert_element_type3A_37 : vector<16xf32>
    %jit3A_39 = arith.constant 1 : i32
    %jit3A_40 = arith.constant 0 : i32
    %broadcast_in_dim3A_41 = vector.broadcast %jit3A_39 : i32 to vector<16xi32>
    %broadcast_in_dim3A_42 = vector.broadcast %jit3A_40 : i32 to vector<16xi32>
    %select_n3A_43 = arith.select %gt3A_38, %broadcast_in_dim3A_41, %broadcast_in_dim3A_42 : vector<16xi1>, vector<16xi32>
    %add3A_44 = arith.addi %convert_element_type3A_36, %select_n3A_43 : vector<16xi32>
    %max3A_45 = arith.constant 0 : i32
    %max3A_46 = vector.broadcast %max3A_45 : i32 to vector<16xi32>
    %max3A_47 = arith.maxsi %add3A_44, %max3A_46 : vector<16xi32>
    %min3A_48 = arith.constant 7 : i32
    %min3A_49 = vector.broadcast %min3A_48 : i32 to vector<16xi32>
    %min3A_50 = arith.minsi %max3A_47, %min3A_49 : vector<16xi32>
    %mul3A_51 = arith.constant 8 : i32
    %mul3A_52 = vector.broadcast %mul3A_51 : i32 to vector<16xi32>
    %mul3A_53 = arith.muli %min3A_50, %mul3A_52 : vector<16xi32>
    %add3A_54 = arith.addi %min3A_26, %mul3A_53 : vector<16xi32>
    %swap3A = arith.constant 0 : i32
    %swap3A_55 = arith.index_cast %swap3A : i32 to index
    %swap3A_56 = arith.constant 0 : index
    %swap3A_57 = tpu.vector_load %arg8[%swap3A_55, %swap3A_56] {strides = array<i32>} : memref<8x64xi32, #tpu.memory_space<vmem>>, vector<1x16xi32>,
    %swap3A_58 = vector.shape_cast %swap3A_57 : vector<1x16xi32> to vector<16xi32>
    %swap3A_59 = vector.shape_cast %add3A_54 : vector<16xi32> to vector<1x16xi32>
    tpu.vector_store %arg8[%swap3A_55, %swap3A_56], %swap3A_59 {strides = array<i32>} : memref<8x64xi32, #tpu.memory_space<vmem>>, vector<1x16xi32>,
    %get3A_60 = arith.constant 16 : index
    %get3A_61 = tpu.vector_load %arg6[%get3A_60] {strides = array<i32>} : memref<512xf32, #tpu.memory_space<vmem>>, vector<16xf32>,
    %get3A_62 = vector.shape_cast %get3A_61 : vector<16xf32> to vector<16xf32>
    %mul3A_63 = arith.constant 1.000000e+00 : f32
    %mul3A_64 = vector.broadcast %mul3A_63 : f32 to vector<16xf32>
    %mul3A_65 = arith.mulf %get3A_62, %mul3A_64 : vector<16xf32>
    %sub3A_66 = arith.constant 5.000000e-01 : f32
    %sub3A_67 = vector.broadcast %sub3A_66 : f32 to vector<16xf32>
    %sub3A_68 = arith.subf %mul3A_65, %sub3A_67 : vector<16xf32>
    %convert_element_type3A_69 = arith.fptosi %sub3A_68 : vector<16xf32> to vector<16xi32>
    %convert_element_type3A_70 = arith.sitofp %convert_element_type3A_69 : vector<16xi32> to vector<16xf32>
    %gt3A_71 = arith.cmpf ogt, %sub3A_68, %convert_element_type3A_70 : vector<16xf32>
    %jit3A_72 = arith.constant 1 : i32
    %jit3A_73 = arith.constant 0 : i32
    %broadcast_in_dim3A_74 = vector.broadcast %jit3A_72 : i32 to vector<16xi32>
    %broadcast_in_dim3A_75 = vector.broadcast %jit3A_73 : i32 to vector<16xi32>
    %select_n3A_76 = arith.select %gt3A_71, %broadcast_in_dim3A_74, %broadcast_in_dim3A_75 : vector<16xi1>, vector<16xi32>
    %add3A_77 = arith.addi %convert_element_type3A_69, %select_n3A_76 : vector<16xi32>
    %max3A_78 = arith.constant 0 : i32
    %max3A_79 = vector.broadcast %max3A_78 : i32 to vector<16xi32>
    %max3A_80 = arith.maxsi %add3A_77, %max3A_79 : vector<16xi32>
    %min3A_81 = arith.constant 7 : i32
    %min3A_82 = vector.broadcast %min3A_81 : i32 to vector<16xi32>
    %min3A_83 = arith.minsi %max3A_80, %min3A_82 : vector<16xi32>
    %get3A_84 = arith.constant 16 : index
    %get3A_85 = tpu.vector_load %arg7[%get3A_84] {strides = array<i32>} : memref<512xf32, #tpu.memory_space<vmem>>, vector<16xf32>,
    %get3A_86 = vector.shape_cast %get3A_85 : vector<16xf32> to vector<16xf32>
    %mul3A_87 = arith.constant 2.000000e+00 : f32
    %mul3A_88 = vector.broadcast %mul3A_87 : f32 to vector<16xf32>
    %mul3A_89 = arith.mulf %get3A_86, %mul3A_88 : vector<16xf32>
    %sub3A_90 = arith.constant 5.000000e-01 : f32
    %sub3A_91 = vector.broadcast %sub3A_90 : f32 to vector<16xf32>
    %sub3A_92 = arith.subf %mul3A_89, %sub3A_91 : vector<16xf32>
    %convert_element_type3A_93 = arith.fptosi %sub3A_92 : vector<16xf32> to vector<16xi32>
    %convert_element_type3A_94 = arith.sitofp %convert_element_type3A_93 : vector<16xi32> to vector<16xf32>
    %gt3A_95 = arith.cmpf ogt, %sub3A_92, %convert_element_type3A_94 : vector<16xf32>
    %jit3A_96 = arith.constant 1 : i32
    %jit3A_97 = arith.constant 0 : i32
    %broadcast_in_dim3A_98 = vector.broadcast %jit3A_96 : i32 to vector<16xi32>
    %broadcast_in_dim3A_99 = vector.broadcast %jit3A_97 : i32 to vector<16xi32>
    %select_n3A_100 = arith.select %gt3A_95, %broadcast_in_dim3A_98, %broadcast_in_dim3A_99 : vector<16xi1>, vector<16xi32>
    %add3A_101 = arith.addi %convert_element_type3A_93, %select_n3A_100 : vector<16xi32>
    %max3A_102 = arith.constant 0 : i32
    %max3A_103 = vector.broadcast %max3A_102 : i32 to vector<16xi32>
    %max3A_104 = arith.maxsi %add3A_101, %max3A_103 : vector<16xi32>
    %min3A_105 = arith.constant 7 : i32
    %min3A_106 = vector.broadcast %min3A_105 : i32 to vector<16xi32>
    %min3A_107 = arith.minsi %max3A_104, %min3A_106 : vector<16xi32>
    %mul3A_108 = arith.constant 8 : i32
    %mul3A_109 = vector.broadcast %mul3A_108 : i32 to vector<16xi32>
    %mul3A_110 = arith.muli %min3A_107, %mul3A_109 : vector<16xi32>
    %add3A_111 = arith.addi %min3A_83, %mul3A_110 : vector<16xi32>
    %swap3A_112 = arith.constant 0 : i32
    %swap3A_113 = arith.index_cast %swap3A_112 : i32 to index
    %swap3A_114 = arith.constant 16 : index
    %swap3A_115 = tpu.vector_load %arg8[%swap3A_113, %swap3A_114] {strides = array<i32>} : memref<8x64xi32, #tpu.memory_space<vmem>>, vector<1x16xi32>,
    %swap3A_116 = vector.shape_cast %swap3A_115 : vector<1x16xi32> to vector<16xi32>
    %swap3A_117 = vector.shape_cast %add3A_111 : vector<16xi32> to vector<1x16xi32>
    tpu.vector_store %arg8[%swap3A_113, %swap3A_114], %swap3A_117 {strides = array<i32>} : memref<8x64xi32, #tpu.memory_space<vmem>>, vector<1x16xi32>,
    %get3A_118 = arith.constant 32 : index
    %get3A_119 = tpu.vector_load %arg6[%get3A_118] {strides = array<i32>} : memref<512xf32, #tpu.memory_space<vmem>>, vector<16xf32>,
    %get3A_120 = vector.shape_cast %get3A_119 : vector<16xf32> to vector<16xf32>
    %mul3A_121 = arith.constant 1.000000e+00 : f32
    %mul3A_122 = vector.broadcast %mul3A_121 : f32 to vector<16xf32>
    %mul3A_123 = arith.mulf %get3A_120, %mul3A_122 : vector<16xf32>
    %sub3A_124 = arith.constant 5.000000e-01 : f32
    %sub3A_125 = vector.broadcast %sub3A_124 : f32 to vector<16xf32>
    %sub3A_126 = arith.subf %mul3A_123, %sub3A_125 : vector<16xf32>
    %convert_element_type3A_127 = arith.fptosi %sub3A_126 : vector<16xf32> to vector<16xi32>
    %convert_element_type3A_128 = arith.sitofp %convert_element_type3A_127 : vector<16xi32> to vector<16xf32>
    %gt3A_129 = arith.cmpf ogt, %sub3A_126, %convert_element_type3A_128 : vector<16xf32>
    %jit3A_130 = arith.constant 1 : i32
    %jit3A_131 = arith.constant 0 : i32
    %broadcast_in_dim3A_132 = vector.broadcast %jit3A_130 : i32 to vector<16xi32>
    %broadcast_in_dim3A_133 = vector.broadcast %jit3A_131 : i32 to vector<16xi32>
    %select_n3A_134 = arith.select %gt3A_129, %broadcast_in_dim3A_132, %broadcast_in_dim3A_133 : vector<16xi1>, vector<16xi32>
    %add3A_135 = arith.addi %convert_element_type3A_127, %select_n3A_134 : vector<16xi32>
    %max3A_136 = arith.constant 0 : i32
    %max3A_137 = vector.broadcast %max3A_136 : i32 to vector<16xi32>
    %max3A_138 = arith.maxsi %add3A_135, %max3A_137 : vector<16xi32>
    %min3A_139 = arith.constant 7 : i32
    %min3A_140 = vector.broadcast %min3A_139 : i32 to vector<16xi32>
    %min3A_141 = arith.minsi %max3A_138, %min3A_140 : vector<16xi32>
    %get3A_142 = arith.constant 32 : index
    %get3A_143 = tpu.vector_load %arg7[%get3A_142] {strides = array<i32>} : memref<512xf32, #tpu.memory_space<vmem>>, vector<16xf32>,
    %get3A_144 = vector.shape_cast %get3A_143 : vector<16xf32> to vector<16xf32>
    %mul3A_145 = arith.constant 2.000000e+00 : f32
    %mul3A_146 = vector.broadcast %mul3A_145 : f32 to vector<16xf32>
    %mul3A_147 = arith.mulf %get3A_144, %mul3A_146 : vector<16xf32>
    %sub3A_148 = arith.constant 5.000000e-01 : f32
    %sub3A_149 = vector.broadcast %sub3A_148 : f32 to vector<16xf32>
    %sub3A_150 = arith.subf %mul3A_147, %sub3A_149 : vector<16xf32>
    %convert_element_type3A_151 = arith.fptosi %sub3A_150 : vector<16xf32> to vector<16xi32>
    %convert_element_type3A_152 = arith.sitofp %convert_element_type3A_151 : vector<16xi32> to vector<16xf32>
    %gt3A_153 = arith.cmpf ogt, %sub3A_150, %convert_element_type3A_152 : vector<16xf32>
    %jit3A_154 = arith.constant 1 : i32
    %jit3A_155 = arith.constant 0 : i32
    %broadcast_in_dim3A_156 = vector.broadcast %jit3A_154 : i32 to vector<16xi32>
    %broadcast_in_dim3A_157 = vector.broadcast %jit3A_155 : i32 to vector<16xi32>
    %select_n3A_158 = arith.select %gt3A_153, %broadcast_in_dim3A_156, %broadcast_in_dim3A_157 : vector<16xi1>, vector<16xi32>
    %add3A_159 = arith.addi %convert_element_type3A_151, %select_n3A_158 : vector<16xi32>
    %max3A_160 = arith.constant 0 : i32
    %max3A_161 = vector.broadcast %max3A_160 : i32 to vector<16xi32>
    %max3A_162 = arith.maxsi %add3A_159, %max3A_161 : vector<16xi32>
    %min3A_163 = arith.constant 7 : i32
    %min3A_164 = vector.broadcast %min3A_163 : i32 to vector<16xi32>
    %min3A_165 = arith.minsi %max3A_162, %min3A_164 : vector<16xi32>
    %mul3A_166 = arith.constant 8 : i32
    %mul3A_167 = vector.broadcast %mul3A_166 : i32 to vector<16xi32>
    %mul3A_168 = arith.muli %min3A_165, %mul3A_167 : vector<16xi32>
    %add3A_169 = arith.addi %min3A_141, %mul3A_168 : vector<16xi32>
    %swap3A_170 = arith.constant 0 : i32
    %swap3A_171 = arith.index_cast %swap3A_170 : i32 to index
    %swap3A_172 = arith.constant 32 : index
    %swap3A_173 = tpu.vector_load %arg8[%swap3A_171, %swap3A_172] {strides = array<i32>} : memref<8x64xi32, #tpu.memory_space<vmem>>, vector<1x16xi32>,
    %swap3A_174 = vector.shape_cast %swap3A_173 : vector<1x16xi32> to vector<16xi32>
    %swap3A_175 = vector.shape_cast %add3A_169 : vector<16xi32> to vector<1x16xi32>
    tpu.vector_store %arg8[%swap3A_171, %swap3A_172], %swap3A_175 {strides = array<i32>} : memref<8x64xi32, #tpu.memory_space<vmem>>, vector<1x16xi32>,
    %get3A_176 = arith.constant 48 : index
    %get3A_177 = tpu.vector_load %arg6[%get3A_176] {strides = array<i32>} : memref<512xf32, #tpu.memory_space<vmem>>, vector<16xf32>,
    %get3A_178 = vector.shape_cast %get3A_177 : vector<16xf32> to vector<16xf32>
    %mul3A_179 = arith.constant 1.000000e+00 : f32
    %mul3A_180 = vector.broadcast %mul3A_179 : f32 to vector<16xf32>
    %mul3A_181 = arith.mulf %get3A_178, %mul3A_180 : vector<16xf32>
    %sub3A_182 = arith.constant 5.000000e-01 : f32
    %sub3A_183 = vector.broadcast %sub3A_182 : f32 to vector<16xf32>
    %sub3A_184 = arith.subf %mul3A_181, %sub3A_183 : vector<16xf32>
    %convert_element_type3A_185 = arith.fptosi %sub3A_184 : vector<16xf32> to vector<16xi32>
    %convert_element_type3A_186 = arith.sitofp %convert_element_type3A_185 : vector<16xi32> to vector<16xf32>
    %gt3A_187 = arith.cmpf ogt, %sub3A_184, %convert_element_type3A_186 : vector<16xf32>
    %jit3A_188 = arith.constant 1 : i32
    %jit3A_189 = arith.constant 0 : i32
    %broadcast_in_dim3A_190 = vector.broadcast %jit3A_188 : i32 to vector<16xi32>
    %broadcast_in_dim3A_191 = vector.broadcast %jit3A_189 : i32 to vector<16xi32>
    %select_n3A_192 = arith.select %gt3A_187, %broadcast_in_dim3A_190, %broadcast_in_dim3A_191 : vector<16xi1>, vector<16xi32>
    %add3A_193 = arith.addi %convert_element_type3A_185, %select_n3A_192 : vector<16xi32>
    %max3A_194 = arith.constant 0 : i32
    %max3A_195 = vector.broadcast %max3A_194 : i32 to vector<16xi32>
    %max3A_196 = arith.maxsi %add3A_193, %max3A_195 : vector<16xi32>
    %min3A_197 = arith.constant 7 : i32
    %min3A_198 = vector.broadcast %min3A_197 : i32 to vector<16xi32>
    %min3A_199 = arith.minsi %max3A_196, %min3A_198 : vector<16xi32>
    %get3A_200 = arith.constant 48 : index
    %get3A_201 = tpu.vector_load %arg7[%get3A_200] {strides = array<i32>} : memref<512xf32, #tpu.memory_space<vmem>>, vector<16xf32>,
    %get3A_202 = vector.shape_cast %get3A_201 : vector<16xf32> to vector<16xf32>
    %mul3A_203 = arith.constant 2.000000e+00 : f32
    %mul3A_204 = vector.broadcast %mul3A_203 : f32 to vector<16xf32>
    %mul3A_205 = arith.mulf %get3A_202, %mul3A_204 : vector<16xf32>
    %sub3A_206 = arith.constant 5.000000e-01 : f32
    %sub3A_207 = vector.broadcast %sub3A_206 : f32 to vector<16xf32>
    %sub3A_208 = arith.subf %mul3A_205, %sub3A_207 : vector<16xf32>
    %convert_element_type3A_209 = arith.fptosi %sub3A_208 : vector<16xf32> to vector<16xi32>
    %convert_element_type3A_210 = arith.sitofp %convert_element_type3A_209 : vector<16xi32> to vector<16xf32>
    %gt3A_211 = arith.cmpf ogt, %sub3A_208, %convert_element_type3A_210 : vector<16xf32>
    %jit3A_212 = arith.constant 1 : i32
    %jit3A_213 = arith.constant 0 : i32
    %broadcast_in_dim3A_214 = vector.broadcast %jit3A_212 : i32 to vector<16xi32>
    %broadcast_in_dim3A_215 = vector.broadcast %jit3A_213 : i32 to vector<16xi32>
    %select_n3A_216 = arith.select %gt3A_211, %broadcast_in_dim3A_214, %broadcast_in_dim3A_215 : vector<16xi1>, vector<16xi32>
    %add3A_217 = arith.addi %convert_element_type3A_209, %select_n3A_216 : vector<16xi32>
    %max3A_218 = arith.constant 0 : i32
    %max3A_219 = vector.broadcast %max3A_218 : i32 to vector<16xi32>
    %max3A_220 = arith.maxsi %add3A_217, %max3A_219 : vector<16xi32>
    %min3A_221 = arith.constant 7 : i32
    %min3A_222 = vector.broadcast %min3A_221 : i32 to vector<16xi32>
    %min3A_223 = arith.minsi %max3A_220, %min3A_222 : vector<16xi32>
    %mul3A_224 = arith.constant 8 : i32
    %mul3A_225 = vector.broadcast %mul3A_224 : i32 to vector<16xi32>
    %mul3A_226 = arith.muli %min3A_223, %mul3A_225 : vector<16xi32>
    %add3A_227 = arith.addi %min3A_199, %mul3A_226 : vector<16xi32>
    %swap3A_228 = arith.constant 0 : i32
    %swap3A_229 = arith.index_cast %swap3A_228 : i32 to index
    %swap3A_230 = arith.constant 48 : index
    %swap3A_231 = tpu.vector_load %arg8[%swap3A_229, %swap3A_230] {strides = array<i32>} : memref<8x64xi32, #tpu.memory_space<vmem>>, vector<1x16xi32>,
    %swap3A_232 = vector.shape_cast %swap3A_231 : vector<1x16xi32> to vector<16xi32>
    %swap3A_233 = vector.shape_cast %add3A_227 : vector<16xi32> to vector<1x16xi32>
    tpu.vector_store %arg8[%swap3A_229, %swap3A_230], %swap3A_233 {strides = array<i32>} : memref<8x64xi32, #tpu.memory_space<vmem>>, vector<1x16xi32>,
    %get3A_234 = arith.constant 64 : index
    %get3A_235 = tpu.vector_load %arg6[%get3A_234] {strides = array<i32>} : memref<512xf32, #tpu.memory_space<vmem>>, vector<16xf32>,
    %get3A_236 = vector.shape_cast %get3A_235 : vector<16xf32> to vector<16xf32>
    %mul3A_237 = arith.constant 1.000000e+00 : f32
    %mul3A_238 = vector.broadcast %mul3A_237 : f32 to vector<16xf32>
    %mul3A_239 = arith.mulf %get3A_236, %mul3A_238 : vector<16xf32>
    %sub3A_240 = arith.constant 5.000000e-01 : f32
    %sub3A_241 = vector.broadcast %sub3A_240 : f32 to vector<16xf32>
    %sub3A_242 = arith.subf %mul3A_239, %sub3A_241 : vector<16xf32>
    %convert_element_type3A_243 = arith.fptosi %sub3A_242 : vector<16xf32> to vector<16xi32>
    %convert_element_type3A_244 = arith.sitofp %convert_element_type3A_243 : vector<16xi32> to vector<16xf32>
    %gt3A_245 = arith.cmpf ogt, %sub3A_242, %convert_element_type3A_244 : vector<16xf32>
    %jit3A_246 = arith.constant 1 : i32
    %jit3A_247 = arith.constant 0 : i32
    %broadcast_in_dim3A_248 = vector.broadcast %jit3A_246 : i32 to vector<16xi32>
    %broadcast_in_dim3A_249 = vector.broadcast %jit3A_247 : i32 to vector<16xi32>
    %select_n3A_250 = arith.select %gt3A_245, %broadcast_in_dim3A_248, %broadcast_in_dim3A_249 : vector<16xi1>, vector<16xi32>
    %add3A_251 = arith.addi %convert_element_type3A_243, %select_n3A_250 : vector<16xi32>
    %max3A_252 = arith.constant 0 : i32
    %max3A_253 = vector.broadcast %max3A_252 : i32 to vector<16xi32>
    %max3A_254 = arith.maxsi %add3A_251, %max3A_253 : vector<16xi32>
    %min3A_255 = arith.constant 7 : i32
    %min3A_256 = vector.broadcast %min3A_255 : i32 to vector<16xi32>
    %min3A_257 = arith.minsi %max3A_254, %min3A_256 : vector<16xi32>
    %get3A_258 = arith.constant 64 : index
    %get3A_259 = tpu.vector_load %arg7[%get3A_258] {strides = array<i32>} : memref<512xf32, #tpu.memory_space<vmem>>, vector<16xf32>,
    %get3A_260 = vector.shape_cast %get3A_259 : vector<16xf32> to vector<16xf32>
    %mul3A_261 = arith.constant 2.000000e+00 : f32
    %mul3A_262 = vector.broadcast %mul3A_261 : f32 to vector<16xf32>
    %mul3A_263 = arith.mulf %get3A_260, %mul3A_262 : vector<16xf32>
    %sub3A_264 = arith.constant 5.000000e-01 : f32
    %sub3A_265 = vector.broadcast %sub3A_264 : f32 to vector<16xf32>
    %sub3A_266 = arith.subf %mul3A_263, %sub3A_265 : vector<16xf32>
    %convert_element_type3A_267 = arith.fptosi %sub3A_266 : vector<16xf32> to vector<16xi32>
    %convert_element_type3A_268 = arith.sitofp %convert_element_type3A_267 : vector<16xi32> to vector<16xf32>
    %gt3A_269 = arith.cmpf ogt, %sub3A_266, %convert_element_type3A_268 : vector<16xf32>
    %jit3A_270 = arith.constant 1 : i32
    %jit3A_271 = arith.constant 0 : i32
    %broadcast_in_dim3A_272 = vector.broadcast %jit3A_270 : i32 to vector<16xi32>
    %broadcast_in_dim3A_273 = vector.broadcast %jit3A_271 : i32 to vector<16xi32>
    %select_n3A_274 = arith.select %gt3A_269, %broadcast_in_dim3A_272, %broadcast_in_dim3A_273 : vector<16xi1>, vector<16xi32>
    %add3A_275 = arith.addi %convert_element_type3A_267, %select_n3A_274 : vector<16xi32>
    %max3A_276 = arith.constant 0 : i32
    %max3A_277 = vector.broadcast %max3A_276 : i32 to vector<16xi32>
    %max3A_278 = arith.maxsi %add3A_275, %max3A_277 : vector<16xi32>
    %min3A_279 = arith.constant 7 : i32
    %min3A_280 = vector.broadcast %min3A_279 : i32 to vector<16xi32>
    %min3A_281 = arith.minsi %max3A_278, %min3A_280 : vector<16xi32>
    %mul3A_282 = arith.constant 8 : i32
    %mul3A_283 = vector.broadcast %mul3A_282 : i32 to vector<16xi32>
    %mul3A_284 = arith.muli %min3A_281, %mul3A_283 : vector<16xi32>
    %add3A_285 = arith.addi %min3A_257, %mul3A_284 : vector<16xi32>
    %swap3A_286 = arith.constant 1 : i32
    %swap3A_287 = arith.index_cast %swap3A_286 : i32 to index
    %swap3A_288 = arith.constant 0 : index
    %swap3A_289 = tpu.vector_load %arg8[%swap3A_287, %swap3A_288] {strides = array<i32>} : memref<8x64xi32, #tpu.memory_space<vmem>>, vector<1x16xi32>,
    %swap3A_290 = vector.shape_cast %swap3A_289 : vector<1x16xi32> to vector<16xi32>
    %swap3A_291 = vector.shape_cast %add3A_285 : vector<16xi32> to vector<1x16xi32>
    tpu.vector_store %arg8[%swap3A_287, %swap3A_288], %swap3A_291 {strides = array<i32>} : memref<8x64xi32, #tpu.memory_space<vmem>>, vector<1x16xi32>,
    %get3A_292 = arith.constant 80 : index
    %get3A_293 = tpu.vector_load %arg6[%get3A_292] {strides = array<i32>} : memref<512xf32, #tpu.memory_space<vmem>>, vector<16xf32>,
    %get3A_294 = vector.shape_cast %get3A_293 : vector<16xf32> to vector<16xf32>
    %mul3A_295 = arith.constant 1.000000e+00 : f32
    %mul3A_296 = vector.broadcast %mul3A_295 : f32 to vector<16xf32>
    %mul3A_297 = arith.mulf %get3A_294, %mul3A_296 : vector<16xf32>
    %sub3A_298 = arith.constant 5.000000e-01 : f32
    %sub3A_299 = vector.broadcast %sub3A_298 : f32 to vector<16xf32>
    %sub3A_300 = arith.subf %mul3A_297, %sub3A_299 : vector<16xf32>
    %convert_element_type3A_301 = arith.fptosi %sub3A_300 : vector<16xf32> to vector<16xi32>
    %convert_element_type3A_302 = arith.sitofp %convert_element_type3A_301 : vector<16xi32> to vector<16xf32>
    %gt3A_303 = arith.cmpf ogt, %sub3A_300, %convert_element_type3A_302 : vector<16xf32>
    %jit3A_304 = arith.constant 1 : i32
    %jit3A_305 = arith.constant 0 : i32
    %broadcast_in_dim3A_306 = vector.broadcast %jit3A_304 : i32 to vector<16xi32>
    %broadcast_in_dim3A_307 = vector.broadcast %jit3A_305 : i32 to vector<16xi32>
    %select_n3A_308 = arith.select %gt3A_303, %broadcast_in_dim3A_306, %broadcast_in_dim3A_307 : vector<16xi1>, vector<16xi32>
    %add3A_309 = arith.addi %convert_element_type3A_301, %select_n3A_308 : vector<16xi32>
    %max3A_310 = arith.constant 0 : i32
    %max3A_311 = vector.broadcast %max3A_310 : i32 to vector<16xi32>
    %max3A_312 = arith.maxsi %add3A_309, %max3A_311 : vector<16xi32>
    %min3A_313 = arith.constant 7 : i32
    %min3A_314 = vector.broadcast %min3A_313 : i32 to vector<16xi32>
    %min3A_315 = arith.minsi %max3A_312, %min3A_314 : vector<16xi32>
    %get3A_316 = arith.constant 80 : index
    %get3A_317 = tpu.vector_load %arg7[%get3A_316] {strides = array<i32>} : memref<512xf32, #tpu.memory_space<vmem>>, vector<16xf32>,
    %get3A_318 = vector.shape_cast %get3A_317 : vector<16xf32> to vector<16xf32>
    %mul3A_319 = arith.constant 2.000000e+00 : f32
    %mul3A_320 = vector.broadcast %mul3A_319 : f32 to vector<16xf32>
    %mul3A_321 = arith.mulf %get3A_318, %mul3A_320 : vector<16xf32>
    %sub3A_322 = arith.constant 5.000000e-01 : f32
    %sub3A_323 = vector.broadcast %sub3A_322 : f32 to vector<16xf32>
    %sub3A_324 = arith.subf %mul3A_321, %sub3A_323 : vector<16xf32>
    %convert_element_type3A_325 = arith.fptosi %sub3A_324 : vector<16xf32> to vector<16xi32>
    %convert_element_type3A_326 = arith.sitofp %convert_element_type3A_325 : vector<16xi32> to vector<16xf32>
    %gt3A_327 = arith.cmpf ogt, %sub3A_324, %convert_element_type3A_326 : vector<16xf32>
    %jit3A_328 = arith.constant 1 : i32
    %jit3A_329 = arith.constant 0 : i32
    %broadcast_in_dim3A_330 = vector.broadcast %jit3A_328 : i32 to vector<16xi32>
    %broadcast_in_dim3A_331 = vector.broadcast %jit3A_329 : i32 to vector<16xi32>
    %select_n3A_332 = arith.select %gt3A_327, %broadcast_in_dim3A_330, %broadcast_in_dim3A_331 : vector<16xi1>, vector<16xi32>
    %add3A_333 = arith.addi %convert_element_type3A_325, %select_n3A_332 : vector<16xi32>
    %max3A_334 = arith.constant 0 : i32
    %max3A_335 = vector.broadcast %max3A_334 : i32 to vector<16xi32>
    %max3A_336 = arith.maxsi %add3A_333, %max3A_335 : vector<16xi32>
    %min3A_337 = arith.constant 7 : i32
    %min3A_338 = vector.broadcast %min3A_337 : i32 to vector<16xi32>
    %min3A_339 = arith.minsi %max3A_336, %min3A_338 : vector<16xi32>
    %mul3A_340 = arith.constant 8 : i32
    %mul3A_341 = vector.broadcast %mul3A_340 : i32 to vector<16xi32>
    %mul3A_342 = arith.muli %min3A_339, %mul3A_341 : vector<16xi32>
    %add3A_343 = arith.addi %min3A_315, %mul3A_342 : vector<16xi32>
    %swap3A_344 = arith.constant 1 : i32
    %swap3A_345 = arith.index_cast %swap3A_344 : i32 to index
    %swap3A_346 = arith.constant 16 : index
    %swap3A_347 = tpu.vector_load %arg8[%swap3A_345, %swap3A_346] {strides = array<i32>} : memref<8x64xi32, #tpu.memory_space<vmem>>, vector<1x16xi32>,
    %swap3A_348 = vector.shape_cast %swap3A_347 : vector<1x16xi32> to vector<16xi32>
    %swap3A_349 = vector.shape_cast %add3A_343 : vector<16xi32> to vector<1x16xi32>
    tpu.vector_store %arg8[%swap3A_345, %swap3A_346], %swap3A_349 {strides = array<i32>} : memref<8x64xi32, #tpu.memory_space<vmem>>, vector<1x16xi32>,
    %get3A_350 = arith.constant 96 : index
    %get3A_351 = tpu.vector_load %arg6[%get3A_350] {strides = array<i32>} : memref<512xf32, #tpu.memory_space<vmem>>, vector<16xf32>,
    %get3A_352 = vector.shape_cast %get3A_351 : vector<16xf32> to vector<16xf32>
    %mul3A_353 = arith.constant 1.000000e+00 : f32
    %mul3A_354 = vector.broadcast %mul3A_353 : f32 to vector<16xf32>
    %mul3A_355 = arith.mulf %get3A_352, %mul3A_354 : vector<16xf32>
    %sub3A_356 = arith.constant 5.000000e-01 : f32
    %sub3A_357 = vector.broadcast %sub3A_356 : f32 to vector<16xf32>
    %sub3A_358 = arith.subf %mul3A_355, %sub3A_357 : vector<16xf32>
    %convert_element_type3A_359 = arith.fptosi %sub3A_358 : vector<16xf32> to vector<16xi32>
    %convert_element_type3A_360 = arith.sitofp %convert_element_type3A_359 : vector<16xi32> to vector<16xf32>
    %gt3A_361 = arith.cmpf ogt, %sub3A_358, %convert_element_type3A_360 : vector<16xf32>
    %jit3A_362 = arith.constant 1 : i32
    %jit3A_363 = arith.constant 0 : i32
    %broadcast_in_dim3A_364 = vector.broadcast %jit3A_362 : i32 to vector<16xi32>
    %broadcast_in_dim3A_365 = vector.broadcast %jit3A_363 : i32 to vector<16xi32>
    %select_n3A_366 = arith.select %gt3A_361, %broadcast_in_dim3A_364, %broadcast_in_dim3A_365 : vector<16xi1>, vector<16xi32>
    %add3A_367 = arith.addi %convert_element_type3A_359, %select_n3A_366 : vector<16xi32>
    %max3A_368 = arith.constant 0 : i32
    %max3A_369 = vector.broadcast %max3A_368 : i32 to vector<16xi32>
    %max3A_370 = arith.maxsi %add3A_367, %max3A_369 : vector<16xi32>
    %min3A_371 = arith.constant 7 : i32
    %min3A_372 = vector.broadcast %min3A_371 : i32 to vector<16xi32>
    %min3A_373 = arith.minsi %max3A_370, %min3A_372 : vector<16xi32>
    %get3A_374 = arith.constant 96 : index
    %get3A_375 = tpu.vector_load %arg7[%get3A_374] {strides = array<i32>} : memref<512xf32, #tpu.memory_space<vmem>>, vector<16xf32>,
    %get3A_376 = vector.shape_cast %get3A_375 : vector<16xf32> to vector<16xf32>
    %mul3A_377 = arith.constant 2.000000e+00 : f32
    %mul3A_378 = vector.broadcast %mul3A_377 : f32 to vector<16xf32>
    %mul3A_379 = arith.mulf %get3A_376, %mul3A_378 : vector<16xf32>
    %sub3A_380 = arith.constant 5.000000e-01 : f32
    %sub3A_381 = vector.broadcast %sub3A_380 : f32 to vector<16xf32>
    %sub3A_382 = arith.subf %mul3A_379, %sub3A_381 : vector<16xf32>
    %convert_element_type3A_383 = arith.fptosi %sub3A_382 : vector<16xf32> to vector<16xi32>
    %convert_element_type3A_384 = arith.sitofp %convert_element_type3A_383 : vector<16xi32> to vector<16xf32>
    %gt3A_385 = arith.cmpf ogt, %sub3A_382, %convert_element_type3A_384 : vector<16xf32>
    %jit3A_386 = arith.constant 1 : i32
    %jit3A_387 = arith.constant 0 : i32
    %broadcast_in_dim3A_388 = vector.broadcast %jit3A_386 : i32 to vector<16xi32>
    %broadcast_in_dim3A_389 = vector.broadcast %jit3A_387 : i32 to vector<16xi32>
    %select_n3A_390 = arith.select %gt3A_385, %broadcast_in_dim3A_388, %broadcast_in_dim3A_389 : vector<16xi1>, vector<16xi32>
    %add3A_391 = arith.addi %convert_element_type3A_383, %select_n3A_390 : vector<16xi32>
    %max3A_392 = arith.constant 0 : i32
    %max3A_393 = vector.broadcast %max3A_392 : i32 to vector<16xi32>
    %max3A_394 = arith.maxsi %add3A_391, %max3A_393 : vector<16xi32>
    %min3A_395 = arith.constant 7 : i32
    %min3A_396 = vector.broadcast %min3A_395 : i32 to vector<16xi32>
    %min3A_397 = arith.minsi %max3A_394, %min3A_396 : vector<16xi32>
    %mul3A_398 = arith.constant 8 : i32
    %mul3A_399 = vector.broadcast %mul3A_398 : i32 to vector<16xi32>
    %mul3A_400 = arith.muli %min3A_397, %mul3A_399 : vector<16xi32>
    %add3A_401 = arith.addi %min3A_373, %mul3A_400 : vector<16xi32>
    %swap3A_402 = arith.constant 1 : i32
    %swap3A_403 = arith.index_cast %swap3A_402 : i32 to index
    %swap3A_404 = arith.constant 32 : index
    %swap3A_405 = tpu.vector_load %arg8[%swap3A_403, %swap3A_404] {strides = array<i32>} : memref<8x64xi32, #tpu.memory_space<vmem>>, vector<1x16xi32>,
    %swap3A_406 = vector.shape_cast %swap3A_405 : vector<1x16xi32> to vector<16xi32>
    %swap3A_407 = vector.shape_cast %add3A_401 : vector<16xi32> to vector<1x16xi32>
    tpu.vector_store %arg8[%swap3A_403, %swap3A_404], %swap3A_407 {strides = array<i32>} : memref<8x64xi32, #tpu.memory_space<vmem>>, vector<1x16xi32>,
    %get3A_408 = arith.constant 112 : index
    %get3A_409 = tpu.vector_load %arg6[%get3A_408] {strides = array<i32>} : memref<512xf32, #tpu.memory_space<vmem>>, vector<16xf32>,
    %get3A_410 = vector.shape_cast %get3A_409 : vector<16xf32> to vector<16xf32>
    %mul3A_411 = arith.constant 1.000000e+00 : f32
    %mul3A_412 = vector.broadcast %mul3A_411 : f32 to vector<16xf32>
    %mul3A_413 = arith.mulf %get3A_410, %mul3A_412 : vector<16xf32>
    %sub3A_414 = arith.constant 5.000000e-01 : f32
    %sub3A_415 = vector.broadcast %sub3A_414 : f32 to vector<16xf32>
    %sub3A_416 = arith.subf %mul3A_413, %sub3A_415 : vector<16xf32>
    %convert_element_type3A_417 = arith.fptosi %sub3A_416 : vector<16xf32> to vector<16xi32>
    %convert_element_type3A_418 = arith.sitofp %convert_element_type3A_417 : vector<16xi32> to vector<16xf32>
    %gt3A_419 = arith.cmpf ogt, %sub3A_416, %convert_element_type3A_418 : vector<16xf32>
    %jit3A_420 = arith.constant 1 : i32
    %jit3A_421 = arith.constant 0 : i32
    %broadcast_in_dim3A_422 = vector.broadcast %jit3A_420 : i32 to vector<16xi32>
    %broadcast_in_dim3A_423 = vector.broadcast %jit3A_421 : i32 to vector<16xi32>
    %select_n3A_424 = arith.select %gt3A_419, %broadcast_in_dim3A_422, %broadcast_in_dim3A_423 : vector<16xi1>, vector<16xi32>
    %add3A_425 = arith.addi %convert_element_type3A_417, %select_n3A_424 : vector<16xi32>
    %max3A_426 = arith.constant 0 : i32
    %max3A_427 = vector.broadcast %max3A_426 : i32 to vector<16xi32>
    %max3A_428 = arith.maxsi %add3A_425, %max3A_427 : vector<16xi32>
    %min3A_429 = arith.constant 7 : i32
    %min3A_430 = vector.broadcast %min3A_429 : i32 to vector<16xi32>
    %min3A_431 = arith.minsi %max3A_428, %min3A_430 : vector<16xi32>
    %get3A_432 = arith.constant 112 : index
    %get3A_433 = tpu.vector_load %arg7[%get3A_432] {strides = array<i32>} : memref<512xf32, #tpu.memory_space<vmem>>, vector<16xf32>,
    %get3A_434 = vector.shape_cast %get3A_433 : vector<16xf32> to vector<16xf32>
    %mul3A_435 = arith.constant 2.000000e+00 : f32
    %mul3A_436 = vector.broadcast %mul3A_435 : f32 to vector<16xf32>
    %mul3A_437 = arith.mulf %get3A_434, %mul3A_436 : vector<16xf32>
    %sub3A_438 = arith.constant 5.000000e-01 : f32
    %sub3A_439 = vector.broadcast %sub3A_438 : f32 to vector<16xf32>
    %sub3A_440 = arith.subf %mul3A_437, %sub3A_439 : vector<16xf32>
    %convert_element_type3A_441 = arith.fptosi %sub3A_440 : vector<16xf32> to vector<16xi32>
    %convert_element_type3A_442 = arith.sitofp %convert_element_type3A_441 : vector<16xi32> to vector<16xf32>
    %gt3A_443 = arith.cmpf ogt, %sub3A_440, %convert_element_type3A_442 : vector<16xf32>
    %jit3A_444 = arith.constant 1 : i32
    %jit3A_445 = arith.constant 0 : i32
    %broadcast_in_dim3A_446 = vector.broadcast %jit3A_444 : i32 to vector<16xi32>
    %broadcast_in_dim3A_447 = vector.broadcast %jit3A_445 : i32 to vector<16xi32>
    %select_n3A_448 = arith.select %gt3A_443, %broadcast_in_dim3A_446, %broadcast_in_dim3A_447 : vector<16xi1>, vector<16xi32>
    %add3A_449 = arith.addi %convert_element_type3A_441, %select_n3A_448 : vector<16xi32>
    %max3A_450 = arith.constant 0 : i32
    %max3A_451 = vector.broadcast %max3A_450 : i32 to vector<16xi32>
    %max3A_452 = arith.maxsi %add3A_449, %max3A_451 : vector<16xi32>
    %min3A_453 = arith.constant 7 : i32
    %min3A_454 = vector.broadcast %min3A_453 : i32 to vector<16xi32>
    %min3A_455 = arith.minsi %max3A_452, %min3A_454 : vector<16xi32>
    %mul3A_456 = arith.constant 8 : i32
    %mul3A_457 = vector.broadcast %mul3A_456 : i32 to vector<16xi32>
    %mul3A_458 = arith.muli %min3A_455, %mul3A_457 : vector<16xi32>
    %add3A_459 = arith.addi %min3A_431, %mul3A_458 : vector<16xi32>
    %swap3A_460 = arith.constant 1 : i32
    %swap3A_461 = arith.index_cast %swap3A_460 : i32 to index
    %swap3A_462 = arith.constant 48 : index
    %swap3A_463 = tpu.vector_load %arg8[%swap3A_461, %swap3A_462] {strides = array<i32>} : memref<8x64xi32, #tpu.memory_space<vmem>>, vector<1x16xi32>,
    %swap3A_464 = vector.shape_cast %swap3A_463 : vector<1x16xi32> to vector<16xi32>
    %swap3A_465 = vector.shape_cast %add3A_459 : vector<16xi32> to vector<1x16xi32>
    tpu.vector_store %arg8[%swap3A_461, %swap3A_462], %swap3A_465 {strides = array<i32>} : memref<8x64xi32, #tpu.memory_space<vmem>>, vector<1x16xi32>,
    %get3A_466 = arith.constant 128 : index
    %get3A_467 = tpu.vector_load %arg6[%get3A_466] {strides = array<i32>} : memref<512xf32, #tpu.memory_space<vmem>>, vector<16xf32>,
    %get3A_468 = vector.shape_cast %get3A_467 : vector<16xf32> to vector<16xf32>
    %mul3A_469 = arith.constant 1.000000e+00 : f32
    %mul3A_470 = vector.broadcast %mul3A_469 : f32 to vector<16xf32>
    %mul3A_471 = arith.mulf %get3A_468, %mul3A_470 : vector<16xf32>
    %sub3A_472 = arith.constant 5.000000e-01 : f32
    %sub3A_473 = vector.broadcast %sub3A_472 : f32 to vector<16xf32>
    %sub3A_474 = arith.subf %mul3A_471, %sub3A_473 : vector<16xf32>
    %convert_element_type3A_475 = arith.fptosi %sub3A_474 : vector<16xf32> to vector<16xi32>
    %convert_element_type3A_476 = arith.sitofp %convert_element_type3A_475 : vector<16xi32> to vector<16xf32>
    %gt3A_477 = arith.cmpf ogt, %sub3A_474, %convert_element_type3A_476 : vector<16xf32>
    %jit3A_478 = arith.constant 1 : i32
    %jit3A_479 = arith.constant 0 : i32
    %broadcast_in_dim3A_480 = vector.broadcast %jit3A_478 : i32 to vector<16xi32>
    %broadcast_in_dim3A_481 = vector.broadcast %jit3A_479 : i32 to vector<16xi32>
    %select_n3A_482 = arith.select %gt3A_477, %broadcast_in_dim3A_480, %broadcast_in_dim3A_481 : vector<16xi1>, vector<16xi32>
    %add3A_483 = arith.addi %convert_element_type3A_475, %select_n3A_482 : vector<16xi32>
    %max3A_484 = arith.constant 0 : i32
    %max3A_485 = vector.broadcast %max3A_484 : i32 to vector<16xi32>
    %max3A_486 = arith.maxsi %add3A_483, %max3A_485 : vector<16xi32>
    %min3A_487 = arith.constant 7 : i32
    %min3A_488 = vector.broadcast %min3A_487 : i32 to vector<16xi32>
    %min3A_489 = arith.minsi %max3A_486, %min3A_488 : vector<16xi32>
    %get3A_490 = arith.constant 128 : index
    %get3A_491 = tpu.vector_load %arg7[%get3A_490] {strides = array<i32>} : memref<512xf32, #tpu.memory_space<vmem>>, vector<16xf32>,
    %get3A_492 = vector.shape_cast %get3A_491 : vector<16xf32> to vector<16xf32>
    %mul3A_493 = arith.constant 2.000000e+00 : f32
    %mul3A_494 = vector.broadcast %mul3A_493 : f32 to vector<16xf32>
    %mul3A_495 = arith.mulf %get3A_492, %mul3A_494 : vector<16xf32>
    %sub3A_496 = arith.constant 5.000000e-01 : f32
    %sub3A_497 = vector.broadcast %sub3A_496 : f32 to vector<16xf32>
    %sub3A_498 = arith.subf %mul3A_495, %sub3A_497 : vector<16xf32>
    %convert_element_type3A_499 = arith.fptosi %sub3A_498 : vector<16xf32> to vector<16xi32>
    %convert_element_type3A_500 = arith.sitofp %convert_element_type3A_499 : vector<16xi32> to vector<16xf32>
    %gt3A_501 = arith.cmpf ogt, %sub3A_498, %convert_element_type3A_500 : vector<16xf32>
    %jit3A_502 = arith.constant 1 : i32
    %jit3A_503 = arith.constant 0 : i32
    %broadcast_in_dim3A_504 = vector.broadcast %jit3A_502 : i32 to vector<16xi32>
    %broadcast_in_dim3A_505 = vector.broadcast %jit3A_503 : i32 to vector<16xi32>
    %select_n3A_506 = arith.select %gt3A_501, %broadcast_in_dim3A_504, %broadcast_in_dim3A_505 : vector<16xi1>, vector<16xi32>
    %add3A_507 = arith.addi %convert_element_type3A_499, %select_n3A_506 : vector<16xi32>
    %max3A_508 = arith.constant 0 : i32
    %max3A_509 = vector.broadcast %max3A_508 : i32 to vector<16xi32>
    %max3A_510 = arith.maxsi %add3A_507, %max3A_509 : vector<16xi32>
    %min3A_511 = arith.constant 7 : i32
    %min3A_512 = vector.broadcast %min3A_511 : i32 to vector<16xi32>
    %min3A_513 = arith.minsi %max3A_510, %min3A_512 : vector<16xi32>
    %mul3A_514 = arith.constant 8 : i32
    %mul3A_515 = vector.broadcast %mul3A_514 : i32 to vector<16xi32>
    %mul3A_516 = arith.muli %min3A_513, %mul3A_515 : vector<16xi32>
    %add3A_517 = arith.addi %min3A_489, %mul3A_516 : vector<16xi32>
    %swap3A_518 = arith.constant 2 : i32
    %swap3A_519 = arith.index_cast %swap3A_518 : i32 to index
    %swap3A_520 = arith.constant 0 : index
    %swap3A_521 = tpu.vector_load %arg8[%swap3A_519, %swap3A_520] {strides = array<i32>} : memref<8x64xi32, #tpu.memory_space<vmem>>, vector<1x16xi32>,
    %swap3A_522 = vector.shape_cast %swap3A_521 : vector<1x16xi32> to vector<16xi32>
    %swap3A_523 = vector.shape_cast %add3A_517 : vector<16xi32> to vector<1x16xi32>
    tpu.vector_store %arg8[%swap3A_519, %swap3A_520], %swap3A_523 {strides = array<i32>} : memref<8x64xi32, #tpu.memory_space<vmem>>, vector<1x16xi32>,
    %get3A_524 = arith.constant 144 : index
    %get3A_525 = tpu.vector_load %arg6[%get3A_524] {strides = array<i32>} : memref<512xf32, #tpu.memory_space<vmem>>, vector<16xf32>,
    %get3A_526 = vector.shape_cast %get3A_525 : vector<16xf32> to vector<16xf32>
    %mul3A_527 = arith.constant 1.000000e+00 : f32
    %mul3A_528 = vector.broadcast %mul3A_527 : f32 to vector<16xf32>
    %mul3A_529 = arith.mulf %get3A_526, %mul3A_528 : vector<16xf32>
    %sub3A_530 = arith.constant 5.000000e-01 : f32
    %sub3A_531 = vector.broadcast %sub3A_530 : f32 to vector<16xf32>
    %sub3A_532 = arith.subf %mul3A_529, %sub3A_531 : vector<16xf32>
    %convert_element_type3A_533 = arith.fptosi %sub3A_532 : vector<16xf32> to vector<16xi32>
    %convert_element_type3A_534 = arith.sitofp %convert_element_type3A_533 : vector<16xi32> to vector<16xf32>
    %gt3A_535 = arith.cmpf ogt, %sub3A_532, %convert_element_type3A_534 : vector<16xf32>
    %jit3A_536 = arith.constant 1 : i32
    %jit3A_537 = arith.constant 0 : i32
    %broadcast_in_dim3A_538 = vector.broadcast %jit3A_536 : i32 to vector<16xi32>
    %broadcast_in_dim3A_539 = vector.broadcast %jit3A_537 : i32 to vector<16xi32>
    %select_n3A_540 = arith.select %gt3A_535, %broadcast_in_dim3A_538, %broadcast_in_dim3A_539 : vector<16xi1>, vector<16xi32>
    %add3A_541 = arith.addi %convert_element_type3A_533, %select_n3A_540 : vector<16xi32>
    %max3A_542 = arith.constant 0 : i32
    %max3A_543 = vector.broadcast %max3A_542 : i32 to vector<16xi32>
    %max3A_544 = arith.maxsi %add3A_541, %max3A_543 : vector<16xi32>
    %min3A_545 = arith.constant 7 : i32
    %min3A_546 = vector.broadcast %min3A_545 : i32 to vector<16xi32>
    %min3A_547 = arith.minsi %max3A_544, %min3A_546 : vector<16xi32>
    %get3A_548 = arith.constant 144 : index
    %get3A_549 = tpu.vector_load %arg7[%get3A_548] {strides = array<i32>} : memref<512xf32, #tpu.memory_space<vmem>>, vector<16xf32>,
    %get3A_550 = vector.shape_cast %get3A_549 : vector<16xf32> to vector<16xf32>
    %mul3A_551 = arith.constant 2.000000e+00 : f32
    %mul3A_552 = vector.broadcast %mul3A_551 : f32 to vector<16xf32>
    %mul3A_553 = arith.mulf %get3A_550, %mul3A_552 : vector<16xf32>
    %sub3A_554 = arith.constant 5.000000e-01 : f32
    %sub3A_555 = vector.broadcast %sub3A_554 : f32 to vector<16xf32>
    %sub3A_556 = arith.subf %mul3A_553, %sub3A_555 : vector<16xf32>
    %convert_element_type3A_557 = arith.fptosi %sub3A_556 : vector<16xf32> to vector<16xi32>
    %convert_element_type3A_558 = arith.sitofp %convert_element_type3A_557 : vector<16xi32> to vector<16xf32>
    %gt3A_559 = arith.cmpf ogt, %sub3A_556, %convert_element_type3A_558 : vector<16xf32>
    %jit3A_560 = arith.constant 1 : i32
    %jit3A_561 = arith.constant 0 : i32
    %broadcast_in_dim3A_562 = vector.broadcast %jit3A_560 : i32 to vector<16xi32>
    %broadcast_in_dim3A_563 = vector.broadcast %jit3A_561 : i32 to vector<16xi32>
    %select_n3A_564 = arith.select %gt3A_559, %broadcast_in_dim3A_562, %broadcast_in_dim3A_563 : vector<16xi1>, vector<16xi32>
    %add3A_565 = arith.addi %convert_element_type3A_557, %select_n3A_564 : vector<16xi32>
    %max3A_566 = arith.constant 0 : i32
    %max3A_567 = vector.broadcast %max3A_566 : i32 to vector<16xi32>
    %max3A_568 = arith.maxsi %add3A_565, %max3A_567 : vector<16xi32>
    %min3A_569 = arith.constant 7 : i32
    %min3A_570 = vector.broadcast %min3A_569 : i32 to vector<16xi32>
    %min3A_571 = arith.minsi %max3A_568, %min3A_570 : vector<16xi32>
    %mul3A_572 = arith.constant 8 : i32
    %mul3A_573 = vector.broadcast %mul3A_572 : i32 to vector<16xi32>
    %mul3A_574 = arith.muli %min3A_571, %mul3A_573 : vector<16xi32>
    %add3A_575 = arith.addi %min3A_547, %mul3A_574 : vector<16xi32>
    %swap3A_576 = arith.constant 2 : i32
    %swap3A_577 = arith.index_cast %swap3A_576 : i32 to index
    %swap3A_578 = arith.constant 16 : index
    %swap3A_579 = tpu.vector_load %arg8[%swap3A_577, %swap3A_578] {strides = array<i32>} : memref<8x64xi32, #tpu.memory_space<vmem>>, vector<1x16xi32>,
    %swap3A_580 = vector.shape_cast %swap3A_579 : vector<1x16xi32> to vector<16xi32>
    %swap3A_581 = vector.shape_cast %add3A_575 : vector<16xi32> to vector<1x16xi32>
    tpu.vector_store %arg8[%swap3A_577, %swap3A_578], %swap3A_581 {strides = array<i32>} : memref<8x64xi32, #tpu.memory_space<vmem>>, vector<1x16xi32>,
    %get3A_582 = arith.constant 160 : index
    %get3A_583 = tpu.vector_load %arg6[%get3A_582] {strides = array<i32>} : memref<512xf32, #tpu.memory_space<vmem>>, vector<16xf32>,
    %get3A_584 = vector.shape_cast %get3A_583 : vector<16xf32> to vector<16xf32>
    %mul3A_585 = arith.constant 1.000000e+00 : f32
    %mul3A_586 = vector.broadcast %mul3A_585 : f32 to vector<16xf32>
    %mul3A_587 = arith.mulf %get3A_584, %mul3A_586 : vector<16xf32>
    %sub3A_588 = arith.constant 5.000000e-01 : f32
    %sub3A_589 = vector.broadcast %sub3A_588 : f32 to vector<16xf32>
    %sub3A_590 = arith.subf %mul3A_587, %sub3A_589 : vector<16xf32>
    %convert_element_type3A_591 = arith.fptosi %sub3A_590 : vector<16xf32> to vector<16xi32>
    %convert_element_type3A_592 = arith.sitofp %convert_element_type3A_591 : vector<16xi32> to vector<16xf32>
    %gt3A_593 = arith.cmpf ogt, %sub3A_590, %convert_element_type3A_592 : vector<16xf32>
    %jit3A_594 = arith.constant 1 : i32
    %jit3A_595 = arith.constant 0 : i32
    %broadcast_in_dim3A_596 = vector.broadcast %jit3A_594 : i32 to vector<16xi32>
    %broadcast_in_dim3A_597 = vector.broadcast %jit3A_595 : i32 to vector<16xi32>
    %select_n3A_598 = arith.select %gt3A_593, %broadcast_in_dim3A_596, %broadcast_in_dim3A_597 : vector<16xi1>, vector<16xi32>
    %add3A_599 = arith.addi %convert_element_type3A_591, %select_n3A_598 : vector<16xi32>
    %max3A_600 = arith.constant 0 : i32
    %max3A_601 = vector.broadcast %max3A_600 : i32 to vector<16xi32>
    %max3A_602 = arith.maxsi %add3A_599, %max3A_601 : vector<16xi32>
    %min3A_603 = arith.constant 7 : i32
    %min3A_604 = vector.broadcast %min3A_603 : i32 to vector<16xi32>
    %min3A_605 = arith.minsi %max3A_602, %min3A_604 : vector<16xi32>
    %get3A_606 = arith.constant 160 : index
    %get3A_607 = tpu.vector_load %arg7[%get3A_606] {strides = array<i32>} : memref<512xf32, #tpu.memory_space<vmem>>, vector<16xf32>,
    %get3A_608 = vector.shape_cast %get3A_607 : vector<16xf32> to vector<16xf32>
    %mul3A_609 = arith.constant 2.000000e+00 : f32
    %mul3A_610 = vector.broadcast %mul3A_609 : f32 to vector<16xf32>
    %mul3A_611 = arith.mulf %get3A_608, %mul3A_610 : vector<16xf32>
    %sub3A_612 = arith.constant 5.000000e-01 : f32
    %sub3A_613 = vector.broadcast %sub3A_612 : f32 to vector<16xf32>
    %sub3A_614 = arith.subf %mul3A_611, %sub3A_613 : vector<16xf32>
    %convert_element_type3A_615 = arith.fptosi %sub3A_614 : vector<16xf32> to vector<16xi32>
    %convert_element_type3A_616 = arith.sitofp %convert_element_type3A_615 : vector<16xi32> to vector<16xf32>
    %gt3A_617 = arith.cmpf ogt, %sub3A_614, %convert_element_type3A_616 : vector<16xf32>
    %jit3A_618 = arith.constant 1 : i32
    %jit3A_619 = arith.constant 0 : i32
    %broadcast_in_dim3A_620 = vector.broadcast %jit3A_618 : i32 to vector<16xi32>
    %broadcast_in_dim3A_621 = vector.broadcast %jit3A_619 : i32 to vector<16xi32>
    %select_n3A_622 = arith.select %gt3A_617, %broadcast_in_dim3A_620, %broadcast_in_dim3A_621 : vector<16xi1>, vector<16xi32>
    %add3A_623 = arith.addi %convert_element_type3A_615, %select_n3A_622 : vector<16xi32>
    %max3A_624 = arith.constant 0 : i32
    %max3A_625 = vector.broadcast %max3A_624 : i32 to vector<16xi32>
    %max3A_626 = arith.maxsi %add3A_623, %max3A_625 : vector<16xi32>
    %min3A_627 = arith.constant 7 : i32
    %min3A_628 = vector.broadcast %min3A_627 : i32 to vector<16xi32>
    %min3A_629 = arith.minsi %max3A_626, %min3A_628 : vector<16xi32>
    %mul3A_630 = arith.constant 8 : i32
    %mul3A_631 = vector.broadcast %mul3A_630 : i32 to vector<16xi32>
    %mul3A_632 = arith.muli %min3A_629, %mul3A_631 : vector<16xi32>
    %add3A_633 = arith.addi %min3A_605, %mul3A_632 : vector<16xi32>
    %swap3A_634 = arith.constant 2 : i32
    %swap3A_635 = arith.index_cast %swap3A_634 : i32 to index
    %swap3A_636 = arith.constant 32 : index
    %swap3A_637 = tpu.vector_load %arg8[%swap3A_635, %swap3A_636] {strides = array<i32>} : memref<8x64xi32, #tpu.memory_space<vmem>>, vector<1x16xi32>,
    %swap3A_638 = vector.shape_cast %swap3A_637 : vector<1x16xi32> to vector<16xi32>
    %swap3A_639 = vector.shape_cast %add3A_633 : vector<16xi32> to vector<1x16xi32>
    tpu.vector_store %arg8[%swap3A_635, %swap3A_636], %swap3A_639 {strides = array<i32>} : memref<8x64xi32, #tpu.memory_space<vmem>>, vector<1x16xi32>,
    %get3A_640 = arith.constant 176 : index
    %get3A_641 = tpu.vector_load %arg6[%get3A_640] {strides = array<i32>} : memref<512xf32, #tpu.memory_space<vmem>>, vector<16xf32>,
    %get3A_642 = vector.shape_cast %get3A_641 : vector<16xf32> to vector<16xf32>
    %mul3A_643 = arith.constant 1.000000e+00 : f32
    %mul3A_644 = vector.broadcast %mul3A_643 : f32 to vector<16xf32>
    %mul3A_645 = arith.mulf %get3A_642, %mul3A_644 : vector<16xf32>
    %sub3A_646 = arith.constant 5.000000e-01 : f32
    %sub3A_647 = vector.broadcast %sub3A_646 : f32 to vector<16xf32>
    %sub3A_648 = arith.subf %mul3A_645, %sub3A_647 : vector<16xf32>
    %convert_element_type3A_649 = arith.fptosi %sub3A_648 : vector<16xf32> to vector<16xi32>
    %convert_element_type3A_650 = arith.sitofp %convert_element_type3A_649 : vector<16xi32> to vector<16xf32>
    %gt3A_651 = arith.cmpf ogt, %sub3A_648, %convert_element_type3A_650 : vector<16xf32>
    %jit3A_652 = arith.constant 1 : i32
    %jit3A_653 = arith.constant 0 : i32
    %broadcast_in_dim3A_654 = vector.broadcast %jit3A_652 : i32 to vector<16xi32>
    %broadcast_in_dim3A_655 = vector.broadcast %jit3A_653 : i32 to vector<16xi32>
    %select_n3A_656 = arith.select %gt3A_651, %broadcast_in_dim3A_654, %broadcast_in_dim3A_655 : vector<16xi1>, vector<16xi32>
    %add3A_657 = arith.addi %convert_element_type3A_649, %select_n3A_656 : vector<16xi32>
    %max3A_658 = arith.constant 0 : i32
    %max3A_659 = vector.broadcast %max3A_658 : i32 to vector<16xi32>
    %max3A_660 = arith.maxsi %add3A_657, %max3A_659 : vector<16xi32>
    %min3A_661 = arith.constant 7 : i32
    %min3A_662 = vector.broadcast %min3A_661 : i32 to vector<16xi32>
    %min3A_663 = arith.minsi %max3A_660, %min3A_662 : vector<16xi32>
    %get3A_664 = arith.constant 176 : index
    %get3A_665 = tpu.vector_load %arg7[%get3A_664] {strides = array<i32>} : memref<512xf32, #tpu.memory_space<vmem>>, vector<16xf32>,
    %get3A_666 = vector.shape_cast %get3A_665 : vector<16xf32> to vector<16xf32>
    %mul3A_667 = arith.constant 2.000000e+00 : f32
    %mul3A_668 = vector.broadcast %mul3A_667 : f32 to vector<16xf32>
    %mul3A_669 = arith.mulf %get3A_666, %mul3A_668 : vector<16xf32>
    %sub3A_670 = arith.constant 5.000000e-01 : f32
    %sub3A_671 = vector.broadcast %sub3A_670 : f32 to vector<16xf32>
    %sub3A_672 = arith.subf %mul3A_669, %sub3A_671 : vector<16xf32>
    %convert_element_type3A_673 = arith.fptosi %sub3A_672 : vector<16xf32> to vector<16xi32>
    %convert_element_type3A_674 = arith.sitofp %convert_element_type3A_673 : vector<16xi32> to vector<16xf32>
    %gt3A_675 = arith.cmpf ogt, %sub3A_672, %convert_element_type3A_674 : vector<16xf32>
    %jit3A_676 = arith.constant 1 : i32
    %jit3A_677 = arith.constant 0 : i32
    %broadcast_in_dim3A_678 = vector.broadcast %jit3A_676 : i32 to vector<16xi32>
    %broadcast_in_dim3A_679 = vector.broadcast %jit3A_677 : i32 to vector<16xi32>
    %select_n3A_680 = arith.select %gt3A_675, %broadcast_in_dim3A_678, %broadcast_in_dim3A_679 : vector<16xi1>, vector<16xi32>
    %add3A_681 = arith.addi %convert_element_type3A_673, %select_n3A_680 : vector<16xi32>
    %max3A_682 = arith.constant 0 : i32
    %max3A_683 = vector.broadcast %max3A_682 : i32 to vector<16xi32>
    %max3A_684 = arith.maxsi %add3A_681, %max3A_683 : vector<16xi32>
    %min3A_685 = arith.constant 7 : i32
    %min3A_686 = vector.broadcast %min3A_685 : i32 to vector<16xi32>
    %min3A_687 = arith.minsi %max3A_684, %min3A_686 : vector<16xi32>
    %mul3A_688 = arith.constant 8 : i32
    %mul3A_689 = vector.broadcast %mul3A_688 : i32 to vector<16xi32>
    %mul3A_690 = arith.muli %min3A_687, %mul3A_689 : vector<16xi32>
    %add3A_691 = arith.addi %min3A_663, %mul3A_690 : vector<16xi32>
    %swap3A_692 = arith.constant 2 : i32
    %swap3A_693 = arith.index_cast %swap3A_692 : i32 to index
    %swap3A_694 = arith.constant 48 : index
    %swap3A_695 = tpu.vector_load %arg8[%swap3A_693, %swap3A_694] {strides = array<i32>} : memref<8x64xi32, #tpu.memory_space<vmem>>, vector<1x16xi32>,
    %swap3A_696 = vector.shape_cast %swap3A_695 : vector<1x16xi32> to vector<16xi32>
    %swap3A_697 = vector.shape_cast %add3A_691 : vector<16xi32> to vector<1x16xi32>
    tpu.vector_store %arg8[%swap3A_693, %swap3A_694], %swap3A_697 {strides = array<i32>} : memref<8x64xi32, #tpu.memory_space<vmem>>, vector<1x16xi32>,
    %get3A_698 = arith.constant 192 : index
    %get3A_699 = tpu.vector_load %arg6[%get3A_698] {strides = array<i32>} : memref<512xf32, #tpu.memory_space<vmem>>, vector<16xf32>,
    %get3A_700 = vector.shape_cast %get3A_699 : vector<16xf32> to vector<16xf32>
    %mul3A_701 = arith.constant 1.000000e+00 : f32
    %mul3A_702 = vector.broadcast %mul3A_701 : f32 to vector<16xf32>
    %mul3A_703 = arith.mulf %get3A_700, %mul3A_702 : vector<16xf32>
    %sub3A_704 = arith.constant 5.000000e-01 : f32
    %sub3A_705 = vector.broadcast %sub3A_704 : f32 to vector<16xf32>
    %sub3A_706 = arith.subf %mul3A_703, %sub3A_705 : vector<16xf32>
    %convert_element_type3A_707 = arith.fptosi %sub3A_706 : vector<16xf32> to vector<16xi32>
    %convert_element_type3A_708 = arith.sitofp %convert_element_type3A_707 : vector<16xi32> to vector<16xf32>
    %gt3A_709 = arith.cmpf ogt, %sub3A_706, %convert_element_type3A_708 : vector<16xf32>
    %jit3A_710 = arith.constant 1 : i32
    %jit3A_711 = arith.constant 0 : i32
    %broadcast_in_dim3A_712 = vector.broadcast %jit3A_710 : i32 to vector<16xi32>
    %broadcast_in_dim3A_713 = vector.broadcast %jit3A_711 : i32 to vector<16xi32>
    %select_n3A_714 = arith.select %gt3A_709, %broadcast_in_dim3A_712, %broadcast_in_dim3A_713 : vector<16xi1>, vector<16xi32>
    %add3A_715 = arith.addi %convert_element_type3A_707, %select_n3A_714 : vector<16xi32>
    %max3A_716 = arith.constant 0 : i32
    %max3A_717 = vector.broadcast %max3A_716 : i32 to vector<16xi32>
    %max3A_718 = arith.maxsi %add3A_715, %max3A_717 : vector<16xi32>
    %min3A_719 = arith.constant 7 : i32
    %min3A_720 = vector.broadcast %min3A_719 : i32 to vector<16xi32>
    %min3A_721 = arith.minsi %max3A_718, %min3A_720 : vector<16xi32>
    %get3A_722 = arith.constant 192 : index
    %get3A_723 = tpu.vector_load %arg7[%get3A_722] {strides = array<i32>} : memref<512xf32, #tpu.memory_space<vmem>>, vector<16xf32>,
    %get3A_724 = vector.shape_cast %get3A_723 : vector<16xf32> to vector<16xf32>
    %mul3A_725 = arith.constant 2.000000e+00 : f32
    %mul3A_726 = vector.broadcast %mul3A_725 : f32 to vector<16xf32>
    %mul3A_727 = arith.mulf %get3A_724, %mul3A_726 : vector<16xf32>
    %sub3A_728 = arith.constant 5.000000e-01 : f32
    %sub3A_729 = vector.broadcast %sub3A_728 : f32 to vector<16xf32>
    %sub3A_730 = arith.subf %mul3A_727, %sub3A_729 : vector<16xf32>
    %convert_element_type3A_731 = arith.fptosi %sub3A_730 : vector<16xf32> to vector<16xi32>
    %convert_element_type3A_732 = arith.sitofp %convert_element_type3A_731 : vector<16xi32> to vector<16xf32>
    %gt3A_733 = arith.cmpf ogt, %sub3A_730, %convert_element_type3A_732 : vector<16xf32>
    %jit3A_734 = arith.constant 1 : i32
    %jit3A_735 = arith.constant 0 : i32
    %broadcast_in_dim3A_736 = vector.broadcast %jit3A_734 : i32 to vector<16xi32>
    %broadcast_in_dim3A_737 = vector.broadcast %jit3A_735 : i32 to vector<16xi32>
    %select_n3A_738 = arith.select %gt3A_733, %broadcast_in_dim3A_736, %broadcast_in_dim3A_737 : vector<16xi1>, vector<16xi32>
    %add3A_739 = arith.addi %convert_element_type3A_731, %select_n3A_738 : vector<16xi32>
    %max3A_740 = arith.constant 0 : i32
    %max3A_741 = vector.broadcast %max3A_740 : i32 to vector<16xi32>
    %max3A_742 = arith.maxsi %add3A_739, %max3A_741 : vector<16xi32>
    %min3A_743 = arith.constant 7 : i32
    %min3A_744 = vector.broadcast %min3A_743 : i32 to vector<16xi32>
    %min3A_745 = arith.minsi %max3A_742, %min3A_744 : vector<16xi32>
    %mul3A_746 = arith.constant 8 : i32
    %mul3A_747 = vector.broadcast %mul3A_746 : i32 to vector<16xi32>
    %mul3A_748 = arith.muli %min3A_745, %mul3A_747 : vector<16xi32>
    %add3A_749 = arith.addi %min3A_721, %mul3A_748 : vector<16xi32>
    %swap3A_750 = arith.constant 3 : i32
    %swap3A_751 = arith.index_cast %swap3A_750 : i32 to index
    %swap3A_752 = arith.constant 0 : index
    %swap3A_753 = tpu.vector_load %arg8[%swap3A_751, %swap3A_752] {strides = array<i32>} : memref<8x64xi32, #tpu.memory_space<vmem>>, vector<1x16xi32>,
    %swap3A_754 = vector.shape_cast %swap3A_753 : vector<1x16xi32> to vector<16xi32>
    %swap3A_755 = vector.shape_cast %add3A_749 : vector<16xi32> to vector<1x16xi32>
    tpu.vector_store %arg8[%swap3A_751, %swap3A_752], %swap3A_755 {strides = array<i32>} : memref<8x64xi32, #tpu.memory_space<vmem>>, vector<1x16xi32>,
    %get3A_756 = arith.constant 208 : index
    %get3A_757 = tpu.vector_load %arg6[%get3A_756] {strides = array<i32>} : memref<512xf32, #tpu.memory_space<vmem>>, vector<16xf32>,
    %get3A_758 = vector.shape_cast %get3A_757 : vector<16xf32> to vector<16xf32>
    %mul3A_759 = arith.constant 1.000000e+00 : f32
    %mul3A_760 = vector.broadcast %mul3A_759 : f32 to vector<16xf32>
    %mul3A_761 = arith.mulf %get3A_758, %mul3A_760 : vector<16xf32>
    %sub3A_762 = arith.constant 5.000000e-01 : f32
    %sub3A_763 = vector.broadcast %sub3A_762 : f32 to vector<16xf32>
    %sub3A_764 = arith.subf %mul3A_761, %sub3A_763 : vector<16xf32>
    %convert_element_type3A_765 = arith.fptosi %sub3A_764 : vector<16xf32> to vector<16xi32>
    %convert_element_type3A_766 = arith.sitofp %convert_element_type3A_765 : vector<16xi32> to vector<16xf32>
    %gt3A_767 = arith.cmpf ogt, %sub3A_764, %convert_element_type3A_766 : vector<16xf32>
    %jit3A_768 = arith.constant 1 : i32
    %jit3A_769 = arith.constant 0 : i32
    %broadcast_in_dim3A_770 = vector.broadcast %jit3A_768 : i32 to vector<16xi32>
    %broadcast_in_dim3A_771 = vector.broadcast %jit3A_769 : i32 to vector<16xi32>
    %select_n3A_772 = arith.select %gt3A_767, %broadcast_in_dim3A_770, %broadcast_in_dim3A_771 : vector<16xi1>, vector<16xi32>
    %add3A_773 = arith.addi %convert_element_type3A_765, %select_n3A_772 : vector<16xi32>
    %max3A_774 = arith.constant 0 : i32
    %max3A_775 = vector.broadcast %max3A_774 : i32 to vector<16xi32>
    %max3A_776 = arith.maxsi %add3A_773, %max3A_775 : vector<16xi32>
    %min3A_777 = arith.constant 7 : i32
    %min3A_778 = vector.broadcast %min3A_777 : i32 to vector<16xi32>
    %min3A_779 = arith.minsi %max3A_776, %min3A_778 : vector<16xi32>
    %get3A_780 = arith.constant 208 : index
    %get3A_781 = tpu.vector_load %arg7[%get3A_780] {strides = array<i32>} : memref<512xf32, #tpu.memory_space<vmem>>, vector<16xf32>,
    %get3A_782 = vector.shape_cast %get3A_781 : vector<16xf32> to vector<16xf32>
    %mul3A_783 = arith.constant 2.000000e+00 : f32
    %mul3A_784 = vector.broadcast %mul3A_783 : f32 to vector<16xf32>
    %mul3A_785 = arith.mulf %get3A_782, %mul3A_784 : vector<16xf32>
    %sub3A_786 = arith.constant 5.000000e-01 : f32
    %sub3A_787 = vector.broadcast %sub3A_786 : f32 to vector<16xf32>
    %sub3A_788 = arith.subf %mul3A_785, %sub3A_787 : vector<16xf32>
    %convert_element_type3A_789 = arith.fptosi %sub3A_788 : vector<16xf32> to vector<16xi32>
    %convert_element_type3A_790 = arith.sitofp %convert_element_type3A_789 : vector<16xi32> to vector<16xf32>
    %gt3A_791 = arith.cmpf ogt, %sub3A_788, %convert_element_type3A_790 : vector<16xf32>
    %jit3A_792 = arith.constant 1 : i32
    %jit3A_793 = arith.constant 0 : i32
    %broadcast_in_dim3A_794 = vector.broadcast %jit3A_792 : i32 to vector<16xi32>
    %broadcast_in_dim3A_795 = vector.broadcast %jit3A_793 : i32 to vector<16xi32>
    %select_n3A_796 = arith.select %gt3A_791, %broadcast_in_dim3A_794, %broadcast_in_dim3A_795 : vector<16xi1>, vector<16xi32>
    %add3A_797 = arith.addi %convert_element_type3A_789, %select_n3A_796 : vector<16xi32>
    %max3A_798 = arith.constant 0 : i32
    %max3A_799 = vector.broadcast %max3A_798 : i32 to vector<16xi32>
    %max3A_800 = arith.maxsi %add3A_797, %max3A_799 : vector<16xi32>
    %min3A_801 = arith.constant 7 : i32
    %min3A_802 = vector.broadcast %min3A_801 : i32 to vector<16xi32>
    %min3A_803 = arith.minsi %max3A_800, %min3A_802 : vector<16xi32>
    %mul3A_804 = arith.constant 8 : i32
    %mul3A_805 = vector.broadcast %mul3A_804 : i32 to vector<16xi32>
    %mul3A_806 = arith.muli %min3A_803, %mul3A_805 : vector<16xi32>
    %add3A_807 = arith.addi %min3A_779, %mul3A_806 : vector<16xi32>
    %swap3A_808 = arith.constant 3 : i32
    %swap3A_809 = arith.index_cast %swap3A_808 : i32 to index
    %swap3A_810 = arith.constant 16 : index
    %swap3A_811 = tpu.vector_load %arg8[%swap3A_809, %swap3A_810] {strides = array<i32>} : memref<8x64xi32, #tpu.memory_space<vmem>>, vector<1x16xi32>,
    %swap3A_812 = vector.shape_cast %swap3A_811 : vector<1x16xi32> to vector<16xi32>
    %swap3A_813 = vector.shape_cast %add3A_807 : vector<16xi32> to vector<1x16xi32>
    tpu.vector_store %arg8[%swap3A_809, %swap3A_810], %swap3A_813 {strides = array<i32>} : memref<8x64xi32, #tpu.memory_space<vmem>>, vector<1x16xi32>,
    %get3A_814 = arith.constant 224 : index
    %get3A_815 = tpu.vector_load %arg6[%get3A_814] {strides = array<i32>} : memref<512xf32, #tpu.memory_space<vmem>>, vector<16xf32>,
    %get3A_816 = vector.shape_cast %get3A_815 : vector<16xf32> to vector<16xf32>
    %mul3A_817 = arith.constant 1.000000e+00 : f32
    %mul3A_818 = vector.broadcast %mul3A_817 : f32 to vector<16xf32>
    %mul3A_819 = arith.mulf %get3A_816, %mul3A_818 : vector<16xf32>
    %sub3A_820 = arith.constant 5.000000e-01 : f32
    %sub3A_821 = vector.broadcast %sub3A_820 : f32 to vector<16xf32>
    %sub3A_822 = arith.subf %mul3A_819, %sub3A_821 : vector<16xf32>
    %convert_element_type3A_823 = arith.fptosi %sub3A_822 : vector<16xf32> to vector<16xi32>
    %convert_element_type3A_824 = arith.sitofp %convert_element_type3A_823 : vector<16xi32> to vector<16xf32>
    %gt3A_825 = arith.cmpf ogt, %sub3A_822, %convert_element_type3A_824 : vector<16xf32>
    %jit3A_826 = arith.constant 1 : i32
    %jit3A_827 = arith.constant 0 : i32
    %broadcast_in_dim3A_828 = vector.broadcast %jit3A_826 : i32 to vector<16xi32>
    %broadcast_in_dim3A_829 = vector.broadcast %jit3A_827 : i32 to vector<16xi32>
    %select_n3A_830 = arith.select %gt3A_825, %broadcast_in_dim3A_828, %broadcast_in_dim3A_829 : vector<16xi1>, vector<16xi32>
    %add3A_831 = arith.addi %convert_element_type3A_823, %select_n3A_830 : vector<16xi32>
    %max3A_832 = arith.constant 0 : i32
    %max3A_833 = vector.broadcast %max3A_832 : i32 to vector<16xi32>
    %max3A_834 = arith.maxsi %add3A_831, %max3A_833 : vector<16xi32>
    %min3A_835 = arith.constant 7 : i32
    %min3A_836 = vector.broadcast %min3A_835 : i32 to vector<16xi32>
    %min3A_837 = arith.minsi %max3A_834, %min3A_836 : vector<16xi32>
    %get3A_838 = arith.constant 224 : index
    %get3A_839 = tpu.vector_load %arg7[%get3A_838] {strides = array<i32>} : memref<512xf32, #tpu.memory_space<vmem>>, vector<16xf32>,
    %get3A_840 = vector.shape_cast %get3A_839 : vector<16xf32> to vector<16xf32>
    %mul3A_841 = arith.constant 2.000000e+00 : f32
    %mul3A_842 = vector.broadcast %mul3A_841 : f32 to vector<16xf32>
    %mul3A_843 = arith.mulf %get3A_840, %mul3A_842 : vector<16xf32>
    %sub3A_844 = arith.constant 5.000000e-01 : f32
    %sub3A_845 = vector.broadcast %sub3A_844 : f32 to vector<16xf32>
    %sub3A_846 = arith.subf %mul3A_843, %sub3A_845 : vector<16xf32>
    %convert_element_type3A_847 = arith.fptosi %sub3A_846 : vector<16xf32> to vector<16xi32>
    %convert_element_type3A_848 = arith.sitofp %convert_element_type3A_847 : vector<16xi32> to vector<16xf32>
    %gt3A_849 = arith.cmpf ogt, %sub3A_846, %convert_element_type3A_848 : vector<16xf32>
    %jit3A_850 = arith.constant 1 : i32
    %jit3A_851 = arith.constant 0 : i32
    %broadcast_in_dim3A_852 = vector.broadcast %jit3A_850 : i32 to vector<16xi32>
    %broadcast_in_dim3A_853 = vector.broadcast %jit3A_851 : i32 to vector<16xi32>
    %select_n3A_854 = arith.select %gt3A_849, %broadcast_in_dim3A_852, %broadcast_in_dim3A_853 : vector<16xi1>, vector<16xi32>
    %add3A_855 = arith.addi %convert_element_type3A_847, %select_n3A_854 : vector<16xi32>
    %max3A_856 = arith.constant 0 : i32
    %max3A_857 = vector.broadcast %max3A_856 : i32 to vector<16xi32>
    %max3A_858 = arith.maxsi %add3A_855, %max3A_857 : vector<16xi32>
    %min3A_859 = arith.constant 7 : i32
    %min3A_860 = vector.broadcast %min3A_859 : i32 to vector<16xi32>
    %min3A_861 = arith.minsi %max3A_858, %min3A_860 : vector<16xi32>
    %mul3A_862 = arith.constant 8 : i32
    %mul3A_863 = vector.broadcast %mul3A_862 : i32 to vector<16xi32>
    %mul3A_864 = arith.muli %min3A_861, %mul3A_863 : vector<16xi32>
    %add3A_865 = arith.addi %min3A_837, %mul3A_864 : vector<16xi32>
    %swap3A_866 = arith.constant 3 : i32
    %swap3A_867 = arith.index_cast %swap3A_866 : i32 to index
    %swap3A_868 = arith.constant 32 : index
    %swap3A_869 = tpu.vector_load %arg8[%swap3A_867, %swap3A_868] {strides = array<i32>} : memref<8x64xi32, #tpu.memory_space<vmem>>, vector<1x16xi32>,
    %swap3A_870 = vector.shape_cast %swap3A_869 : vector<1x16xi32> to vector<16xi32>
    %swap3A_871 = vector.shape_cast %add3A_865 : vector<16xi32> to vector<1x16xi32>
    tpu.vector_store %arg8[%swap3A_867, %swap3A_868], %swap3A_871 {strides = array<i32>} : memref<8x64xi32, #tpu.memory_space<vmem>>, vector<1x16xi32>,
    %get3A_872 = arith.constant 240 : index
    %get3A_873 = tpu.vector_load %arg6[%get3A_872] {strides = array<i32>} : memref<512xf32, #tpu.memory_space<vmem>>, vector<16xf32>,
    %get3A_874 = vector.shape_cast %get3A_873 : vector<16xf32> to vector<16xf32>
    %mul3A_875 = arith.constant 1.000000e+00 : f32
    %mul3A_876 = vector.broadcast %mul3A_875 : f32 to vector<16xf32>
    %mul3A_877 = arith.mulf %get3A_874, %mul3A_876 : vector<16xf32>
    %sub3A_878 = arith.constant 5.000000e-01 : f32
    %sub3A_879 = vector.broadcast %sub3A_878 : f32 to vector<16xf32>
    %sub3A_880 = arith.subf %mul3A_877, %sub3A_879 : vector<16xf32>
    %convert_element_type3A_881 = arith.fptosi %sub3A_880 : vector<16xf32> to vector<16xi32>
    %convert_element_type3A_882 = arith.sitofp %convert_element_type3A_881 : vector<16xi32> to vector<16xf32>
    %gt3A_883 = arith.cmpf ogt, %sub3A_880, %convert_element_type3A_882 : vector<16xf32>
    %jit3A_884 = arith.constant 1 : i32
    %jit3A_885 = arith.constant 0 : i32
    %broadcast_in_dim3A_886 = vector.broadcast %jit3A_884 : i32 to vector<16xi32>
    %broadcast_in_dim3A_887 = vector.broadcast %jit3A_885 : i32 to vector<16xi32>
    %select_n3A_888 = arith.select %gt3A_883, %broadcast_in_dim3A_886, %broadcast_in_dim3A_887 : vector<16xi1>, vector<16xi32>
    %add3A_889 = arith.addi %convert_element_type3A_881, %select_n3A_888 : vector<16xi32>
    %max3A_890 = arith.constant 0 : i32
    %max3A_891 = vector.broadcast %max3A_890 : i32 to vector<16xi32>
    %max3A_892 = arith.maxsi %add3A_889, %max3A_891 : vector<16xi32>
    %min3A_893 = arith.constant 7 : i32
    %min3A_894 = vector.broadcast %min3A_893 : i32 to vector<16xi32>
    %min3A_895 = arith.minsi %max3A_892, %min3A_894 : vector<16xi32>
    %get3A_896 = arith.constant 240 : index
    %get3A_897 = tpu.vector_load %arg7[%get3A_896] {strides = array<i32>} : memref<512xf32, #tpu.memory_space<vmem>>, vector<16xf32>,
    %get3A_898 = vector.shape_cast %get3A_897 : vector<16xf32> to vector<16xf32>
    %mul3A_899 = arith.constant 2.000000e+00 : f32
    %mul3A_900 = vector.broadcast %mul3A_899 : f32 to vector<16xf32>
    %mul3A_901 = arith.mulf %get3A_898, %mul3A_900 : vector<16xf32>
    %sub3A_902 = arith.constant 5.000000e-01 : f32
    %sub3A_903 = vector.broadcast %sub3A_902 : f32 to vector<16xf32>
    %sub3A_904 = arith.subf %mul3A_901, %sub3A_903 : vector<16xf32>
    %convert_element_type3A_905 = arith.fptosi %sub3A_904 : vector<16xf32> to vector<16xi32>
    %convert_element_type3A_906 = arith.sitofp %convert_element_type3A_905 : vector<16xi32> to vector<16xf32>
    %gt3A_907 = arith.cmpf ogt, %sub3A_904, %convert_element_type3A_906 : vector<16xf32>
    %jit3A_908 = arith.constant 1 : i32
    %jit3A_909 = arith.constant 0 : i32
    %broadcast_in_dim3A_910 = vector.broadcast %jit3A_908 : i32 to vector<16xi32>
    %broadcast_in_dim3A_911 = vector.broadcast %jit3A_909 : i32 to vector<16xi32>
    %select_n3A_912 = arith.select %gt3A_907, %broadcast_in_dim3A_910, %broadcast_in_dim3A_911 : vector<16xi1>, vector<16xi32>
    %add3A_913 = arith.addi %convert_element_type3A_905, %select_n3A_912 : vector<16xi32>
    %max3A_914 = arith.constant 0 : i32
    %max3A_915 = vector.broadcast %max3A_914 : i32 to vector<16xi32>
    %max3A_916 = arith.maxsi %add3A_913, %max3A_915 : vector<16xi32>
    %min3A_917 = arith.constant 7 : i32
    %min3A_918 = vector.broadcast %min3A_917 : i32 to vector<16xi32>
    %min3A_919 = arith.minsi %max3A_916, %min3A_918 : vector<16xi32>
    %mul3A_920 = arith.constant 8 : i32
    %mul3A_921 = vector.broadcast %mul3A_920 : i32 to vector<16xi32>
    %mul3A_922 = arith.muli %min3A_919, %mul3A_921 : vector<16xi32>
    %add3A_923 = arith.addi %min3A_895, %mul3A_922 : vector<16xi32>
    %swap3A_924 = arith.constant 3 : i32
    %swap3A_925 = arith.index_cast %swap3A_924 : i32 to index
    %swap3A_926 = arith.constant 48 : index
    %swap3A_927 = tpu.vector_load %arg8[%swap3A_925, %swap3A_926] {strides = array<i32>} : memref<8x64xi32, #tpu.memory_space<vmem>>, vector<1x16xi32>,
    %swap3A_928 = vector.shape_cast %swap3A_927 : vector<1x16xi32> to vector<16xi32>
    %swap3A_929 = vector.shape_cast %add3A_923 : vector<16xi32> to vector<1x16xi32>
    tpu.vector_store %arg8[%swap3A_925, %swap3A_926], %swap3A_929 {strides = array<i32>} : memref<8x64xi32, #tpu.memory_space<vmem>>, vector<1x16xi32>,
    %get3A_930 = arith.constant 256 : index
    %get3A_931 = tpu.vector_load %arg6[%get3A_930] {strides = array<i32>} : memref<512xf32, #tpu.memory_space<vmem>>, vector<16xf32>,
    %get3A_932 = vector.shape_cast %get3A_931 : vector<16xf32> to vector<16xf32>
    %mul3A_933 = arith.constant 1.000000e+00 : f32
    %mul3A_934 = vector.broadcast %mul3A_933 : f32 to vector<16xf32>
    %mul3A_935 = arith.mulf %get3A_932, %mul3A_934 : vector<16xf32>
    %sub3A_936 = arith.constant 5.000000e-01 : f32
    %sub3A_937 = vector.broadcast %sub3A_936 : f32 to vector<16xf32>
    %sub3A_938 = arith.subf %mul3A_935, %sub3A_937 : vector<16xf32>
    %convert_element_type3A_939 = arith.fptosi %sub3A_938 : vector<16xf32> to vector<16xi32>
    %convert_element_type3A_940 = arith.sitofp %convert_element_type3A_939 : vector<16xi32> to vector<16xf32>
    %gt3A_941 = arith.cmpf ogt, %sub3A_938, %convert_element_type3A_940 : vector<16xf32>
    %jit3A_942 = arith.constant 1 : i32
    %jit3A_943 = arith.constant 0 : i32
    %broadcast_in_dim3A_944 = vector.broadcast %jit3A_942 : i32 to vector<16xi32>
    %broadcast_in_dim3A_945 = vector.broadcast %jit3A_943 : i32 to vector<16xi32>
    %select_n3A_946 = arith.select %gt3A_941, %broadcast_in_dim3A_944, %broadcast_in_dim3A_945 : vector<16xi1>, vector<16xi32>
    %add3A_947 = arith.addi %convert_element_type3A_939, %select_n3A_946 : vector<16xi32>
    %max3A_948 = arith.constant 0 : i32
    %max3A_949 = vector.broadcast %max3A_948 : i32 to vector<16xi32>
    %max3A_950 = arith.maxsi %add3A_947, %max3A_949 : vector<16xi32>
    %min3A_951 = arith.constant 7 : i32
    %min3A_952 = vector.broadcast %min3A_951 : i32 to vector<16xi32>
    %min3A_953 = arith.minsi %max3A_950, %min3A_952 : vector<16xi32>
    %get3A_954 = arith.constant 256 : index
    %get3A_955 = tpu.vector_load %arg7[%get3A_954] {strides = array<i32>} : memref<512xf32, #tpu.memory_space<vmem>>, vector<16xf32>,
    %get3A_956 = vector.shape_cast %get3A_955 : vector<16xf32> to vector<16xf32>
    %mul3A_957 = arith.constant 2.000000e+00 : f32
    %mul3A_958 = vector.broadcast %mul3A_957 : f32 to vector<16xf32>
    %mul3A_959 = arith.mulf %get3A_956, %mul3A_958 : vector<16xf32>
    %sub3A_960 = arith.constant 5.000000e-01 : f32
    %sub3A_961 = vector.broadcast %sub3A_960 : f32 to vector<16xf32>
    %sub3A_962 = arith.subf %mul3A_959, %sub3A_961 : vector<16xf32>
    %convert_element_type3A_963 = arith.fptosi %sub3A_962 : vector<16xf32> to vector<16xi32>
    %convert_element_type3A_964 = arith.sitofp %convert_element_type3A_963 : vector<16xi32> to vector<16xf32>
    %gt3A_965 = arith.cmpf ogt, %sub3A_962, %convert_element_type3A_964 : vector<16xf32>
    %jit3A_966 = arith.constant 1 : i32
    %jit3A_967 = arith.constant 0 : i32
    %broadcast_in_dim3A_968 = vector.broadcast %jit3A_966 : i32 to vector<16xi32>
    %broadcast_in_dim3A_969 = vector.broadcast %jit3A_967 : i32 to vector<16xi32>
    %select_n3A_970 = arith.select %gt3A_965, %broadcast_in_dim3A_968, %broadcast_in_dim3A_969 : vector<16xi1>, vector<16xi32>
    %add3A_971 = arith.addi %convert_element_type3A_963, %select_n3A_970 : vector<16xi32>
    %max3A_972 = arith.constant 0 : i32
    %max3A_973 = vector.broadcast %max3A_972 : i32 to vector<16xi32>
    %max3A_974 = arith.maxsi %add3A_971, %max3A_973 : vector<16xi32>
    %min3A_975 = arith.constant 7 : i32
    %min3A_976 = vector.broadcast %min3A_975 : i32 to vector<16xi32>
    %min3A_977 = arith.minsi %max3A_974, %min3A_976 : vector<16xi32>
    %mul3A_978 = arith.constant 8 : i32
    %mul3A_979 = vector.broadcast %mul3A_978 : i32 to vector<16xi32>
    %mul3A_980 = arith.muli %min3A_977, %mul3A_979 : vector<16xi32>
    %add3A_981 = arith.addi %min3A_953, %mul3A_980 : vector<16xi32>
    %swap3A_982 = arith.constant 4 : i32
    %swap3A_983 = arith.index_cast %swap3A_982 : i32 to index
    %swap3A_984 = arith.constant 0 : index
    %swap3A_985 = tpu.vector_load %arg8[%swap3A_983, %swap3A_984] {strides = array<i32>} : memref<8x64xi32, #tpu.memory_space<vmem>>, vector<1x16xi32>,
    %swap3A_986 = vector.shape_cast %swap3A_985 : vector<1x16xi32> to vector<16xi32>
    %swap3A_987 = vector.shape_cast %add3A_981 : vector<16xi32> to vector<1x16xi32>
    tpu.vector_store %arg8[%swap3A_983, %swap3A_984], %swap3A_987 {strides = array<i32>} : memref<8x64xi32, #tpu.memory_space<vmem>>, vector<1x16xi32>,
    %get3A_988 = arith.constant 272 : index
    %get3A_989 = tpu.vector_load %arg6[%get3A_988] {strides = array<i32>} : memref<512xf32, #tpu.memory_space<vmem>>, vector<16xf32>,
    %get3A_990 = vector.shape_cast %get3A_989 : vector<16xf32> to vector<16xf32>
    %mul3A_991 = arith.constant 1.000000e+00 : f32
    %mul3A_992 = vector.broadcast %mul3A_991 : f32 to vector<16xf32>
    %mul3A_993 = arith.mulf %get3A_990, %mul3A_992 : vector<16xf32>
    %sub3A_994 = arith.constant 5.000000e-01 : f32
    %sub3A_995 = vector.broadcast %sub3A_994 : f32 to vector<16xf32>
    %sub3A_996 = arith.subf %mul3A_993, %sub3A_995 : vector<16xf32>
    %convert_element_type3A_997 = arith.fptosi %sub3A_996 : vector<16xf32> to vector<16xi32>
    %convert_element_type3A_998 = arith.sitofp %convert_element_type3A_997 : vector<16xi32> to vector<16xf32>
    %gt3A_999 = arith.cmpf ogt, %sub3A_996, %convert_element_type3A_998 : vector<16xf32>
    %jit3A_1000 = arith.constant 1 : i32
    %jit3A_1001 = arith.constant 0 : i32
    %broadcast_in_dim3A_1002 = vector.broadcast %jit3A_1000 : i32 to vector<16xi32>
    %broadcast_in_dim3A_1003 = vector.broadcast %jit3A_1001 : i32 to vector<16xi32>
    %select_n3A_1004 = arith.select %gt3A_999, %broadcast_in_dim3A_1002, %broadcast_in_dim3A_1003 : vector<16xi1>, vector<16xi32>
    %add3A_1005 = arith.addi %convert_element_type3A_997, %select_n3A_1004 : vector<16xi32>
    %max3A_1006 = arith.constant 0 : i32
    %max3A_1007 = vector.broadcast %max3A_1006 : i32 to vector<16xi32>
    %max3A_1008 = arith.maxsi %add3A_1005, %max3A_1007 : vector<16xi32>
    %min3A_1009 = arith.constant 7 : i32
    %min3A_1010 = vector.broadcast %min3A_1009 : i32 to vector<16xi32>
    %min3A_1011 = arith.minsi %max3A_1008, %min3A_1010 : vector<16xi32>
    %get3A_1012 = arith.constant 272 : index
    %get3A_1013 = tpu.vector_load %arg7[%get3A_1012] {strides = array<i32>} : memref<512xf32, #tpu.memory_space<vmem>>, vector<16xf32>,
    %get3A_1014 = vector.shape_cast %get3A_1013 : vector<16xf32> to vector<16xf32>
    %mul3A_1015 = arith.constant 2.000000e+00 : f32
    %mul3A_1016 = vector.broadcast %mul3A_1015 : f32 to vector<16xf32>
    %mul3A_1017 = arith.mulf %get3A_1014, %mul3A_1016 : vector<16xf32>
    %sub3A_1018 = arith.constant 5.000000e-01 : f32
    %sub3A_1019 = vector.broadcast %sub3A_1018 : f32 to vector<16xf32>
    %sub3A_1020 = arith.subf %mul3A_1017, %sub3A_1019 : vector<16xf32>
    %convert_element_type3A_1021 = arith.fptosi %sub3A_1020 : vector<16xf32> to vector<16xi32>
    %convert_element_type3A_1022 = arith.sitofp %convert_element_type3A_1021 : vector<16xi32> to vector<16xf32>
    %gt3A_1023 = arith.cmpf ogt, %sub3A_1020, %convert_element_type3A_1022 : vector<16xf32>
    %jit3A_1024 = arith.constant 1 : i32
    %jit3A_1025 = arith.constant 0 : i32
    %broadcast_in_dim3A_1026 = vector.broadcast %jit3A_1024 : i32 to vector<16xi32>
    %broadcast_in_dim3A_1027 = vector.broadcast %jit3A_1025 : i32 to vector<16xi32>
    %select_n3A_1028 = arith.select %gt3A_1023, %broadcast_in_dim3A_1026, %broadcast_in_dim3A_1027 : vector<16xi1>, vector<16xi32>
    %add3A_1029 = arith.addi %convert_element_type3A_1021, %select_n3A_1028 : vector<16xi32>
    %max3A_1030 = arith.constant 0 : i32
    %max3A_1031 = vector.broadcast %max3A_1030 : i32 to vector<16xi32>
    %max3A_1032 = arith.maxsi %add3A_1029, %max3A_1031 : vector<16xi32>
    %min3A_1033 = arith.constant 7 : i32
    %min3A_1034 = vector.broadcast %min3A_1033 : i32 to vector<16xi32>
    %min3A_1035 = arith.minsi %max3A_1032, %min3A_1034 : vector<16xi32>
    %mul3A_1036 = arith.constant 8 : i32
    %mul3A_1037 = vector.broadcast %mul3A_1036 : i32 to vector<16xi32>
    %mul3A_1038 = arith.muli %min3A_1035, %mul3A_1037 : vector<16xi32>
    %add3A_1039 = arith.addi %min3A_1011, %mul3A_1038 : vector<16xi32>
    %swap3A_1040 = arith.constant 4 : i32
    %swap3A_1041 = arith.index_cast %swap3A_1040 : i32 to index
    %swap3A_1042 = arith.constant 16 : index
    %swap3A_1043 = tpu.vector_load %arg8[%swap3A_1041, %swap3A_1042] {strides = array<i32>} : memref<8x64xi32, #tpu.memory_space<vmem>>, vector<1x16xi32>,
    %swap3A_1044 = vector.shape_cast %swap3A_1043 : vector<1x16xi32> to vector<16xi32>
    %swap3A_1045 = vector.shape_cast %add3A_1039 : vector<16xi32> to vector<1x16xi32>
    tpu.vector_store %arg8[%swap3A_1041, %swap3A_1042], %swap3A_1045 {strides = array<i32>} : memref<8x64xi32, #tpu.memory_space<vmem>>, vector<1x16xi32>,
    %get3A_1046 = arith.constant 288 : index
    %get3A_1047 = tpu.vector_load %arg6[%get3A_1046] {strides = array<i32>} : memref<512xf32, #tpu.memory_space<vmem>>, vector<16xf32>,
    %get3A_1048 = vector.shape_cast %get3A_1047 : vector<16xf32> to vector<16xf32>
    %mul3A_1049 = arith.constant 1.000000e+00 : f32
    %mul3A_1050 = vector.broadcast %mul3A_1049 : f32 to vector<16xf32>
    %mul3A_1051 = arith.mulf %get3A_1048, %mul3A_1050 : vector<16xf32>
    %sub3A_1052 = arith.constant 5.000000e-01 : f32
    %sub3A_1053 = vector.broadcast %sub3A_1052 : f32 to vector<16xf32>
    %sub3A_1054 = arith.subf %mul3A_1051, %sub3A_1053 : vector<16xf32>
    %convert_element_type3A_1055 = arith.fptosi %sub3A_1054 : vector<16xf32> to vector<16xi32>
    %convert_element_type3A_1056 = arith.sitofp %convert_element_type3A_1055 : vector<16xi32> to vector<16xf32>
    %gt3A_1057 = arith.cmpf ogt, %sub3A_1054, %convert_element_type3A_1056 : vector<16xf32>
    %jit3A_1058 = arith.constant 1 : i32
    %jit3A_1059 = arith.constant 0 : i32
    %broadcast_in_dim3A_1060 = vector.broadcast %jit3A_1058 : i32 to vector<16xi32>
    %broadcast_in_dim3A_1061 = vector.broadcast %jit3A_1059 : i32 to vector<16xi32>
    %select_n3A_1062 = arith.select %gt3A_1057, %broadcast_in_dim3A_1060, %broadcast_in_dim3A_1061 : vector<16xi1>, vector<16xi32>
    %add3A_1063 = arith.addi %convert_element_type3A_1055, %select_n3A_1062 : vector<16xi32>
    %max3A_1064 = arith.constant 0 : i32
    %max3A_1065 = vector.broadcast %max3A_1064 : i32 to vector<16xi32>
    %max3A_1066 = arith.maxsi %add3A_1063, %max3A_1065 : vector<16xi32>
    %min3A_1067 = arith.constant 7 : i32
    %min3A_1068 = vector.broadcast %min3A_1067 : i32 to vector<16xi32>
    %min3A_1069 = arith.minsi %max3A_1066, %min3A_1068 : vector<16xi32>
    %get3A_1070 = arith.constant 288 : index
    %get3A_1071 = tpu.vector_load %arg7[%get3A_1070] {strides = array<i32>} : memref<512xf32, #tpu.memory_space<vmem>>, vector<16xf32>,
    %get3A_1072 = vector.shape_cast %get3A_1071 : vector<16xf32> to vector<16xf32>
    %mul3A_1073 = arith.constant 2.000000e+00 : f32
    %mul3A_1074 = vector.broadcast %mul3A_1073 : f32 to vector<16xf32>
    %mul3A_1075 = arith.mulf %get3A_1072, %mul3A_1074 : vector<16xf32>
    %sub3A_1076 = arith.constant 5.000000e-01 : f32
    %sub3A_1077 = vector.broadcast %sub3A_1076 : f32 to vector<16xf32>
    %sub3A_1078 = arith.subf %mul3A_1075, %sub3A_1077 : vector<16xf32>
    %convert_element_type3A_1079 = arith.fptosi %sub3A_1078 : vector<16xf32> to vector<16xi32>
    %convert_element_type3A_1080 = arith.sitofp %convert_element_type3A_1079 : vector<16xi32> to vector<16xf32>
    %gt3A_1081 = arith.cmpf ogt, %sub3A_1078, %convert_element_type3A_1080 : vector<16xf32>
    %jit3A_1082 = arith.constant 1 : i32
    %jit3A_1083 = arith.constant 0 : i32
    %broadcast_in_dim3A_1084 = vector.broadcast %jit3A_1082 : i32 to vector<16xi32>
    %broadcast_in_dim3A_1085 = vector.broadcast %jit3A_1083 : i32 to vector<16xi32>
    %select_n3A_1086 = arith.select %gt3A_1081, %broadcast_in_dim3A_1084, %broadcast_in_dim3A_1085 : vector<16xi1>, vector<16xi32>
    %add3A_1087 = arith.addi %convert_element_type3A_1079, %select_n3A_1086 : vector<16xi32>
    %max3A_1088 = arith.constant 0 : i32
    %max3A_1089 = vector.broadcast %max3A_1088 : i32 to vector<16xi32>
    %max3A_1090 = arith.maxsi %add3A_1087, %max3A_1089 : vector<16xi32>
    %min3A_1091 = arith.constant 7 : i32
    %min3A_1092 = vector.broadcast %min3A_1091 : i32 to vector<16xi32>
    %min3A_1093 = arith.minsi %max3A_1090, %min3A_1092 : vector<16xi32>
    %mul3A_1094 = arith.constant 8 : i32
    %mul3A_1095 = vector.broadcast %mul3A_1094 : i32 to vector<16xi32>
    %mul3A_1096 = arith.muli %min3A_1093, %mul3A_1095 : vector<16xi32>
    %add3A_1097 = arith.addi %min3A_1069, %mul3A_1096 : vector<16xi32>
    %swap3A_1098 = arith.constant 4 : i32
    %swap3A_1099 = arith.index_cast %swap3A_1098 : i32 to index
    %swap3A_1100 = arith.constant 32 : index
    %swap3A_1101 = tpu.vector_load %arg8[%swap3A_1099, %swap3A_1100] {strides = array<i32>} : memref<8x64xi32, #tpu.memory_space<vmem>>, vector<1x16xi32>,
    %swap3A_1102 = vector.shape_cast %swap3A_1101 : vector<1x16xi32> to vector<16xi32>
    %swap3A_1103 = vector.shape_cast %add3A_1097 : vector<16xi32> to vector<1x16xi32>
    tpu.vector_store %arg8[%swap3A_1099, %swap3A_1100], %swap3A_1103 {strides = array<i32>} : memref<8x64xi32, #tpu.memory_space<vmem>>, vector<1x16xi32>,
    %get3A_1104 = arith.constant 304 : index
    %get3A_1105 = tpu.vector_load %arg6[%get3A_1104] {strides = array<i32>} : memref<512xf32, #tpu.memory_space<vmem>>, vector<16xf32>,
    %get3A_1106 = vector.shape_cast %get3A_1105 : vector<16xf32> to vector<16xf32>
    %mul3A_1107 = arith.constant 1.000000e+00 : f32
    %mul3A_1108 = vector.broadcast %mul3A_1107 : f32 to vector<16xf32>
    %mul3A_1109 = arith.mulf %get3A_1106, %mul3A_1108 : vector<16xf32>
    %sub3A_1110 = arith.constant 5.000000e-01 : f32
    %sub3A_1111 = vector.broadcast %sub3A_1110 : f32 to vector<16xf32>
    %sub3A_1112 = arith.subf %mul3A_1109, %sub3A_1111 : vector<16xf32>
    %convert_element_type3A_1113 = arith.fptosi %sub3A_1112 : vector<16xf32> to vector<16xi32>
    %convert_element_type3A_1114 = arith.sitofp %convert_element_type3A_1113 : vector<16xi32> to vector<16xf32>
    %gt3A_1115 = arith.cmpf ogt, %sub3A_1112, %convert_element_type3A_1114 : vector<16xf32>
    %jit3A_1116 = arith.constant 1 : i32
    %jit3A_1117 = arith.constant 0 : i32
    %broadcast_in_dim3A_1118 = vector.broadcast %jit3A_1116 : i32 to vector<16xi32>
    %broadcast_in_dim3A_1119 = vector.broadcast %jit3A_1117 : i32 to vector<16xi32>
    %select_n3A_1120 = arith.select %gt3A_1115, %broadcast_in_dim3A_1118, %broadcast_in_dim3A_1119 : vector<16xi1>, vector<16xi32>
    %add3A_1121 = arith.addi %convert_element_type3A_1113, %select_n3A_1120 : vector<16xi32>
    %max3A_1122 = arith.constant 0 : i32
    %max3A_1123 = vector.broadcast %max3A_1122 : i32 to vector<16xi32>
    %max3A_1124 = arith.maxsi %add3A_1121, %max3A_1123 : vector<16xi32>
    %min3A_1125 = arith.constant 7 : i32
    %min3A_1126 = vector.broadcast %min3A_1125 : i32 to vector<16xi32>
    %min3A_1127 = arith.minsi %max3A_1124, %min3A_1126 : vector<16xi32>
    %get3A_1128 = arith.constant 304 : index
    %get3A_1129 = tpu.vector_load %arg7[%get3A_1128] {strides = array<i32>} : memref<512xf32, #tpu.memory_space<vmem>>, vector<16xf32>,
    %get3A_1130 = vector.shape_cast %get3A_1129 : vector<16xf32> to vector<16xf32>
    %mul3A_1131 = arith.constant 2.000000e+00 : f32
    %mul3A_1132 = vector.broadcast %mul3A_1131 : f32 to vector<16xf32>
    %mul3A_1133 = arith.mulf %get3A_1130, %mul3A_1132 : vector<16xf32>
    %sub3A_1134 = arith.constant 5.000000e-01 : f32
    %sub3A_1135 = vector.broadcast %sub3A_1134 : f32 to vector<16xf32>
    %sub3A_1136 = arith.subf %mul3A_1133, %sub3A_1135 : vector<16xf32>
    %convert_element_type3A_1137 = arith.fptosi %sub3A_1136 : vector<16xf32> to vector<16xi32>
    %convert_element_type3A_1138 = arith.sitofp %convert_element_type3A_1137 : vector<16xi32> to vector<16xf32>
    %gt3A_1139 = arith.cmpf ogt, %sub3A_1136, %convert_element_type3A_1138 : vector<16xf32>
    %jit3A_1140 = arith.constant 1 : i32
    %jit3A_1141 = arith.constant 0 : i32
    %broadcast_in_dim3A_1142 = vector.broadcast %jit3A_1140 : i32 to vector<16xi32>
    %broadcast_in_dim3A_1143 = vector.broadcast %jit3A_1141 : i32 to vector<16xi32>
    %select_n3A_1144 = arith.select %gt3A_1139, %broadcast_in_dim3A_1142, %broadcast_in_dim3A_1143 : vector<16xi1>, vector<16xi32>
    %add3A_1145 = arith.addi %convert_element_type3A_1137, %select_n3A_1144 : vector<16xi32>
    %max3A_1146 = arith.constant 0 : i32
    %max3A_1147 = vector.broadcast %max3A_1146 : i32 to vector<16xi32>
    %max3A_1148 = arith.maxsi %add3A_1145, %max3A_1147 : vector<16xi32>
    %min3A_1149 = arith.constant 7 : i32
    %min3A_1150 = vector.broadcast %min3A_1149 : i32 to vector<16xi32>
    %min3A_1151 = arith.minsi %max3A_1148, %min3A_1150 : vector<16xi32>
    %mul3A_1152 = arith.constant 8 : i32
    %mul3A_1153 = vector.broadcast %mul3A_1152 : i32 to vector<16xi32>
    %mul3A_1154 = arith.muli %min3A_1151, %mul3A_1153 : vector<16xi32>
    %add3A_1155 = arith.addi %min3A_1127, %mul3A_1154 : vector<16xi32>
    %swap3A_1156 = arith.constant 4 : i32
    %swap3A_1157 = arith.index_cast %swap3A_1156 : i32 to index
    %swap3A_1158 = arith.constant 48 : index
    %swap3A_1159 = tpu.vector_load %arg8[%swap3A_1157, %swap3A_1158] {strides = array<i32>} : memref<8x64xi32, #tpu.memory_space<vmem>>, vector<1x16xi32>,
    %swap3A_1160 = vector.shape_cast %swap3A_1159 : vector<1x16xi32> to vector<16xi32>
    %swap3A_1161 = vector.shape_cast %add3A_1155 : vector<16xi32> to vector<1x16xi32>
    tpu.vector_store %arg8[%swap3A_1157, %swap3A_1158], %swap3A_1161 {strides = array<i32>} : memref<8x64xi32, #tpu.memory_space<vmem>>, vector<1x16xi32>,
    %get3A_1162 = arith.constant 320 : index
    %get3A_1163 = tpu.vector_load %arg6[%get3A_1162] {strides = array<i32>} : memref<512xf32, #tpu.memory_space<vmem>>, vector<16xf32>,
    %get3A_1164 = vector.shape_cast %get3A_1163 : vector<16xf32> to vector<16xf32>
    %mul3A_1165 = arith.constant 1.000000e+00 : f32
    %mul3A_1166 = vector.broadcast %mul3A_1165 : f32 to vector<16xf32>
    %mul3A_1167 = arith.mulf %get3A_1164, %mul3A_1166 : vector<16xf32>
    %sub3A_1168 = arith.constant 5.000000e-01 : f32
    %sub3A_1169 = vector.broadcast %sub3A_1168 : f32 to vector<16xf32>
    %sub3A_1170 = arith.subf %mul3A_1167, %sub3A_1169 : vector<16xf32>
    %convert_element_type3A_1171 = arith.fptosi %sub3A_1170 : vector<16xf32> to vector<16xi32>
    %convert_element_type3A_1172 = arith.sitofp %convert_element_type3A_1171 : vector<16xi32> to vector<16xf32>
    %gt3A_1173 = arith.cmpf ogt, %sub3A_1170, %convert_element_type3A_1172 : vector<16xf32>
    %jit3A_1174 = arith.constant 1 : i32
    %jit3A_1175 = arith.constant 0 : i32
    %broadcast_in_dim3A_1176 = vector.broadcast %jit3A_1174 : i32 to vector<16xi32>
    %broadcast_in_dim3A_1177 = vector.broadcast %jit3A_1175 : i32 to vector<16xi32>
    %select_n3A_1178 = arith.select %gt3A_1173, %broadcast_in_dim3A_1176, %broadcast_in_dim3A_1177 : vector<16xi1>, vector<16xi32>
    %add3A_1179 = arith.addi %convert_element_type3A_1171, %select_n3A_1178 : vector<16xi32>
    %max3A_1180 = arith.constant 0 : i32
    %max3A_1181 = vector.broadcast %max3A_1180 : i32 to vector<16xi32>
    %max3A_1182 = arith.maxsi %add3A_1179, %max3A_1181 : vector<16xi32>
    %min3A_1183 = arith.constant 7 : i32
    %min3A_1184 = vector.broadcast %min3A_1183 : i32 to vector<16xi32>
    %min3A_1185 = arith.minsi %max3A_1182, %min3A_1184 : vector<16xi32>
    %get3A_1186 = arith.constant 320 : index
    %get3A_1187 = tpu.vector_load %arg7[%get3A_1186] {strides = array<i32>} : memref<512xf32, #tpu.memory_space<vmem>>, vector<16xf32>,
    %get3A_1188 = vector.shape_cast %get3A_1187 : vector<16xf32> to vector<16xf32>
    %mul3A_1189 = arith.constant 2.000000e+00 : f32
    %mul3A_1190 = vector.broadcast %mul3A_1189 : f32 to vector<16xf32>
    %mul3A_1191 = arith.mulf %get3A_1188, %mul3A_1190 : vector<16xf32>
    %sub3A_1192 = arith.constant 5.000000e-01 : f32
    %sub3A_1193 = vector.broadcast %sub3A_1192 : f32 to vector<16xf32>
    %sub3A_1194 = arith.subf %mul3A_1191, %sub3A_1193 : vector<16xf32>
    %convert_element_type3A_1195 = arith.fptosi %sub3A_1194 : vector<16xf32> to vector<16xi32>
    %convert_element_type3A_1196 = arith.sitofp %convert_element_type3A_1195 : vector<16xi32> to vector<16xf32>
    %gt3A_1197 = arith.cmpf ogt, %sub3A_1194, %convert_element_type3A_1196 : vector<16xf32>
    %jit3A_1198 = arith.constant 1 : i32
    %jit3A_1199 = arith.constant 0 : i32
    %broadcast_in_dim3A_1200 = vector.broadcast %jit3A_1198 : i32 to vector<16xi32>
    %broadcast_in_dim3A_1201 = vector.broadcast %jit3A_1199 : i32 to vector<16xi32>
    %select_n3A_1202 = arith.select %gt3A_1197, %broadcast_in_dim3A_1200, %broadcast_in_dim3A_1201 : vector<16xi1>, vector<16xi32>
    %add3A_1203 = arith.addi %convert_element_type3A_1195, %select_n3A_1202 : vector<16xi32>
    %max3A_1204 = arith.constant 0 : i32
    %max3A_1205 = vector.broadcast %max3A_1204 : i32 to vector<16xi32>
    %max3A_1206 = arith.maxsi %add3A_1203, %max3A_1205 : vector<16xi32>
    %min3A_1207 = arith.constant 7 : i32
    %min3A_1208 = vector.broadcast %min3A_1207 : i32 to vector<16xi32>
    %min3A_1209 = arith.minsi %max3A_1206, %min3A_1208 : vector<16xi32>
    %mul3A_1210 = arith.constant 8 : i32
    %mul3A_1211 = vector.broadcast %mul3A_1210 : i32 to vector<16xi32>
    %mul3A_1212 = arith.muli %min3A_1209, %mul3A_1211 : vector<16xi32>
    %add3A_1213 = arith.addi %min3A_1185, %mul3A_1212 : vector<16xi32>
    %swap3A_1214 = arith.constant 5 : i32
    %swap3A_1215 = arith.index_cast %swap3A_1214 : i32 to index
    %swap3A_1216 = arith.constant 0 : index
    %swap3A_1217 = tpu.vector_load %arg8[%swap3A_1215, %swap3A_1216] {strides = array<i32>} : memref<8x64xi32, #tpu.memory_space<vmem>>, vector<1x16xi32>,
    %swap3A_1218 = vector.shape_cast %swap3A_1217 : vector<1x16xi32> to vector<16xi32>
    %swap3A_1219 = vector.shape_cast %add3A_1213 : vector<16xi32> to vector<1x16xi32>
    tpu.vector_store %arg8[%swap3A_1215, %swap3A_1216], %swap3A_1219 {strides = array<i32>} : memref<8x64xi32, #tpu.memory_space<vmem>>, vector<1x16xi32>,
    %get3A_1220 = arith.constant 336 : index
    %get3A_1221 = tpu.vector_load %arg6[%get3A_1220] {strides = array<i32>} : memref<512xf32, #tpu.memory_space<vmem>>, vector<16xf32>,
    %get3A_1222 = vector.shape_cast %get3A_1221 : vector<16xf32> to vector<16xf32>
    %mul3A_1223 = arith.constant 1.000000e+00 : f32
    %mul3A_1224 = vector.broadcast %mul3A_1223 : f32 to vector<16xf32>
    %mul3A_1225 = arith.mulf %get3A_1222, %mul3A_1224 : vector<16xf32>
    %sub3A_1226 = arith.constant 5.000000e-01 : f32
    %sub3A_1227 = vector.broadcast %sub3A_1226 : f32 to vector<16xf32>
    %sub3A_1228 = arith.subf %mul3A_1225, %sub3A_1227 : vector<16xf32>
    %convert_element_type3A_1229 = arith.fptosi %sub3A_1228 : vector<16xf32> to vector<16xi32>
    %convert_element_type3A_1230 = arith.sitofp %convert_element_type3A_1229 : vector<16xi32> to vector<16xf32>
    %gt3A_1231 = arith.cmpf ogt, %sub3A_1228, %convert_element_type3A_1230 : vector<16xf32>
    %jit3A_1232 = arith.constant 1 : i32
    %jit3A_1233 = arith.constant 0 : i32
    %broadcast_in_dim3A_1234 = vector.broadcast %jit3A_1232 : i32 to vector<16xi32>
    %broadcast_in_dim3A_1235 = vector.broadcast %jit3A_1233 : i32 to vector<16xi32>
    %select_n3A_1236 = arith.select %gt3A_1231, %broadcast_in_dim3A_1234, %broadcast_in_dim3A_1235 : vector<16xi1>, vector<16xi32>
    %add3A_1237 = arith.addi %convert_element_type3A_1229, %select_n3A_1236 : vector<16xi32>
    %max3A_1238 = arith.constant 0 : i32
    %max3A_1239 = vector.broadcast %max3A_1238 : i32 to vector<16xi32>
    %max3A_1240 = arith.maxsi %add3A_1237, %max3A_1239 : vector<16xi32>
    %min3A_1241 = arith.constant 7 : i32
    %min3A_1242 = vector.broadcast %min3A_1241 : i32 to vector<16xi32>
    %min3A_1243 = arith.minsi %max3A_1240, %min3A_1242 : vector<16xi32>
    %get3A_1244 = arith.constant 336 : index
    %get3A_1245 = tpu.vector_load %arg7[%get3A_1244] {strides = array<i32>} : memref<512xf32, #tpu.memory_space<vmem>>, vector<16xf32>,
    %get3A_1246 = vector.shape_cast %get3A_1245 : vector<16xf32> to vector<16xf32>
    %mul3A_1247 = arith.constant 2.000000e+00 : f32
    %mul3A_1248 = vector.broadcast %mul3A_1247 : f32 to vector<16xf32>
    %mul3A_1249 = arith.mulf %get3A_1246, %mul3A_1248 : vector<16xf32>
    %sub3A_1250 = arith.constant 5.000000e-01 : f32
    %sub3A_1251 = vector.broadcast %sub3A_1250 : f32 to vector<16xf32>
    %sub3A_1252 = arith.subf %mul3A_1249, %sub3A_1251 : vector<16xf32>
    %convert_element_type3A_1253 = arith.fptosi %sub3A_1252 : vector<16xf32> to vector<16xi32>
    %convert_element_type3A_1254 = arith.sitofp %convert_element_type3A_1253 : vector<16xi32> to vector<16xf32>
    %gt3A_1255 = arith.cmpf ogt, %sub3A_1252, %convert_element_type3A_1254 : vector<16xf32>
    %jit3A_1256 = arith.constant 1 : i32
    %jit3A_1257 = arith.constant 0 : i32
    %broadcast_in_dim3A_1258 = vector.broadcast %jit3A_1256 : i32 to vector<16xi32>
    %broadcast_in_dim3A_1259 = vector.broadcast %jit3A_1257 : i32 to vector<16xi32>
    %select_n3A_1260 = arith.select %gt3A_1255, %broadcast_in_dim3A_1258, %broadcast_in_dim3A_1259 : vector<16xi1>, vector<16xi32>
    %add3A_1261 = arith.addi %convert_element_type3A_1253, %select_n3A_1260 : vector<16xi32>
    %max3A_1262 = arith.constant 0 : i32
    %max3A_1263 = vector.broadcast %max3A_1262 : i32 to vector<16xi32>
    %max3A_1264 = arith.maxsi %add3A_1261, %max3A_1263 : vector<16xi32>
    %min3A_1265 = arith.constant 7 : i32
    %min3A_1266 = vector.broadcast %min3A_1265 : i32 to vector<16xi32>
    %min3A_1267 = arith.minsi %max3A_1264, %min3A_1266 : vector<16xi32>
    %mul3A_1268 = arith.constant 8 : i32
    %mul3A_1269 = vector.broadcast %mul3A_1268 : i32 to vector<16xi32>
    %mul3A_1270 = arith.muli %min3A_1267, %mul3A_1269 : vector<16xi32>
    %add3A_1271 = arith.addi %min3A_1243, %mul3A_1270 : vector<16xi32>
    %swap3A_1272 = arith.constant 5 : i32
    %swap3A_1273 = arith.index_cast %swap3A_1272 : i32 to index
    %swap3A_1274 = arith.constant 16 : index
    %swap3A_1275 = tpu.vector_load %arg8[%swap3A_1273, %swap3A_1274] {strides = array<i32>} : memref<8x64xi32, #tpu.memory_space<vmem>>, vector<1x16xi32>,
    %swap3A_1276 = vector.shape_cast %swap3A_1275 : vector<1x16xi32> to vector<16xi32>
    %swap3A_1277 = vector.shape_cast %add3A_1271 : vector<16xi32> to vector<1x16xi32>
    tpu.vector_store %arg8[%swap3A_1273, %swap3A_1274], %swap3A_1277 {strides = array<i32>} : memref<8x64xi32, #tpu.memory_space<vmem>>, vector<1x16xi32>,
    %get3A_1278 = arith.constant 352 : index
    %get3A_1279 = tpu.vector_load %arg6[%get3A_1278] {strides = array<i32>} : memref<512xf32, #tpu.memory_space<vmem>>, vector<16xf32>,
    %get3A_1280 = vector.shape_cast %get3A_1279 : vector<16xf32> to vector<16xf32>
    %mul3A_1281 = arith.constant 1.000000e+00 : f32
    %mul3A_1282 = vector.broadcast %mul3A_1281 : f32 to vector<16xf32>
    %mul3A_1283 = arith.mulf %get3A_1280, %mul3A_1282 : vector<16xf32>
    %sub3A_1284 = arith.constant 5.000000e-01 : f32
    %sub3A_1285 = vector.broadcast %sub3A_1284 : f32 to vector<16xf32>
    %sub3A_1286 = arith.subf %mul3A_1283, %sub3A_1285 : vector<16xf32>
    %convert_element_type3A_1287 = arith.fptosi %sub3A_1286 : vector<16xf32> to vector<16xi32>
    %convert_element_type3A_1288 = arith.sitofp %convert_element_type3A_1287 : vector<16xi32> to vector<16xf32>
    %gt3A_1289 = arith.cmpf ogt, %sub3A_1286, %convert_element_type3A_1288 : vector<16xf32>
    %jit3A_1290 = arith.constant 1 : i32
    %jit3A_1291 = arith.constant 0 : i32
    %broadcast_in_dim3A_1292 = vector.broadcast %jit3A_1290 : i32 to vector<16xi32>
    %broadcast_in_dim3A_1293 = vector.broadcast %jit3A_1291 : i32 to vector<16xi32>
    %select_n3A_1294 = arith.select %gt3A_1289, %broadcast_in_dim3A_1292, %broadcast_in_dim3A_1293 : vector<16xi1>, vector<16xi32>
    %add3A_1295 = arith.addi %convert_element_type3A_1287, %select_n3A_1294 : vector<16xi32>
    %max3A_1296 = arith.constant 0 : i32
    %max3A_1297 = vector.broadcast %max3A_1296 : i32 to vector<16xi32>
    %max3A_1298 = arith.maxsi %add3A_1295, %max3A_1297 : vector<16xi32>
    %min3A_1299 = arith.constant 7 : i32
    %min3A_1300 = vector.broadcast %min3A_1299 : i32 to vector<16xi32>
    %min3A_1301 = arith.minsi %max3A_1298, %min3A_1300 : vector<16xi32>
    %get3A_1302 = arith.constant 352 : index
    %get3A_1303 = tpu.vector_load %arg7[%get3A_1302] {strides = array<i32>} : memref<512xf32, #tpu.memory_space<vmem>>, vector<16xf32>,
    %get3A_1304 = vector.shape_cast %get3A_1303 : vector<16xf32> to vector<16xf32>
    %mul3A_1305 = arith.constant 2.000000e+00 : f32
    %mul3A_1306 = vector.broadcast %mul3A_1305 : f32 to vector<16xf32>
    %mul3A_1307 = arith.mulf %get3A_1304, %mul3A_1306 : vector<16xf32>
    %sub3A_1308 = arith.constant 5.000000e-01 : f32
    %sub3A_1309 = vector.broadcast %sub3A_1308 : f32 to vector<16xf32>
    %sub3A_1310 = arith.subf %mul3A_1307, %sub3A_1309 : vector<16xf32>
    %convert_element_type3A_1311 = arith.fptosi %sub3A_1310 : vector<16xf32> to vector<16xi32>
    %convert_element_type3A_1312 = arith.sitofp %convert_element_type3A_1311 : vector<16xi32> to vector<16xf32>
    %gt3A_1313 = arith.cmpf ogt, %sub3A_1310, %convert_element_type3A_1312 : vector<16xf32>
    %jit3A_1314 = arith.constant 1 : i32
    %jit3A_1315 = arith.constant 0 : i32
    %broadcast_in_dim3A_1316 = vector.broadcast %jit3A_1314 : i32 to vector<16xi32>
    %broadcast_in_dim3A_1317 = vector.broadcast %jit3A_1315 : i32 to vector<16xi32>
    %select_n3A_1318 = arith.select %gt3A_1313, %broadcast_in_dim3A_1316, %broadcast_in_dim3A_1317 : vector<16xi1>, vector<16xi32>
    %add3A_1319 = arith.addi %convert_element_type3A_1311, %select_n3A_1318 : vector<16xi32>
    %max3A_1320 = arith.constant 0 : i32
    %max3A_1321 = vector.broadcast %max3A_1320 : i32 to vector<16xi32>
    %max3A_1322 = arith.maxsi %add3A_1319, %max3A_1321 : vector<16xi32>
    %min3A_1323 = arith.constant 7 : i32
    %min3A_1324 = vector.broadcast %min3A_1323 : i32 to vector<16xi32>
    %min3A_1325 = arith.minsi %max3A_1322, %min3A_1324 : vector<16xi32>
    %mul3A_1326 = arith.constant 8 : i32
    %mul3A_1327 = vector.broadcast %mul3A_1326 : i32 to vector<16xi32>
    %mul3A_1328 = arith.muli %min3A_1325, %mul3A_1327 : vector<16xi32>
    %add3A_1329 = arith.addi %min3A_1301, %mul3A_1328 : vector<16xi32>
    %swap3A_1330 = arith.constant 5 : i32
    %swap3A_1331 = arith.index_cast %swap3A_1330 : i32 to index
    %swap3A_1332 = arith.constant 32 : index
    %swap3A_1333 = tpu.vector_load %arg8[%swap3A_1331, %swap3A_1332] {strides = array<i32>} : memref<8x64xi32, #tpu.memory_space<vmem>>, vector<1x16xi32>,
    %swap3A_1334 = vector.shape_cast %swap3A_1333 : vector<1x16xi32> to vector<16xi32>
    %swap3A_1335 = vector.shape_cast %add3A_1329 : vector<16xi32> to vector<1x16xi32>
    tpu.vector_store %arg8[%swap3A_1331, %swap3A_1332], %swap3A_1335 {strides = array<i32>} : memref<8x64xi32, #tpu.memory_space<vmem>>, vector<1x16xi32>,
    %get3A_1336 = arith.constant 368 : index
    %get3A_1337 = tpu.vector_load %arg6[%get3A_1336] {strides = array<i32>} : memref<512xf32, #tpu.memory_space<vmem>>, vector<16xf32>,
    %get3A_1338 = vector.shape_cast %get3A_1337 : vector<16xf32> to vector<16xf32>
    %mul3A_1339 = arith.constant 1.000000e+00 : f32
    %mul3A_1340 = vector.broadcast %mul3A_1339 : f32 to vector<16xf32>
    %mul3A_1341 = arith.mulf %get3A_1338, %mul3A_1340 : vector<16xf32>
    %sub3A_1342 = arith.constant 5.000000e-01 : f32
    %sub3A_1343 = vector.broadcast %sub3A_1342 : f32 to vector<16xf32>
    %sub3A_1344 = arith.subf %mul3A_1341, %sub3A_1343 : vector<16xf32>
    %convert_element_type3A_1345 = arith.fptosi %sub3A_1344 : vector<16xf32> to vector<16xi32>
    %convert_element_type3A_1346 = arith.sitofp %convert_element_type3A_1345 : vector<16xi32> to vector<16xf32>
    %gt3A_1347 = arith.cmpf ogt, %sub3A_1344, %convert_element_type3A_1346 : vector<16xf32>
    %jit3A_1348 = arith.constant 1 : i32
    %jit3A_1349 = arith.constant 0 : i32
    %broadcast_in_dim3A_1350 = vector.broadcast %jit3A_1348 : i32 to vector<16xi32>
    %broadcast_in_dim3A_1351 = vector.broadcast %jit3A_1349 : i32 to vector<16xi32>
    %select_n3A_1352 = arith.select %gt3A_1347, %broadcast_in_dim3A_1350, %broadcast_in_dim3A_1351 : vector<16xi1>, vector<16xi32>
    %add3A_1353 = arith.addi %convert_element_type3A_1345, %select_n3A_1352 : vector<16xi32>
    %max3A_1354 = arith.constant 0 : i32
    %max3A_1355 = vector.broadcast %max3A_1354 : i32 to vector<16xi32>
    %max3A_1356 = arith.maxsi %add3A_1353, %max3A_1355 : vector<16xi32>
    %min3A_1357 = arith.constant 7 : i32
    %min3A_1358 = vector.broadcast %min3A_1357 : i32 to vector<16xi32>
    %min3A_1359 = arith.minsi %max3A_1356, %min3A_1358 : vector<16xi32>
    %get3A_1360 = arith.constant 368 : index
    %get3A_1361 = tpu.vector_load %arg7[%get3A_1360] {strides = array<i32>} : memref<512xf32, #tpu.memory_space<vmem>>, vector<16xf32>,
    %get3A_1362 = vector.shape_cast %get3A_1361 : vector<16xf32> to vector<16xf32>
    %mul3A_1363 = arith.constant 2.000000e+00 : f32
    %mul3A_1364 = vector.broadcast %mul3A_1363 : f32 to vector<16xf32>
    %mul3A_1365 = arith.mulf %get3A_1362, %mul3A_1364 : vector<16xf32>
    %sub3A_1366 = arith.constant 5.000000e-01 : f32
    %sub3A_1367 = vector.broadcast %sub3A_1366 : f32 to vector<16xf32>
    %sub3A_1368 = arith.subf %mul3A_1365, %sub3A_1367 : vector<16xf32>
    %convert_element_type3A_1369 = arith.fptosi %sub3A_1368 : vector<16xf32> to vector<16xi32>
    %convert_element_type3A_1370 = arith.sitofp %convert_element_type3A_1369 : vector<16xi32> to vector<16xf32>
    %gt3A_1371 = arith.cmpf ogt, %sub3A_1368, %convert_element_type3A_1370 : vector<16xf32>
    %jit3A_1372 = arith.constant 1 : i32
    %jit3A_1373 = arith.constant 0 : i32
    %broadcast_in_dim3A_1374 = vector.broadcast %jit3A_1372 : i32 to vector<16xi32>
    %broadcast_in_dim3A_1375 = vector.broadcast %jit3A_1373 : i32 to vector<16xi32>
    %select_n3A_1376 = arith.select %gt3A_1371, %broadcast_in_dim3A_1374, %broadcast_in_dim3A_1375 : vector<16xi1>, vector<16xi32>
    %add3A_1377 = arith.addi %convert_element_type3A_1369, %select_n3A_1376 : vector<16xi32>
    %max3A_1378 = arith.constant 0 : i32
    %max3A_1379 = vector.broadcast %max3A_1378 : i32 to vector<16xi32>
    %max3A_1380 = arith.maxsi %add3A_1377, %max3A_1379 : vector<16xi32>
    %min3A_1381 = arith.constant 7 : i32
    %min3A_1382 = vector.broadcast %min3A_1381 : i32 to vector<16xi32>
    %min3A_1383 = arith.minsi %max3A_1380, %min3A_1382 : vector<16xi32>
    %mul3A_1384 = arith.constant 8 : i32
    %mul3A_1385 = vector.broadcast %mul3A_1384 : i32 to vector<16xi32>
    %mul3A_1386 = arith.muli %min3A_1383, %mul3A_1385 : vector<16xi32>
    %add3A_1387 = arith.addi %min3A_1359, %mul3A_1386 : vector<16xi32>
    %swap3A_1388 = arith.constant 5 : i32
    %swap3A_1389 = arith.index_cast %swap3A_1388 : i32 to index
    %swap3A_1390 = arith.constant 48 : index
    %swap3A_1391 = tpu.vector_load %arg8[%swap3A_1389, %swap3A_1390] {strides = array<i32>} : memref<8x64xi32, #tpu.memory_space<vmem>>, vector<1x16xi32>,
    %swap3A_1392 = vector.shape_cast %swap3A_1391 : vector<1x16xi32> to vector<16xi32>
    %swap3A_1393 = vector.shape_cast %add3A_1387 : vector<16xi32> to vector<1x16xi32>
    tpu.vector_store %arg8[%swap3A_1389, %swap3A_1390], %swap3A_1393 {strides = array<i32>} : memref<8x64xi32, #tpu.memory_space<vmem>>, vector<1x16xi32>,
    %get3A_1394 = arith.constant 384 : index
    %get3A_1395 = tpu.vector_load %arg6[%get3A_1394] {strides = array<i32>} : memref<512xf32, #tpu.memory_space<vmem>>, vector<16xf32>,
    %get3A_1396 = vector.shape_cast %get3A_1395 : vector<16xf32> to vector<16xf32>
    %mul3A_1397 = arith.constant 1.000000e+00 : f32
    %mul3A_1398 = vector.broadcast %mul3A_1397 : f32 to vector<16xf32>
    %mul3A_1399 = arith.mulf %get3A_1396, %mul3A_1398 : vector<16xf32>
    %sub3A_1400 = arith.constant 5.000000e-01 : f32
    %sub3A_1401 = vector.broadcast %sub3A_1400 : f32 to vector<16xf32>
    %sub3A_1402 = arith.subf %mul3A_1399, %sub3A_1401 : vector<16xf32>
    %convert_element_type3A_1403 = arith.fptosi %sub3A_1402 : vector<16xf32> to vector<16xi32>
    %convert_element_type3A_1404 = arith.sitofp %convert_element_type3A_1403 : vector<16xi32> to vector<16xf32>
    %gt3A_1405 = arith.cmpf ogt, %sub3A_1402, %convert_element_type3A_1404 : vector<16xf32>
    %jit3A_1406 = arith.constant 1 : i32
    %jit3A_1407 = arith.constant 0 : i32
    %broadcast_in_dim3A_1408 = vector.broadcast %jit3A_1406 : i32 to vector<16xi32>
    %broadcast_in_dim3A_1409 = vector.broadcast %jit3A_1407 : i32 to vector<16xi32>
    %select_n3A_1410 = arith.select %gt3A_1405, %broadcast_in_dim3A_1408, %broadcast_in_dim3A_1409 : vector<16xi1>, vector<16xi32>
    %add3A_1411 = arith.addi %convert_element_type3A_1403, %select_n3A_1410 : vector<16xi32>
    %max3A_1412 = arith.constant 0 : i32
    %max3A_1413 = vector.broadcast %max3A_1412 : i32 to vector<16xi32>
    %max3A_1414 = arith.maxsi %add3A_1411, %max3A_1413 : vector<16xi32>
    %min3A_1415 = arith.constant 7 : i32
    %min3A_1416 = vector.broadcast %min3A_1415 : i32 to vector<16xi32>
    %min3A_1417 = arith.minsi %max3A_1414, %min3A_1416 : vector<16xi32>
    %get3A_1418 = arith.constant 384 : index
    %get3A_1419 = tpu.vector_load %arg7[%get3A_1418] {strides = array<i32>} : memref<512xf32, #tpu.memory_space<vmem>>, vector<16xf32>,
    %get3A_1420 = vector.shape_cast %get3A_1419 : vector<16xf32> to vector<16xf32>
    %mul3A_1421 = arith.constant 2.000000e+00 : f32
    %mul3A_1422 = vector.broadcast %mul3A_1421 : f32 to vector<16xf32>
    %mul3A_1423 = arith.mulf %get3A_1420, %mul3A_1422 : vector<16xf32>
    %sub3A_1424 = arith.constant 5.000000e-01 : f32
    %sub3A_1425 = vector.broadcast %sub3A_1424 : f32 to vector<16xf32>
    %sub3A_1426 = arith.subf %mul3A_1423, %sub3A_1425 : vector<16xf32>
    %convert_element_type3A_1427 = arith.fptosi %sub3A_1426 : vector<16xf32> to vector<16xi32>
    %convert_element_type3A_1428 = arith.sitofp %convert_element_type3A_1427 : vector<16xi32> to vector<16xf32>
    %gt3A_1429 = arith.cmpf ogt, %sub3A_1426, %convert_element_type3A_1428 : vector<16xf32>
    %jit3A_1430 = arith.constant 1 : i32
    %jit3A_1431 = arith.constant 0 : i32
    %broadcast_in_dim3A_1432 = vector.broadcast %jit3A_1430 : i32 to vector<16xi32>
    %broadcast_in_dim3A_1433 = vector.broadcast %jit3A_1431 : i32 to vector<16xi32>
    %select_n3A_1434 = arith.select %gt3A_1429, %broadcast_in_dim3A_1432, %broadcast_in_dim3A_1433 : vector<16xi1>, vector<16xi32>
    %add3A_1435 = arith.addi %convert_element_type3A_1427, %select_n3A_1434 : vector<16xi32>
    %max3A_1436 = arith.constant 0 : i32
    %max3A_1437 = vector.broadcast %max3A_1436 : i32 to vector<16xi32>
    %max3A_1438 = arith.maxsi %add3A_1435, %max3A_1437 : vector<16xi32>
    %min3A_1439 = arith.constant 7 : i32
    %min3A_1440 = vector.broadcast %min3A_1439 : i32 to vector<16xi32>
    %min3A_1441 = arith.minsi %max3A_1438, %min3A_1440 : vector<16xi32>
    %mul3A_1442 = arith.constant 8 : i32
    %mul3A_1443 = vector.broadcast %mul3A_1442 : i32 to vector<16xi32>
    %mul3A_1444 = arith.muli %min3A_1441, %mul3A_1443 : vector<16xi32>
    %add3A_1445 = arith.addi %min3A_1417, %mul3A_1444 : vector<16xi32>
    %swap3A_1446 = arith.constant 6 : i32
    %swap3A_1447 = arith.index_cast %swap3A_1446 : i32 to index
    %swap3A_1448 = arith.constant 0 : index
    %swap3A_1449 = tpu.vector_load %arg8[%swap3A_1447, %swap3A_1448] {strides = array<i32>} : memref<8x64xi32, #tpu.memory_space<vmem>>, vector<1x16xi32>,
    %swap3A_1450 = vector.shape_cast %swap3A_1449 : vector<1x16xi32> to vector<16xi32>
    %swap3A_1451 = vector.shape_cast %add3A_1445 : vector<16xi32> to vector<1x16xi32>
    tpu.vector_store %arg8[%swap3A_1447, %swap3A_1448], %swap3A_1451 {strides = array<i32>} : memref<8x64xi32, #tpu.memory_space<vmem>>, vector<1x16xi32>,
    %get3A_1452 = arith.constant 400 : index
    %get3A_1453 = tpu.vector_load %arg6[%get3A_1452] {strides = array<i32>} : memref<512xf32, #tpu.memory_space<vmem>>, vector<16xf32>,
    %get3A_1454 = vector.shape_cast %get3A_1453 : vector<16xf32> to vector<16xf32>
    %mul3A_1455 = arith.constant 1.000000e+00 : f32
    %mul3A_1456 = vector.broadcast %mul3A_1455 : f32 to vector<16xf32>
    %mul3A_1457 = arith.mulf %get3A_1454, %mul3A_1456 : vector<16xf32>
    %sub3A_1458 = arith.constant 5.000000e-01 : f32
    %sub3A_1459 = vector.broadcast %sub3A_1458 : f32 to vector<16xf32>
    %sub3A_1460 = arith.subf %mul3A_1457, %sub3A_1459 : vector<16xf32>
    %convert_element_type3A_1461 = arith.fptosi %sub3A_1460 : vector<16xf32> to vector<16xi32>
    %convert_element_type3A_1462 = arith.sitofp %convert_element_type3A_1461 : vector<16xi32> to vector<16xf32>
    %gt3A_1463 = arith.cmpf ogt, %sub3A_1460, %convert_element_type3A_1462 : vector<16xf32>
    %jit3A_1464 = arith.constant 1 : i32
    %jit3A_1465 = arith.constant 0 : i32
    %broadcast_in_dim3A_1466 = vector.broadcast %jit3A_1464 : i32 to vector<16xi32>
    %broadcast_in_dim3A_1467 = vector.broadcast %jit3A_1465 : i32 to vector<16xi32>
    %select_n3A_1468 = arith.select %gt3A_1463, %broadcast_in_dim3A_1466, %broadcast_in_dim3A_1467 : vector<16xi1>, vector<16xi32>
    %add3A_1469 = arith.addi %convert_element_type3A_1461, %select_n3A_1468 : vector<16xi32>
    %max3A_1470 = arith.constant 0 : i32
    %max3A_1471 = vector.broadcast %max3A_1470 : i32 to vector<16xi32>
    %max3A_1472 = arith.maxsi %add3A_1469, %max3A_1471 : vector<16xi32>
    %min3A_1473 = arith.constant 7 : i32
    %min3A_1474 = vector.broadcast %min3A_1473 : i32 to vector<16xi32>
    %min3A_1475 = arith.minsi %max3A_1472, %min3A_1474 : vector<16xi32>
    %get3A_1476 = arith.constant 400 : index
    %get3A_1477 = tpu.vector_load %arg7[%get3A_1476] {strides = array<i32>} : memref<512xf32, #tpu.memory_space<vmem>>, vector<16xf32>,
    %get3A_1478 = vector.shape_cast %get3A_1477 : vector<16xf32> to vector<16xf32>
    %mul3A_1479 = arith.constant 2.000000e+00 : f32
    %mul3A_1480 = vector.broadcast %mul3A_1479 : f32 to vector<16xf32>
    %mul3A_1481 = arith.mulf %get3A_1478, %mul3A_1480 : vector<16xf32>
    %sub3A_1482 = arith.constant 5.000000e-01 : f32
    %sub3A_1483 = vector.broadcast %sub3A_1482 : f32 to vector<16xf32>
    %sub3A_1484 = arith.subf %mul3A_1481, %sub3A_1483 : vector<16xf32>
    %convert_element_type3A_1485 = arith.fptosi %sub3A_1484 : vector<16xf32> to vector<16xi32>
    %convert_element_type3A_1486 = arith.sitofp %convert_element_type3A_1485 : vector<16xi32> to vector<16xf32>
    %gt3A_1487 = arith.cmpf ogt, %sub3A_1484, %convert_element_type3A_1486 : vector<16xf32>
    %jit3A_1488 = arith.constant 1 : i32
    %jit3A_1489 = arith.constant 0 : i32
    %broadcast_in_dim3A_1490 = vector.broadcast %jit3A_1488 : i32 to vector<16xi32>
    %broadcast_in_dim3A_1491 = vector.broadcast %jit3A_1489 : i32 to vector<16xi32>
    %select_n3A_1492 = arith.select %gt3A_1487, %broadcast_in_dim3A_1490, %broadcast_in_dim3A_1491 : vector<16xi1>, vector<16xi32>
    %add3A_1493 = arith.addi %convert_element_type3A_1485, %select_n3A_1492 : vector<16xi32>
    %max3A_1494 = arith.constant 0 : i32
    %max3A_1495 = vector.broadcast %max3A_1494 : i32 to vector<16xi32>
    %max3A_1496 = arith.maxsi %add3A_1493, %max3A_1495 : vector<16xi32>
    %min3A_1497 = arith.constant 7 : i32
    %min3A_1498 = vector.broadcast %min3A_1497 : i32 to vector<16xi32>
    %min3A_1499 = arith.minsi %max3A_1496, %min3A_1498 : vector<16xi32>
    %mul3A_1500 = arith.constant 8 : i32
    %mul3A_1501 = vector.broadcast %mul3A_1500 : i32 to vector<16xi32>
    %mul3A_1502 = arith.muli %min3A_1499, %mul3A_1501 : vector<16xi32>
    %add3A_1503 = arith.addi %min3A_1475, %mul3A_1502 : vector<16xi32>
    %swap3A_1504 = arith.constant 6 : i32
    %swap3A_1505 = arith.index_cast %swap3A_1504 : i32 to index
    %swap3A_1506 = arith.constant 16 : index
    %swap3A_1507 = tpu.vector_load %arg8[%swap3A_1505, %swap3A_1506] {strides = array<i32>} : memref<8x64xi32, #tpu.memory_space<vmem>>, vector<1x16xi32>,
    %swap3A_1508 = vector.shape_cast %swap3A_1507 : vector<1x16xi32> to vector<16xi32>
    %swap3A_1509 = vector.shape_cast %add3A_1503 : vector<16xi32> to vector<1x16xi32>
    tpu.vector_store %arg8[%swap3A_1505, %swap3A_1506], %swap3A_1509 {strides = array<i32>} : memref<8x64xi32, #tpu.memory_space<vmem>>, vector<1x16xi32>,
    %get3A_1510 = arith.constant 416 : index
    %get3A_1511 = tpu.vector_load %arg6[%get3A_1510] {strides = array<i32>} : memref<512xf32, #tpu.memory_space<vmem>>, vector<16xf32>,
    %get3A_1512 = vector.shape_cast %get3A_1511 : vector<16xf32> to vector<16xf32>
    %mul3A_1513 = arith.constant 1.000000e+00 : f32
    %mul3A_1514 = vector.broadcast %mul3A_1513 : f32 to vector<16xf32>
    %mul3A_1515 = arith.mulf %get3A_1512, %mul3A_1514 : vector<16xf32>
    %sub3A_1516 = arith.constant 5.000000e-01 : f32
    %sub3A_1517 = vector.broadcast %sub3A_1516 : f32 to vector<16xf32>
    %sub3A_1518 = arith.subf %mul3A_1515, %sub3A_1517 : vector<16xf32>
    %convert_element_type3A_1519 = arith.fptosi %sub3A_1518 : vector<16xf32> to vector<16xi32>
    %convert_element_type3A_1520 = arith.sitofp %convert_element_type3A_1519 : vector<16xi32> to vector<16xf32>
    %gt3A_1521 = arith.cmpf ogt, %sub3A_1518, %convert_element_type3A_1520 : vector<16xf32>
    %jit3A_1522 = arith.constant 1 : i32
    %jit3A_1523 = arith.constant 0 : i32
    %broadcast_in_dim3A_1524 = vector.broadcast %jit3A_1522 : i32 to vector<16xi32>
    %broadcast_in_dim3A_1525 = vector.broadcast %jit3A_1523 : i32 to vector<16xi32>
    %select_n3A_1526 = arith.select %gt3A_1521, %broadcast_in_dim3A_1524, %broadcast_in_dim3A_1525 : vector<16xi1>, vector<16xi32>
    %add3A_1527 = arith.addi %convert_element_type3A_1519, %select_n3A_1526 : vector<16xi32>
    %max3A_1528 = arith.constant 0 : i32
    %max3A_1529 = vector.broadcast %max3A_1528 : i32 to vector<16xi32>
    %max3A_1530 = arith.maxsi %add3A_1527, %max3A_1529 : vector<16xi32>
    %min3A_1531 = arith.constant 7 : i32
    %min3A_1532 = vector.broadcast %min3A_1531 : i32 to vector<16xi32>
    %min3A_1533 = arith.minsi %max3A_1530, %min3A_1532 : vector<16xi32>
    %get3A_1534 = arith.constant 416 : index
    %get3A_1535 = tpu.vector_load %arg7[%get3A_1534] {strides = array<i32>} : memref<512xf32, #tpu.memory_space<vmem>>, vector<16xf32>,
    %get3A_1536 = vector.shape_cast %get3A_1535 : vector<16xf32> to vector<16xf32>
    %mul3A_1537 = arith.constant 2.000000e+00 : f32
    %mul3A_1538 = vector.broadcast %mul3A_1537 : f32 to vector<16xf32>
    %mul3A_1539 = arith.mulf %get3A_1536, %mul3A_1538 : vector<16xf32>
    %sub3A_1540 = arith.constant 5.000000e-01 : f32
    %sub3A_1541 = vector.broadcast %sub3A_1540 : f32 to vector<16xf32>
    %sub3A_1542 = arith.subf %mul3A_1539, %sub3A_1541 : vector<16xf32>
    %convert_element_type3A_1543 = arith.fptosi %sub3A_1542 : vector<16xf32> to vector<16xi32>
    %convert_element_type3A_1544 = arith.sitofp %convert_element_type3A_1543 : vector<16xi32> to vector<16xf32>
    %gt3A_1545 = arith.cmpf ogt, %sub3A_1542, %convert_element_type3A_1544 : vector<16xf32>
    %jit3A_1546 = arith.constant 1 : i32
    %jit3A_1547 = arith.constant 0 : i32
    %broadcast_in_dim3A_1548 = vector.broadcast %jit3A_1546 : i32 to vector<16xi32>
    %broadcast_in_dim3A_1549 = vector.broadcast %jit3A_1547 : i32 to vector<16xi32>
    %select_n3A_1550 = arith.select %gt3A_1545, %broadcast_in_dim3A_1548, %broadcast_in_dim3A_1549 : vector<16xi1>, vector<16xi32>
    %add3A_1551 = arith.addi %convert_element_type3A_1543, %select_n3A_1550 : vector<16xi32>
    %max3A_1552 = arith.constant 0 : i32
    %max3A_1553 = vector.broadcast %max3A_1552 : i32 to vector<16xi32>
    %max3A_1554 = arith.maxsi %add3A_1551, %max3A_1553 : vector<16xi32>
    %min3A_1555 = arith.constant 7 : i32
    %min3A_1556 = vector.broadcast %min3A_1555 : i32 to vector<16xi32>
    %min3A_1557 = arith.minsi %max3A_1554, %min3A_1556 : vector<16xi32>
    %mul3A_1558 = arith.constant 8 : i32
    %mul3A_1559 = vector.broadcast %mul3A_1558 : i32 to vector<16xi32>
    %mul3A_1560 = arith.muli %min3A_1557, %mul3A_1559 : vector<16xi32>
    %add3A_1561 = arith.addi %min3A_1533, %mul3A_1560 : vector<16xi32>
    %swap3A_1562 = arith.constant 6 : i32
    %swap3A_1563 = arith.index_cast %swap3A_1562 : i32 to index
    %swap3A_1564 = arith.constant 32 : index
    %swap3A_1565 = tpu.vector_load %arg8[%swap3A_1563, %swap3A_1564] {strides = array<i32>} : memref<8x64xi32, #tpu.memory_space<vmem>>, vector<1x16xi32>,
    %swap3A_1566 = vector.shape_cast %swap3A_1565 : vector<1x16xi32> to vector<16xi32>
    %swap3A_1567 = vector.shape_cast %add3A_1561 : vector<16xi32> to vector<1x16xi32>
    tpu.vector_store %arg8[%swap3A_1563, %swap3A_1564], %swap3A_1567 {strides = array<i32>} : memref<8x64xi32, #tpu.memory_space<vmem>>, vector<1x16xi32>,
    %get3A_1568 = arith.constant 432 : index
    %get3A_1569 = tpu.vector_load %arg6[%get3A_1568] {strides = array<i32>} : memref<512xf32, #tpu.memory_space<vmem>>, vector<16xf32>,
    %get3A_1570 = vector.shape_cast %get3A_1569 : vector<16xf32> to vector<16xf32>
    %mul3A_1571 = arith.constant 1.000000e+00 : f32
    %mul3A_1572 = vector.broadcast %mul3A_1571 : f32 to vector<16xf32>
    %mul3A_1573 = arith.mulf %get3A_1570, %mul3A_1572 : vector<16xf32>
    %sub3A_1574 = arith.constant 5.000000e-01 : f32
    %sub3A_1575 = vector.broadcast %sub3A_1574 : f32 to vector<16xf32>
    %sub3A_1576 = arith.subf %mul3A_1573, %sub3A_1575 : vector<16xf32>
    %convert_element_type3A_1577 = arith.fptosi %sub3A_1576 : vector<16xf32> to vector<16xi32>
    %convert_element_type3A_1578 = arith.sitofp %convert_element_type3A_1577 : vector<16xi32> to vector<16xf32>
    %gt3A_1579 = arith.cmpf ogt, %sub3A_1576, %convert_element_type3A_1578 : vector<16xf32>
    %jit3A_1580 = arith.constant 1 : i32
    %jit3A_1581 = arith.constant 0 : i32
    %broadcast_in_dim3A_1582 = vector.broadcast %jit3A_1580 : i32 to vector<16xi32>
    %broadcast_in_dim3A_1583 = vector.broadcast %jit3A_1581 : i32 to vector<16xi32>
    %select_n3A_1584 = arith.select %gt3A_1579, %broadcast_in_dim3A_1582, %broadcast_in_dim3A_1583 : vector<16xi1>, vector<16xi32>
    %add3A_1585 = arith.addi %convert_element_type3A_1577, %select_n3A_1584 : vector<16xi32>
    %max3A_1586 = arith.constant 0 : i32
    %max3A_1587 = vector.broadcast %max3A_1586 : i32 to vector<16xi32>
    %max3A_1588 = arith.maxsi %add3A_1585, %max3A_1587 : vector<16xi32>
    %min3A_1589 = arith.constant 7 : i32
    %min3A_1590 = vector.broadcast %min3A_1589 : i32 to vector<16xi32>
    %min3A_1591 = arith.minsi %max3A_1588, %min3A_1590 : vector<16xi32>
    %get3A_1592 = arith.constant 432 : index
    %get3A_1593 = tpu.vector_load %arg7[%get3A_1592] {strides = array<i32>} : memref<512xf32, #tpu.memory_space<vmem>>, vector<16xf32>,
    %get3A_1594 = vector.shape_cast %get3A_1593 : vector<16xf32> to vector<16xf32>
    %mul3A_1595 = arith.constant 2.000000e+00 : f32
    %mul3A_1596 = vector.broadcast %mul3A_1595 : f32 to vector<16xf32>
    %mul3A_1597 = arith.mulf %get3A_1594, %mul3A_1596 : vector<16xf32>
    %sub3A_1598 = arith.constant 5.000000e-01 : f32
    %sub3A_1599 = vector.broadcast %sub3A_1598 : f32 to vector<16xf32>
    %sub3A_1600 = arith.subf %mul3A_1597, %sub3A_1599 : vector<16xf32>
    %convert_element_type3A_1601 = arith.fptosi %sub3A_1600 : vector<16xf32> to vector<16xi32>
    %convert_element_type3A_1602 = arith.sitofp %convert_element_type3A_1601 : vector<16xi32> to vector<16xf32>
    %gt3A_1603 = arith.cmpf ogt, %sub3A_1600, %convert_element_type3A_1602 : vector<16xf32>
    %jit3A_1604 = arith.constant 1 : i32
    %jit3A_1605 = arith.constant 0 : i32
    %broadcast_in_dim3A_1606 = vector.broadcast %jit3A_1604 : i32 to vector<16xi32>
    %broadcast_in_dim3A_1607 = vector.broadcast %jit3A_1605 : i32 to vector<16xi32>
    %select_n3A_1608 = arith.select %gt3A_1603, %broadcast_in_dim3A_1606, %broadcast_in_dim3A_1607 : vector<16xi1>, vector<16xi32>
    %add3A_1609 = arith.addi %convert_element_type3A_1601, %select_n3A_1608 : vector<16xi32>
    %max3A_1610 = arith.constant 0 : i32
    %max3A_1611 = vector.broadcast %max3A_1610 : i32 to vector<16xi32>
    %max3A_1612 = arith.maxsi %add3A_1609, %max3A_1611 : vector<16xi32>
    %min3A_1613 = arith.constant 7 : i32
    %min3A_1614 = vector.broadcast %min3A_1613 : i32 to vector<16xi32>
    %min3A_1615 = arith.minsi %max3A_1612, %min3A_1614 : vector<16xi32>
    %mul3A_1616 = arith.constant 8 : i32
    %mul3A_1617 = vector.broadcast %mul3A_1616 : i32 to vector<16xi32>
    %mul3A_1618 = arith.muli %min3A_1615, %mul3A_1617 : vector<16xi32>
    %add3A_1619 = arith.addi %min3A_1591, %mul3A_1618 : vector<16xi32>
    %swap3A_1620 = arith.constant 6 : i32
    %swap3A_1621 = arith.index_cast %swap3A_1620 : i32 to index
    %swap3A_1622 = arith.constant 48 : index
    %swap3A_1623 = tpu.vector_load %arg8[%swap3A_1621, %swap3A_1622] {strides = array<i32>} : memref<8x64xi32, #tpu.memory_space<vmem>>, vector<1x16xi32>,
    %swap3A_1624 = vector.shape_cast %swap3A_1623 : vector<1x16xi32> to vector<16xi32>
    %swap3A_1625 = vector.shape_cast %add3A_1619 : vector<16xi32> to vector<1x16xi32>
    tpu.vector_store %arg8[%swap3A_1621, %swap3A_1622], %swap3A_1625 {strides = array<i32>} : memref<8x64xi32, #tpu.memory_space<vmem>>, vector<1x16xi32>,
    %get3A_1626 = arith.constant 448 : index
    %get3A_1627 = tpu.vector_load %arg6[%get3A_1626] {strides = array<i32>} : memref<512xf32, #tpu.memory_space<vmem>>, vector<16xf32>,
    %get3A_1628 = vector.shape_cast %get3A_1627 : vector<16xf32> to vector<16xf32>
    %mul3A_1629 = arith.constant 1.000000e+00 : f32
    %mul3A_1630 = vector.broadcast %mul3A_1629 : f32 to vector<16xf32>
    %mul3A_1631 = arith.mulf %get3A_1628, %mul3A_1630 : vector<16xf32>
    %sub3A_1632 = arith.constant 5.000000e-01 : f32
    %sub3A_1633 = vector.broadcast %sub3A_1632 : f32 to vector<16xf32>
    %sub3A_1634 = arith.subf %mul3A_1631, %sub3A_1633 : vector<16xf32>
    %convert_element_type3A_1635 = arith.fptosi %sub3A_1634 : vector<16xf32> to vector<16xi32>
    %convert_element_type3A_1636 = arith.sitofp %convert_element_type3A_1635 : vector<16xi32> to vector<16xf32>
    %gt3A_1637 = arith.cmpf ogt, %sub3A_1634, %convert_element_type3A_1636 : vector<16xf32>
    %jit3A_1638 = arith.constant 1 : i32
    %jit3A_1639 = arith.constant 0 : i32
    %broadcast_in_dim3A_1640 = vector.broadcast %jit3A_1638 : i32 to vector<16xi32>
    %broadcast_in_dim3A_1641 = vector.broadcast %jit3A_1639 : i32 to vector<16xi32>
    %select_n3A_1642 = arith.select %gt3A_1637, %broadcast_in_dim3A_1640, %broadcast_in_dim3A_1641 : vector<16xi1>, vector<16xi32>
    %add3A_1643 = arith.addi %convert_element_type3A_1635, %select_n3A_1642 : vector<16xi32>
    %max3A_1644 = arith.constant 0 : i32
    %max3A_1645 = vector.broadcast %max3A_1644 : i32 to vector<16xi32>
    %max3A_1646 = arith.maxsi %add3A_1643, %max3A_1645 : vector<16xi32>
    %min3A_1647 = arith.constant 7 : i32
    %min3A_1648 = vector.broadcast %min3A_1647 : i32 to vector<16xi32>
    %min3A_1649 = arith.minsi %max3A_1646, %min3A_1648 : vector<16xi32>
    %get3A_1650 = arith.constant 448 : index
    %get3A_1651 = tpu.vector_load %arg7[%get3A_1650] {strides = array<i32>} : memref<512xf32, #tpu.memory_space<vmem>>, vector<16xf32>,
    %get3A_1652 = vector.shape_cast %get3A_1651 : vector<16xf32> to vector<16xf32>
    %mul3A_1653 = arith.constant 2.000000e+00 : f32
    %mul3A_1654 = vector.broadcast %mul3A_1653 : f32 to vector<16xf32>
    %mul3A_1655 = arith.mulf %get3A_1652, %mul3A_1654 : vector<16xf32>
    %sub3A_1656 = arith.constant 5.000000e-01 : f32
    %sub3A_1657 = vector.broadcast %sub3A_1656 : f32 to vector<16xf32>
    %sub3A_1658 = arith.subf %mul3A_1655, %sub3A_1657 : vector<16xf32>
    %convert_element_type3A_1659 = arith.fptosi %sub3A_1658 : vector<16xf32> to vector<16xi32>
    %convert_element_type3A_1660 = arith.sitofp %convert_element_type3A_1659 : vector<16xi32> to vector<16xf32>
    %gt3A_1661 = arith.cmpf ogt, %sub3A_1658, %convert_element_type3A_1660 : vector<16xf32>
    %jit3A_1662 = arith.constant 1 : i32
    %jit3A_1663 = arith.constant 0 : i32
    %broadcast_in_dim3A_1664 = vector.broadcast %jit3A_1662 : i32 to vector<16xi32>
    %broadcast_in_dim3A_1665 = vector.broadcast %jit3A_1663 : i32 to vector<16xi32>
    %select_n3A_1666 = arith.select %gt3A_1661, %broadcast_in_dim3A_1664, %broadcast_in_dim3A_1665 : vector<16xi1>, vector<16xi32>
    %add3A_1667 = arith.addi %convert_element_type3A_1659, %select_n3A_1666 : vector<16xi32>
    %max3A_1668 = arith.constant 0 : i32
    %max3A_1669 = vector.broadcast %max3A_1668 : i32 to vector<16xi32>
    %max3A_1670 = arith.maxsi %add3A_1667, %max3A_1669 : vector<16xi32>
    %min3A_1671 = arith.constant 7 : i32
    %min3A_1672 = vector.broadcast %min3A_1671 : i32 to vector<16xi32>
    %min3A_1673 = arith.minsi %max3A_1670, %min3A_1672 : vector<16xi32>
    %mul3A_1674 = arith.constant 8 : i32
    %mul3A_1675 = vector.broadcast %mul3A_1674 : i32 to vector<16xi32>
    %mul3A_1676 = arith.muli %min3A_1673, %mul3A_1675 : vector<16xi32>
    %add3A_1677 = arith.addi %min3A_1649, %mul3A_1676 : vector<16xi32>
    %swap3A_1678 = arith.constant 7 : i32
    %swap3A_1679 = arith.index_cast %swap3A_1678 : i32 to index
    %swap3A_1680 = arith.constant 0 : index
    %swap3A_1681 = tpu.vector_load %arg8[%swap3A_1679, %swap3A_1680] {strides = array<i32>} : memref<8x64xi32, #tpu.memory_space<vmem>>, vector<1x16xi32>,
    %swap3A_1682 = vector.shape_cast %swap3A_1681 : vector<1x16xi32> to vector<16xi32>
    %swap3A_1683 = vector.shape_cast %add3A_1677 : vector<16xi32> to vector<1x16xi32>
    tpu.vector_store %arg8[%swap3A_1679, %swap3A_1680], %swap3A_1683 {strides = array<i32>} : memref<8x64xi32, #tpu.memory_space<vmem>>, vector<1x16xi32>,
    %get3A_1684 = arith.constant 464 : index
    %get3A_1685 = tpu.vector_load %arg6[%get3A_1684] {strides = array<i32>} : memref<512xf32, #tpu.memory_space<vmem>>, vector<16xf32>,
    %get3A_1686 = vector.shape_cast %get3A_1685 : vector<16xf32> to vector<16xf32>
    %mul3A_1687 = arith.constant 1.000000e+00 : f32
    %mul3A_1688 = vector.broadcast %mul3A_1687 : f32 to vector<16xf32>
    %mul3A_1689 = arith.mulf %get3A_1686, %mul3A_1688 : vector<16xf32>
    %sub3A_1690 = arith.constant 5.000000e-01 : f32
    %sub3A_1691 = vector.broadcast %sub3A_1690 : f32 to vector<16xf32>
    %sub3A_1692 = arith.subf %mul3A_1689, %sub3A_1691 : vector<16xf32>
    %convert_element_type3A_1693 = arith.fptosi %sub3A_1692 : vector<16xf32> to vector<16xi32>
    %convert_element_type3A_1694 = arith.sitofp %convert_element_type3A_1693 : vector<16xi32> to vector<16xf32>
    %gt3A_1695 = arith.cmpf ogt, %sub3A_1692, %convert_element_type3A_1694 : vector<16xf32>
    %jit3A_1696 = arith.constant 1 : i32
    %jit3A_1697 = arith.constant 0 : i32
    %broadcast_in_dim3A_1698 = vector.broadcast %jit3A_1696 : i32 to vector<16xi32>
    %broadcast_in_dim3A_1699 = vector.broadcast %jit3A_1697 : i32 to vector<16xi32>
    %select_n3A_1700 = arith.select %gt3A_1695, %broadcast_in_dim3A_1698, %broadcast_in_dim3A_1699 : vector<16xi1>, vector<16xi32>
    %add3A_1701 = arith.addi %convert_element_type3A_1693, %select_n3A_1700 : vector<16xi32>
    %max3A_1702 = arith.constant 0 : i32
    %max3A_1703 = vector.broadcast %max3A_1702 : i32 to vector<16xi32>
    %max3A_1704 = arith.maxsi %add3A_1701, %max3A_1703 : vector<16xi32>
    %min3A_1705 = arith.constant 7 : i32
    %min3A_1706 = vector.broadcast %min3A_1705 : i32 to vector<16xi32>
    %min3A_1707 = arith.minsi %max3A_1704, %min3A_1706 : vector<16xi32>
    %get3A_1708 = arith.constant 464 : index
    %get3A_1709 = tpu.vector_load %arg7[%get3A_1708] {strides = array<i32>} : memref<512xf32, #tpu.memory_space<vmem>>, vector<16xf32>,
    %get3A_1710 = vector.shape_cast %get3A_1709 : vector<16xf32> to vector<16xf32>
    %mul3A_1711 = arith.constant 2.000000e+00 : f32
    %mul3A_1712 = vector.broadcast %mul3A_1711 : f32 to vector<16xf32>
    %mul3A_1713 = arith.mulf %get3A_1710, %mul3A_1712 : vector<16xf32>
    %sub3A_1714 = arith.constant 5.000000e-01 : f32
    %sub3A_1715 = vector.broadcast %sub3A_1714 : f32 to vector<16xf32>
    %sub3A_1716 = arith.subf %mul3A_1713, %sub3A_1715 : vector<16xf32>
    %convert_element_type3A_1717 = arith.fptosi %sub3A_1716 : vector<16xf32> to vector<16xi32>
    %convert_element_type3A_1718 = arith.sitofp %convert_element_type3A_1717 : vector<16xi32> to vector<16xf32>
    %gt3A_1719 = arith.cmpf ogt, %sub3A_1716, %convert_element_type3A_1718 : vector<16xf32>
    %jit3A_1720 = arith.constant 1 : i32
    %jit3A_1721 = arith.constant 0 : i32
    %broadcast_in_dim3A_1722 = vector.broadcast %jit3A_1720 : i32 to vector<16xi32>
    %broadcast_in_dim3A_1723 = vector.broadcast %jit3A_1721 : i32 to vector<16xi32>
    %select_n3A_1724 = arith.select %gt3A_1719, %broadcast_in_dim3A_1722, %broadcast_in_dim3A_1723 : vector<16xi1>, vector<16xi32>
    %add3A_1725 = arith.addi %convert_element_type3A_1717, %select_n3A_1724 : vector<16xi32>
    %max3A_1726 = arith.constant 0 : i32
    %max3A_1727 = vector.broadcast %max3A_1726 : i32 to vector<16xi32>
    %max3A_1728 = arith.maxsi %add3A_1725, %max3A_1727 : vector<16xi32>
    %min3A_1729 = arith.constant 7 : i32
    %min3A_1730 = vector.broadcast %min3A_1729 : i32 to vector<16xi32>
    %min3A_1731 = arith.minsi %max3A_1728, %min3A_1730 : vector<16xi32>
    %mul3A_1732 = arith.constant 8 : i32
    %mul3A_1733 = vector.broadcast %mul3A_1732 : i32 to vector<16xi32>
    %mul3A_1734 = arith.muli %min3A_1731, %mul3A_1733 : vector<16xi32>
    %add3A_1735 = arith.addi %min3A_1707, %mul3A_1734 : vector<16xi32>
    %swap3A_1736 = arith.constant 7 : i32
    %swap3A_1737 = arith.index_cast %swap3A_1736 : i32 to index
    %swap3A_1738 = arith.constant 16 : index
    %swap3A_1739 = tpu.vector_load %arg8[%swap3A_1737, %swap3A_1738] {strides = array<i32>} : memref<8x64xi32, #tpu.memory_space<vmem>>, vector<1x16xi32>,
    %swap3A_1740 = vector.shape_cast %swap3A_1739 : vector<1x16xi32> to vector<16xi32>
    %swap3A_1741 = vector.shape_cast %add3A_1735 : vector<16xi32> to vector<1x16xi32>
    tpu.vector_store %arg8[%swap3A_1737, %swap3A_1738], %swap3A_1741 {strides = array<i32>} : memref<8x64xi32, #tpu.memory_space<vmem>>, vector<1x16xi32>,
    %get3A_1742 = arith.constant 480 : index
    %get3A_1743 = tpu.vector_load %arg6[%get3A_1742] {strides = array<i32>} : memref<512xf32, #tpu.memory_space<vmem>>, vector<16xf32>,
    %get3A_1744 = vector.shape_cast %get3A_1743 : vector<16xf32> to vector<16xf32>
    %mul3A_1745 = arith.constant 1.000000e+00 : f32
    %mul3A_1746 = vector.broadcast %mul3A_1745 : f32 to vector<16xf32>
    %mul3A_1747 = arith.mulf %get3A_1744, %mul3A_1746 : vector<16xf32>
    %sub3A_1748 = arith.constant 5.000000e-01 : f32
    %sub3A_1749 = vector.broadcast %sub3A_1748 : f32 to vector<16xf32>
    %sub3A_1750 = arith.subf %mul3A_1747, %sub3A_1749 : vector<16xf32>
    %convert_element_type3A_1751 = arith.fptosi %sub3A_1750 : vector<16xf32> to vector<16xi32>
    %convert_element_type3A_1752 = arith.sitofp %convert_element_type3A_1751 : vector<16xi32> to vector<16xf32>
    %gt3A_1753 = arith.cmpf ogt, %sub3A_1750, %convert_element_type3A_1752 : vector<16xf32>
    %jit3A_1754 = arith.constant 1 : i32
    %jit3A_1755 = arith.constant 0 : i32
    %broadcast_in_dim3A_1756 = vector.broadcast %jit3A_1754 : i32 to vector<16xi32>
    %broadcast_in_dim3A_1757 = vector.broadcast %jit3A_1755 : i32 to vector<16xi32>
    %select_n3A_1758 = arith.select %gt3A_1753, %broadcast_in_dim3A_1756, %broadcast_in_dim3A_1757 : vector<16xi1>, vector<16xi32>
    %add3A_1759 = arith.addi %convert_element_type3A_1751, %select_n3A_1758 : vector<16xi32>
    %max3A_1760 = arith.constant 0 : i32
    %max3A_1761 = vector.broadcast %max3A_1760 : i32 to vector<16xi32>
    %max3A_1762 = arith.maxsi %add3A_1759, %max3A_1761 : vector<16xi32>
    %min3A_1763 = arith.constant 7 : i32
    %min3A_1764 = vector.broadcast %min3A_1763 : i32 to vector<16xi32>
    %min3A_1765 = arith.minsi %max3A_1762, %min3A_1764 : vector<16xi32>
    %get3A_1766 = arith.constant 480 : index
    %get3A_1767 = tpu.vector_load %arg7[%get3A_1766] {strides = array<i32>} : memref<512xf32, #tpu.memory_space<vmem>>, vector<16xf32>,
    %get3A_1768 = vector.shape_cast %get3A_1767 : vector<16xf32> to vector<16xf32>
    %mul3A_1769 = arith.constant 2.000000e+00 : f32
    %mul3A_1770 = vector.broadcast %mul3A_1769 : f32 to vector<16xf32>
    %mul3A_1771 = arith.mulf %get3A_1768, %mul3A_1770 : vector<16xf32>
    %sub3A_1772 = arith.constant 5.000000e-01 : f32
    %sub3A_1773 = vector.broadcast %sub3A_1772 : f32 to vector<16xf32>
    %sub3A_1774 = arith.subf %mul3A_1771, %sub3A_1773 : vector<16xf32>
    %convert_element_type3A_1775 = arith.fptosi %sub3A_1774 : vector<16xf32> to vector<16xi32>
    %convert_element_type3A_1776 = arith.sitofp %convert_element_type3A_1775 : vector<16xi32> to vector<16xf32>
    %gt3A_1777 = arith.cmpf ogt, %sub3A_1774, %convert_element_type3A_1776 : vector<16xf32>
    %jit3A_1778 = arith.constant 1 : i32
    %jit3A_1779 = arith.constant 0 : i32
    %broadcast_in_dim3A_1780 = vector.broadcast %jit3A_1778 : i32 to vector<16xi32>
    %broadcast_in_dim3A_1781 = vector.broadcast %jit3A_1779 : i32 to vector<16xi32>
    %select_n3A_1782 = arith.select %gt3A_1777, %broadcast_in_dim3A_1780, %broadcast_in_dim3A_1781 : vector<16xi1>, vector<16xi32>
    %add3A_1783 = arith.addi %convert_element_type3A_1775, %select_n3A_1782 : vector<16xi32>
    %max3A_1784 = arith.constant 0 : i32
    %max3A_1785 = vector.broadcast %max3A_1784 : i32 to vector<16xi32>
    %max3A_1786 = arith.maxsi %add3A_1783, %max3A_1785 : vector<16xi32>
    %min3A_1787 = arith.constant 7 : i32
    %min3A_1788 = vector.broadcast %min3A_1787 : i32 to vector<16xi32>
    %min3A_1789 = arith.minsi %max3A_1786, %min3A_1788 : vector<16xi32>
    %mul3A_1790 = arith.constant 8 : i32
    %mul3A_1791 = vector.broadcast %mul3A_1790 : i32 to vector<16xi32>
    %mul3A_1792 = arith.muli %min3A_1789, %mul3A_1791 : vector<16xi32>
    %add3A_1793 = arith.addi %min3A_1765, %mul3A_1792 : vector<16xi32>
    %swap3A_1794 = arith.constant 7 : i32
    %swap3A_1795 = arith.index_cast %swap3A_1794 : i32 to index
    %swap3A_1796 = arith.constant 32 : index
    %swap3A_1797 = tpu.vector_load %arg8[%swap3A_1795, %swap3A_1796] {strides = array<i32>} : memref<8x64xi32, #tpu.memory_space<vmem>>, vector<1x16xi32>,
    %swap3A_1798 = vector.shape_cast %swap3A_1797 : vector<1x16xi32> to vector<16xi32>
    %swap3A_1799 = vector.shape_cast %add3A_1793 : vector<16xi32> to vector<1x16xi32>
    tpu.vector_store %arg8[%swap3A_1795, %swap3A_1796], %swap3A_1799 {strides = array<i32>} : memref<8x64xi32, #tpu.memory_space<vmem>>, vector<1x16xi32>,
    %get3A_1800 = arith.constant 496 : index
    %get3A_1801 = tpu.vector_load %arg6[%get3A_1800] {strides = array<i32>} : memref<512xf32, #tpu.memory_space<vmem>>, vector<16xf32>,
    %get3A_1802 = vector.shape_cast %get3A_1801 : vector<16xf32> to vector<16xf32>
    %mul3A_1803 = arith.constant 1.000000e+00 : f32
    %mul3A_1804 = vector.broadcast %mul3A_1803 : f32 to vector<16xf32>
    %mul3A_1805 = arith.mulf %get3A_1802, %mul3A_1804 : vector<16xf32>
    %sub3A_1806 = arith.constant 5.000000e-01 : f32
    %sub3A_1807 = vector.broadcast %sub3A_1806 : f32 to vector<16xf32>
    %sub3A_1808 = arith.subf %mul3A_1805, %sub3A_1807 : vector<16xf32>
    %convert_element_type3A_1809 = arith.fptosi %sub3A_1808 : vector<16xf32> to vector<16xi32>
    %convert_element_type3A_1810 = arith.sitofp %convert_element_type3A_1809 : vector<16xi32> to vector<16xf32>
    %gt3A_1811 = arith.cmpf ogt, %sub3A_1808, %convert_element_type3A_1810 : vector<16xf32>
    %jit3A_1812 = arith.constant 1 : i32
    %jit3A_1813 = arith.constant 0 : i32
    %broadcast_in_dim3A_1814 = vector.broadcast %jit3A_1812 : i32 to vector<16xi32>
    %broadcast_in_dim3A_1815 = vector.broadcast %jit3A_1813 : i32 to vector<16xi32>
    %select_n3A_1816 = arith.select %gt3A_1811, %broadcast_in_dim3A_1814, %broadcast_in_dim3A_1815 : vector<16xi1>, vector<16xi32>
    %add3A_1817 = arith.addi %convert_element_type3A_1809, %select_n3A_1816 : vector<16xi32>
    %max3A_1818 = arith.constant 0 : i32
    %max3A_1819 = vector.broadcast %max3A_1818 : i32 to vector<16xi32>
    %max3A_1820 = arith.maxsi %add3A_1817, %max3A_1819 : vector<16xi32>
    %min3A_1821 = arith.constant 7 : i32
    %min3A_1822 = vector.broadcast %min3A_1821 : i32 to vector<16xi32>
    %min3A_1823 = arith.minsi %max3A_1820, %min3A_1822 : vector<16xi32>
    %get3A_1824 = arith.constant 496 : index
    %get3A_1825 = tpu.vector_load %arg7[%get3A_1824] {strides = array<i32>} : memref<512xf32, #tpu.memory_space<vmem>>, vector<16xf32>,
    %get3A_1826 = vector.shape_cast %get3A_1825 : vector<16xf32> to vector<16xf32>
    %mul3A_1827 = arith.constant 2.000000e+00 : f32
    %mul3A_1828 = vector.broadcast %mul3A_1827 : f32 to vector<16xf32>
    %mul3A_1829 = arith.mulf %get3A_1826, %mul3A_1828 : vector<16xf32>
    %sub3A_1830 = arith.constant 5.000000e-01 : f32
    %sub3A_1831 = vector.broadcast %sub3A_1830 : f32 to vector<16xf32>
    %sub3A_1832 = arith.subf %mul3A_1829, %sub3A_1831 : vector<16xf32>
    %convert_element_type3A_1833 = arith.fptosi %sub3A_1832 : vector<16xf32> to vector<16xi32>
    %convert_element_type3A_1834 = arith.sitofp %convert_element_type3A_1833 : vector<16xi32> to vector<16xf32>
    %gt3A_1835 = arith.cmpf ogt, %sub3A_1832, %convert_element_type3A_1834 : vector<16xf32>
    %jit3A_1836 = arith.constant 1 : i32
    %jit3A_1837 = arith.constant 0 : i32
    %broadcast_in_dim3A_1838 = vector.broadcast %jit3A_1836 : i32 to vector<16xi32>
    %broadcast_in_dim3A_1839 = vector.broadcast %jit3A_1837 : i32 to vector<16xi32>
    %select_n3A_1840 = arith.select %gt3A_1835, %broadcast_in_dim3A_1838, %broadcast_in_dim3A_1839 : vector<16xi1>, vector<16xi32>
    %add3A_1841 = arith.addi %convert_element_type3A_1833, %select_n3A_1840 : vector<16xi32>
    %max3A_1842 = arith.constant 0 : i32
    %max3A_1843 = vector.broadcast %max3A_1842 : i32 to vector<16xi32>
    %max3A_1844 = arith.maxsi %add3A_1841, %max3A_1843 : vector<16xi32>
    %min3A_1845 = arith.constant 7 : i32
    %min3A_1846 = vector.broadcast %min3A_1845 : i32 to vector<16xi32>
    %min3A_1847 = arith.minsi %max3A_1844, %min3A_1846 : vector<16xi32>
    %mul3A_1848 = arith.constant 8 : i32
    %mul3A_1849 = vector.broadcast %mul3A_1848 : i32 to vector<16xi32>
    %mul3A_1850 = arith.muli %min3A_1847, %mul3A_1849 : vector<16xi32>
    %add3A_1851 = arith.addi %min3A_1823, %mul3A_1850 : vector<16xi32>
    %swap3A_1852 = arith.constant 7 : i32
    %swap3A_1853 = arith.index_cast %swap3A_1852 : i32 to index
    %swap3A_1854 = arith.constant 48 : index
    %swap3A_1855 = tpu.vector_load %arg8[%swap3A_1853, %swap3A_1854] {strides = array<i32>} : memref<8x64xi32, #tpu.memory_space<vmem>>, vector<1x16xi32>,
    %swap3A_1856 = vector.shape_cast %swap3A_1855 : vector<1x16xi32> to vector<16xi32>
    %swap3A_1857 = vector.shape_cast %add3A_1851 : vector<16xi32> to vector<1x16xi32>
    tpu.vector_store %arg8[%swap3A_1853, %swap3A_1854], %swap3A_1857 {strides = array<i32>} : memref<8x64xi32, #tpu.memory_space<vmem>>, vector<1x16xi32>,
    %eq3A_1858 = arith.constant 0 : i32
    %eq3A_1859 = arith.cmpi eq, %arg1, %eq3A_1858 : i32
    %convert_element_type3A_1860 = arith.extui %eq3A_1859 : i1 to i32
    %cond3A_1861 = arith.constant 0 : i32
    %cond3A_1862 = arith.cmpi ne, %convert_element_type3A_1860, %cond3A_1861 : i32
    scf.if %cond3A_1862 {
      tpu.wait_dma2 semaphore(%arg12 : memref<!tpu.dma_semaphore, #tpu.memory_space<semaphore_mem>>) src(%arg4 : memref<64x128xf32, #tpu.memory_space<hbm>>) dst(%arg10 : memref<64x128xf32, #tpu.memory_space<vmem_shared>>)
    } else {
    }
    %barrier3A = arith.constant 0 : index
    tpu.barrier barrier_id(%barrier3A)
    %dma_start3A_1863 = arith.constant 0 : i32
    %dma_start3A_1864 = arith.constant 0 : i32
    %dma_start3A_1865 = arith.constant 0 : i32
    %dma_start3A_1866 = tpu.memref_slice %arg9[%dma_start3A_1864, %dma_start3A_1865] : memref<512x128xf32, #tpu.memory_space<vmem>> -> memref<64x128xf32, #tpu.memory_space<vmem>>
    %dma_start3A_1867 = arith.constant 0 : i32
    %dma_start3A_1868 = tpu.memref_slice %arg8[%dma_start3A_1863, %dma_start3A_1867] : memref<8x64xi32, #tpu.memory_space<vmem>> -> memref<1x64xi32, #tpu.memory_space<vmem>>
    %dma_start3A_1869 = tpu.memref_squeeze %dma_start3A_1868 : memref<1x64xi32, #tpu.memory_space<vmem>> -> memref<64xi32, #tpu.memory_space<vmem>>
    %dma_start3A_1870 = arith.constant 0 : i32
    %dma_start3A_1871 = arith.constant 0 : i32
    %dma_start3A_1872 = tpu.memref_slice %arg10[%dma_start3A_1870, %dma_start3A_1871] : memref<64x128xf32, #tpu.memory_space<vmem_shared>> -> memref<64x128xf32, #tpu.memory_space<vmem_shared>>
    tpu.enqueue_indirect_dma source(%dma_start3A_1872 : memref<64x128xf32, #tpu.memory_space<vmem_shared>>) target(%dma_start3A_1866 : memref<64x128xf32, #tpu.memory_space<vmem>>) offsets(%dma_start3A_1869 : memref<64xi32, #tpu.memory_space<vmem>>) semaphore(%arg11 : memref<!tpu.dma_semaphore, #tpu.memory_space<semaphore_mem>>)
    %dma_start3A_1873 = arith.constant 1 : i32
    %dma_start3A_1874 = arith.constant 64 : i32
    %dma_start3A_1875 = arith.constant 0 : i32
    %dma_start3A_1876 = tpu.memref_slice %arg9[%dma_start3A_1874, %dma_start3A_1875] : memref<512x128xf32, #tpu.memory_space<vmem>> -> memref<64x128xf32, #tpu.memory_space<vmem>>
    %dma_start3A_1877 = arith.constant 0 : i32
    %dma_start3A_1878 = tpu.memref_slice %arg8[%dma_start3A_1873, %dma_start3A_1877] : memref<8x64xi32, #tpu.memory_space<vmem>> -> memref<1x64xi32, #tpu.memory_space<vmem>>
    %dma_start3A_1879 = tpu.memref_squeeze %dma_start3A_1878 : memref<1x64xi32, #tpu.memory_space<vmem>> -> memref<64xi32, #tpu.memory_space<vmem>>
    %dma_start3A_1880 = arith.constant 0 : i32
    %dma_start3A_1881 = arith.constant 0 : i32
    %dma_start3A_1882 = tpu.memref_slice %arg10[%dma_start3A_1880, %dma_start3A_1881] : memref<64x128xf32, #tpu.memory_space<vmem_shared>> -> memref<64x128xf32, #tpu.memory_space<vmem_shared>>
    tpu.enqueue_indirect_dma source(%dma_start3A_1882 : memref<64x128xf32, #tpu.memory_space<vmem_shared>>) target(%dma_start3A_1876 : memref<64x128xf32, #tpu.memory_space<vmem>>) offsets(%dma_start3A_1879 : memref<64xi32, #tpu.memory_space<vmem>>) semaphore(%arg11 : memref<!tpu.dma_semaphore, #tpu.memory_space<semaphore_mem>>)
    %dma_start3A_1883 = arith.constant 2 : i32
    %dma_start3A_1884 = arith.constant 128 : i32
    %dma_start3A_1885 = arith.constant 0 : i32
    %dma_start3A_1886 = tpu.memref_slice %arg9[%dma_start3A_1884, %dma_start3A_1885] : memref<512x128xf32, #tpu.memory_space<vmem>> -> memref<64x128xf32, #tpu.memory_space<vmem>>
    %dma_start3A_1887 = arith.constant 0 : i32
    %dma_start3A_1888 = tpu.memref_slice %arg8[%dma_start3A_1883, %dma_start3A_1887] : memref<8x64xi32, #tpu.memory_space<vmem>> -> memref<1x64xi32, #tpu.memory_space<vmem>>
    %dma_start3A_1889 = tpu.memref_squeeze %dma_start3A_1888 : memref<1x64xi32, #tpu.memory_space<vmem>> -> memref<64xi32, #tpu.memory_space<vmem>>
    %dma_start3A_1890 = arith.constant 0 : i32
    %dma_start3A_1891 = arith.constant 0 : i32
    %dma_start3A_1892 = tpu.memref_slice %arg10[%dma_start3A_1890, %dma_start3A_1891] : memref<64x128xf32, #tpu.memory_space<vmem_shared>> -> memref<64x128xf32, #tpu.memory_space<vmem_shared>>
    tpu.enqueue_indirect_dma source(%dma_start3A_1892 : memref<64x128xf32, #tpu.memory_space<vmem_shared>>) target(%dma_start3A_1886 : memref<64x128xf32, #tpu.memory_space<vmem>>) offsets(%dma_start3A_1889 : memref<64xi32, #tpu.memory_space<vmem>>) semaphore(%arg11 : memref<!tpu.dma_semaphore, #tpu.memory_space<semaphore_mem>>)
    %dma_start3A_1893 = arith.constant 3 : i32
    %dma_start3A_1894 = arith.constant 192 : i32
    %dma_start3A_1895 = arith.constant 0 : i32
    %dma_start3A_1896 = tpu.memref_slice %arg9[%dma_start3A_1894, %dma_start3A_1895] : memref<512x128xf32, #tpu.memory_space<vmem>> -> memref<64x128xf32, #tpu.memory_space<vmem>>
    %dma_start3A_1897 = arith.constant 0 : i32
    %dma_start3A_1898 = tpu.memref_slice %arg8[%dma_start3A_1893, %dma_start3A_1897] : memref<8x64xi32, #tpu.memory_space<vmem>> -> memref<1x64xi32, #tpu.memory_space<vmem>>
    %dma_start3A_1899 = tpu.memref_squeeze %dma_start3A_1898 : memref<1x64xi32, #tpu.memory_space<vmem>> -> memref<64xi32, #tpu.memory_space<vmem>>
    %dma_start3A_1900 = arith.constant 0 : i32
    %dma_start3A_1901 = arith.constant 0 : i32
    %dma_start3A_1902 = tpu.memref_slice %arg10[%dma_start3A_1900, %dma_start3A_1901] : memref<64x128xf32, #tpu.memory_space<vmem_shared>> -> memref<64x128xf32, #tpu.memory_space<vmem_shared>>
    tpu.enqueue_indirect_dma source(%dma_start3A_1902 : memref<64x128xf32, #tpu.memory_space<vmem_shared>>) target(%dma_start3A_1896 : memref<64x128xf32, #tpu.memory_space<vmem>>) offsets(%dma_start3A_1899 : memref<64xi32, #tpu.memory_space<vmem>>) semaphore(%arg11 : memref<!tpu.dma_semaphore, #tpu.memory_space<semaphore_mem>>)
    %dma_start3A_1903 = arith.constant 4 : i32
    %dma_start3A_1904 = arith.constant 256 : i32
    %dma_start3A_1905 = arith.constant 0 : i32
    %dma_start3A_1906 = tpu.memref_slice %arg9[%dma_start3A_1904, %dma_start3A_1905] : memref<512x128xf32, #tpu.memory_space<vmem>> -> memref<64x128xf32, #tpu.memory_space<vmem>>
    %dma_start3A_1907 = arith.constant 0 : i32
    %dma_start3A_1908 = tpu.memref_slice %arg8[%dma_start3A_1903, %dma_start3A_1907] : memref<8x64xi32, #tpu.memory_space<vmem>> -> memref<1x64xi32, #tpu.memory_space<vmem>>
    %dma_start3A_1909 = tpu.memref_squeeze %dma_start3A_1908 : memref<1x64xi32, #tpu.memory_space<vmem>> -> memref<64xi32, #tpu.memory_space<vmem>>
    %dma_start3A_1910 = arith.constant 0 : i32
    %dma_start3A_1911 = arith.constant 0 : i32
    %dma_start3A_1912 = tpu.memref_slice %arg10[%dma_start3A_1910, %dma_start3A_1911] : memref<64x128xf32, #tpu.memory_space<vmem_shared>> -> memref<64x128xf32, #tpu.memory_space<vmem_shared>>
    tpu.enqueue_indirect_dma source(%dma_start3A_1912 : memref<64x128xf32, #tpu.memory_space<vmem_shared>>) target(%dma_start3A_1906 : memref<64x128xf32, #tpu.memory_space<vmem>>) offsets(%dma_start3A_1909 : memref<64xi32, #tpu.memory_space<vmem>>) semaphore(%arg11 : memref<!tpu.dma_semaphore, #tpu.memory_space<semaphore_mem>>)
    %dma_start3A_1913 = arith.constant 5 : i32
    %dma_start3A_1914 = arith.constant 320 : i32
    %dma_start3A_1915 = arith.constant 0 : i32
    %dma_start3A_1916 = tpu.memref_slice %arg9[%dma_start3A_1914, %dma_start3A_1915] : memref<512x128xf32, #tpu.memory_space<vmem>> -> memref<64x128xf32, #tpu.memory_space<vmem>>
    %dma_start3A_1917 = arith.constant 0 : i32
    %dma_start3A_1918 = tpu.memref_slice %arg8[%dma_start3A_1913, %dma_start3A_1917] : memref<8x64xi32, #tpu.memory_space<vmem>> -> memref<1x64xi32, #tpu.memory_space<vmem>>
    %dma_start3A_1919 = tpu.memref_squeeze %dma_start3A_1918 : memref<1x64xi32, #tpu.memory_space<vmem>> -> memref<64xi32, #tpu.memory_space<vmem>>
    %dma_start3A_1920 = arith.constant 0 : i32
    %dma_start3A_1921 = arith.constant 0 : i32
    %dma_start3A_1922 = tpu.memref_slice %arg10[%dma_start3A_1920, %dma_start3A_1921] : memref<64x128xf32, #tpu.memory_space<vmem_shared>> -> memref<64x128xf32, #tpu.memory_space<vmem_shared>>
    tpu.enqueue_indirect_dma source(%dma_start3A_1922 : memref<64x128xf32, #tpu.memory_space<vmem_shared>>) target(%dma_start3A_1916 : memref<64x128xf32, #tpu.memory_space<vmem>>) offsets(%dma_start3A_1919 : memref<64xi32, #tpu.memory_space<vmem>>) semaphore(%arg11 : memref<!tpu.dma_semaphore, #tpu.memory_space<semaphore_mem>>)
    %dma_start3A_1923 = arith.constant 6 : i32
    %dma_start3A_1924 = arith.constant 384 : i32
    %dma_start3A_1925 = arith.constant 0 : i32
    %dma_start3A_1926 = tpu.memref_slice %arg9[%dma_start3A_1924, %dma_start3A_1925] : memref<512x128xf32, #tpu.memory_space<vmem>> -> memref<64x128xf32, #tpu.memory_space<vmem>>
    %dma_start3A_1927 = arith.constant 0 : i32
    %dma_start3A_1928 = tpu.memref_slice %arg8[%dma_start3A_1923, %dma_start3A_1927] : memref<8x64xi32, #tpu.memory_space<vmem>> -> memref<1x64xi32, #tpu.memory_space<vmem>>
    %dma_start3A_1929 = tpu.memref_squeeze %dma_start3A_1928 : memref<1x64xi32, #tpu.memory_space<vmem>> -> memref<64xi32, #tpu.memory_space<vmem>>
    %dma_start3A_1930 = arith.constant 0 : i32
    %dma_start3A_1931 = arith.constant 0 : i32
    %dma_start3A_1932 = tpu.memref_slice %arg10[%dma_start3A_1930, %dma_start3A_1931] : memref<64x128xf32, #tpu.memory_space<vmem_shared>> -> memref<64x128xf32, #tpu.memory_space<vmem_shared>>
    tpu.enqueue_indirect_dma source(%dma_start3A_1932 : memref<64x128xf32, #tpu.memory_space<vmem_shared>>) target(%dma_start3A_1926 : memref<64x128xf32, #tpu.memory_space<vmem>>) offsets(%dma_start3A_1929 : memref<64xi32, #tpu.memory_space<vmem>>) semaphore(%arg11 : memref<!tpu.dma_semaphore, #tpu.memory_space<semaphore_mem>>)
    %dma_start3A_1933 = arith.constant 7 : i32
    %dma_start3A_1934 = arith.constant 448 : i32
    %dma_start3A_1935 = arith.constant 0 : i32
    %dma_start3A_1936 = tpu.memref_slice %arg9[%dma_start3A_1934, %dma_start3A_1935] : memref<512x128xf32, #tpu.memory_space<vmem>> -> memref<64x128xf32, #tpu.memory_space<vmem>>
    %dma_start3A_1937 = arith.constant 0 : i32
    %dma_start3A_1938 = tpu.memref_slice %arg8[%dma_start3A_1933, %dma_start3A_1937] : memref<8x64xi32, #tpu.memory_space<vmem>> -> memref<1x64xi32, #tpu.memory_space<vmem>>
    %dma_start3A_1939 = tpu.memref_squeeze %dma_start3A_1938 : memref<1x64xi32, #tpu.memory_space<vmem>> -> memref<64xi32, #tpu.memory_space<vmem>>
    %dma_start3A_1940 = arith.constant 0 : i32
    %dma_start3A_1941 = arith.constant 0 : i32
    %dma_start3A_1942 = tpu.memref_slice %arg10[%dma_start3A_1940, %dma_start3A_1941] : memref<64x128xf32, #tpu.memory_space<vmem_shared>> -> memref<64x128xf32, #tpu.memory_space<vmem_shared>>
    tpu.enqueue_indirect_dma source(%dma_start3A_1942 : memref<64x128xf32, #tpu.memory_space<vmem_shared>>) target(%dma_start3A_1936 : memref<64x128xf32, #tpu.memory_space<vmem>>) offsets(%dma_start3A_1939 : memref<64xi32, #tpu.memory_space<vmem>>) semaphore(%arg11 : memref<!tpu.dma_semaphore, #tpu.memory_space<semaphore_mem>>)
    %dma_wait3A_1943 = arith.constant 0 : i32
    %dma_wait3A_1944 = arith.constant 0 : i32
    %dma_wait3A_1945 = arith.constant 0 : i32
    %dma_wait3A_1946 = tpu.memref_slice %arg9[%dma_wait3A_1944, %dma_wait3A_1945] : memref<512x128xf32, #tpu.memory_space<vmem>> -> memref<64x128xf32, #tpu.memory_space<vmem>>
    %dma_wait3A_1947 = arith.constant 0 : i32
    %dma_wait3A_1948 = tpu.memref_slice %arg8[%dma_wait3A_1943, %dma_wait3A_1947] : memref<8x64xi32, #tpu.memory_space<vmem>> -> memref<1x64xi32, #tpu.memory_space<vmem>>
    %dma_wait3A_1949 = tpu.memref_squeeze %dma_wait3A_1948 : memref<1x64xi32, #tpu.memory_space<vmem>> -> memref<64xi32, #tpu.memory_space<vmem>>
    %dma_wait3A_1950 = arith.constant 0 : i32
    %dma_wait3A_1951 = arith.constant 0 : i32
    %dma_wait3A_1952 = tpu.memref_slice %arg10[%dma_wait3A_1950, %dma_wait3A_1951] : memref<64x128xf32, #tpu.memory_space<vmem_shared>> -> memref<64x128xf32, #tpu.memory_space<vmem_shared>>
    tpu.wait_indirect_dma semaphore(%arg11 : memref<!tpu.dma_semaphore, #tpu.memory_space<semaphore_mem>>) src(%dma_wait3A_1952 : memref<64x128xf32, #tpu.memory_space<vmem_shared>>) dst(%dma_wait3A_1946 : memref<64x128xf32, #tpu.memory_space<vmem>>)
    %add3A_1953 = arith.constant 0 : i32
    %add3A_1954 = arith.addi %mul3A_2, %add3A_1953 : i32
    %dma_start3A_1955 = arith.constant 0 : i32
    %dma_start3A_1956 = arith.constant 0 : i32
    %dma_start3A_1957 = tpu.memref_slice %arg9[%dma_start3A_1955, %dma_start3A_1956] : memref<512x128xf32, #tpu.memory_space<vmem>> -> memref<64x128xf32, #tpu.memory_space<vmem>>
    %dma_start3A_1958 = arith.constant 0 : i32
    %dma_start3A_1959 = tpu.memref_slice %arg5[%add3A_1954, %dma_start3A_1958] : memref<16384x128xf32, #tpu.memory_space<hbm>> -> memref<64x128xf32, #tpu.memory_space<hbm>>
    %dma_start3A_1960 = arith.constant 0 : i32
    %dma_start3A_1961 = tpu.memref_slice %arg5[%add3A_1954, %dma_start3A_1960] : memref<16384x128xf32, #tpu.memory_space<hbm>> -> memref<64x128xf32, #tpu.memory_space<hbm>>
    %dma_start3A_1962 = arith.constant 0 : i32
    %dma_start3A_1963 = arith.constant 0 : i32
    %dma_start3A_1964 = tpu.memref_slice %arg9[%dma_start3A_1962, %dma_start3A_1963] : memref<512x128xf32, #tpu.memory_space<vmem>> -> memref<64x128xf32, #tpu.memory_space<vmem>>
    tpu.enqueue_dma source(%dma_start3A_1964 : memref<64x128xf32, #tpu.memory_space<vmem>>) target(%dma_start3A_1961 : memref<64x128xf32, #tpu.memory_space<hbm>>) target_semaphore(%arg12 : memref<!tpu.dma_semaphore, #tpu.memory_space<semaphore_mem>>)
    %dma_wait3A_1965 = arith.constant 1 : i32
    %dma_wait3A_1966 = arith.constant 64 : i32
    %dma_wait3A_1967 = arith.constant 0 : i32
    %dma_wait3A_1968 = tpu.memref_slice %arg9[%dma_wait3A_1966, %dma_wait3A_1967] : memref<512x128xf32, #tpu.memory_space<vmem>> -> memref<64x128xf32, #tpu.memory_space<vmem>>
    %dma_wait3A_1969 = arith.constant 0 : i32
    %dma_wait3A_1970 = tpu.memref_slice %arg8[%dma_wait3A_1965, %dma_wait3A_1969] : memref<8x64xi32, #tpu.memory_space<vmem>> -> memref<1x64xi32, #tpu.memory_space<vmem>>
    %dma_wait3A_1971 = tpu.memref_squeeze %dma_wait3A_1970 : memref<1x64xi32, #tpu.memory_space<vmem>> -> memref<64xi32, #tpu.memory_space<vmem>>
    %dma_wait3A_1972 = arith.constant 0 : i32
    %dma_wait3A_1973 = arith.constant 0 : i32
    %dma_wait3A_1974 = tpu.memref_slice %arg10[%dma_wait3A_1972, %dma_wait3A_1973] : memref<64x128xf32, #tpu.memory_space<vmem_shared>> -> memref<64x128xf32, #tpu.memory_space<vmem_shared>>
    tpu.wait_indirect_dma semaphore(%arg11 : memref<!tpu.dma_semaphore, #tpu.memory_space<semaphore_mem>>) src(%dma_wait3A_1974 : memref<64x128xf32, #tpu.memory_space<vmem_shared>>) dst(%dma_wait3A_1968 : memref<64x128xf32, #tpu.memory_space<vmem>>)
    %add3A_1975 = arith.constant 64 : i32
    %add3A_1976 = arith.addi %mul3A_2, %add3A_1975 : i32
    %dma_start3A_1977 = arith.constant 64 : i32
    %dma_start3A_1978 = arith.constant 0 : i32
    %dma_start3A_1979 = tpu.memref_slice %arg9[%dma_start3A_1977, %dma_start3A_1978] : memref<512x128xf32, #tpu.memory_space<vmem>> -> memref<64x128xf32, #tpu.memory_space<vmem>>
    %dma_start3A_1980 = arith.constant 0 : i32
    %dma_start3A_1981 = tpu.memref_slice %arg5[%add3A_1976, %dma_start3A_1980] : memref<16384x128xf32, #tpu.memory_space<hbm>> -> memref<64x128xf32, #tpu.memory_space<hbm>>
    %dma_start3A_1982 = arith.constant 0 : i32
    %dma_start3A_1983 = tpu.memref_slice %arg5[%add3A_1976, %dma_start3A_1982] : memref<16384x128xf32, #tpu.memory_space<hbm>> -> memref<64x128xf32, #tpu.memory_space<hbm>>
    %dma_start3A_1984 = arith.constant 64 : i32
    %dma_start3A_1985 = arith.constant 0 : i32
    %dma_start3A_1986 = tpu.memref_slice %arg9[%dma_start3A_1984, %dma_start3A_1985] : memref<512x128xf32, #tpu.memory_space<vmem>> -> memref<64x128xf32, #tpu.memory_space<vmem>>
    tpu.enqueue_dma source(%dma_start3A_1986 : memref<64x128xf32, #tpu.memory_space<vmem>>) target(%dma_start3A_1983 : memref<64x128xf32, #tpu.memory_space<hbm>>) target_semaphore(%arg12 : memref<!tpu.dma_semaphore, #tpu.memory_space<semaphore_mem>>)
    %dma_wait3A_1987 = arith.constant 2 : i32
    %dma_wait3A_1988 = arith.constant 128 : i32
    %dma_wait3A_1989 = arith.constant 0 : i32
    %dma_wait3A_1990 = tpu.memref_slice %arg9[%dma_wait3A_1988, %dma_wait3A_1989] : memref<512x128xf32, #tpu.memory_space<vmem>> -> memref<64x128xf32, #tpu.memory_space<vmem>>
    %dma_wait3A_1991 = arith.constant 0 : i32
    %dma_wait3A_1992 = tpu.memref_slice %arg8[%dma_wait3A_1987, %dma_wait3A_1991] : memref<8x64xi32, #tpu.memory_space<vmem>> -> memref<1x64xi32, #tpu.memory_space<vmem>>
    %dma_wait3A_1993 = tpu.memref_squeeze %dma_wait3A_1992 : memref<1x64xi32, #tpu.memory_space<vmem>> -> memref<64xi32, #tpu.memory_space<vmem>>
    %dma_wait3A_1994 = arith.constant 0 : i32
    %dma_wait3A_1995 = arith.constant 0 : i32
    %dma_wait3A_1996 = tpu.memref_slice %arg10[%dma_wait3A_1994, %dma_wait3A_1995] : memref<64x128xf32, #tpu.memory_space<vmem_shared>> -> memref<64x128xf32, #tpu.memory_space<vmem_shared>>
    tpu.wait_indirect_dma semaphore(%arg11 : memref<!tpu.dma_semaphore, #tpu.memory_space<semaphore_mem>>) src(%dma_wait3A_1996 : memref<64x128xf32, #tpu.memory_space<vmem_shared>>) dst(%dma_wait3A_1990 : memref<64x128xf32, #tpu.memory_space<vmem>>)
    %add3A_1997 = arith.constant 128 : i32
    %add3A_1998 = arith.addi %mul3A_2, %add3A_1997 : i32
    %dma_start3A_1999 = arith.constant 128 : i32
    %dma_start3A_2000 = arith.constant 0 : i32
    %dma_start3A_2001 = tpu.memref_slice %arg9[%dma_start3A_1999, %dma_start3A_2000] : memref<512x128xf32, #tpu.memory_space<vmem>> -> memref<64x128xf32, #tpu.memory_space<vmem>>
    %dma_start3A_2002 = arith.constant 0 : i32
    %dma_start3A_2003 = tpu.memref_slice %arg5[%add3A_1998, %dma_start3A_2002] : memref<16384x128xf32, #tpu.memory_space<hbm>> -> memref<64x128xf32, #tpu.memory_space<hbm>>
    %dma_start3A_2004 = arith.constant 0 : i32
    %dma_start3A_2005 = tpu.memref_slice %arg5[%add3A_1998, %dma_start3A_2004] : memref<16384x128xf32, #tpu.memory_space<hbm>> -> memref<64x128xf32, #tpu.memory_space<hbm>>
    %dma_start3A_2006 = arith.constant 128 : i32
    %dma_start3A_2007 = arith.constant 0 : i32
    %dma_start3A_2008 = tpu.memref_slice %arg9[%dma_start3A_2006, %dma_start3A_2007] : memref<512x128xf32, #tpu.memory_space<vmem>> -> memref<64x128xf32, #tpu.memory_space<vmem>>
    tpu.enqueue_dma source(%dma_start3A_2008 : memref<64x128xf32, #tpu.memory_space<vmem>>) target(%dma_start3A_2005 : memref<64x128xf32, #tpu.memory_space<hbm>>) target_semaphore(%arg12 : memref<!tpu.dma_semaphore, #tpu.memory_space<semaphore_mem>>)
    %dma_wait3A_2009 = arith.constant 3 : i32
    %dma_wait3A_2010 = arith.constant 192 : i32
    %dma_wait3A_2011 = arith.constant 0 : i32
    %dma_wait3A_2012 = tpu.memref_slice %arg9[%dma_wait3A_2010, %dma_wait3A_2011] : memref<512x128xf32, #tpu.memory_space<vmem>> -> memref<64x128xf32, #tpu.memory_space<vmem>>
    %dma_wait3A_2013 = arith.constant 0 : i32
    %dma_wait3A_2014 = tpu.memref_slice %arg8[%dma_wait3A_2009, %dma_wait3A_2013] : memref<8x64xi32, #tpu.memory_space<vmem>> -> memref<1x64xi32, #tpu.memory_space<vmem>>
    %dma_wait3A_2015 = tpu.memref_squeeze %dma_wait3A_2014 : memref<1x64xi32, #tpu.memory_space<vmem>> -> memref<64xi32, #tpu.memory_space<vmem>>
    %dma_wait3A_2016 = arith.constant 0 : i32
    %dma_wait3A_2017 = arith.constant 0 : i32
    %dma_wait3A_2018 = tpu.memref_slice %arg10[%dma_wait3A_2016, %dma_wait3A_2017] : memref<64x128xf32, #tpu.memory_space<vmem_shared>> -> memref<64x128xf32, #tpu.memory_space<vmem_shared>>
    tpu.wait_indirect_dma semaphore(%arg11 : memref<!tpu.dma_semaphore, #tpu.memory_space<semaphore_mem>>) src(%dma_wait3A_2018 : memref<64x128xf32, #tpu.memory_space<vmem_shared>>) dst(%dma_wait3A_2012 : memref<64x128xf32, #tpu.memory_space<vmem>>)
    %add3A_2019 = arith.constant 192 : i32
    %add3A_2020 = arith.addi %mul3A_2, %add3A_2019 : i32
    %dma_start3A_2021 = arith.constant 192 : i32
    %dma_start3A_2022 = arith.constant 0 : i32
    %dma_start3A_2023 = tpu.memref_slice %arg9[%dma_start3A_2021, %dma_start3A_2022] : memref<512x128xf32, #tpu.memory_space<vmem>> -> memref<64x128xf32, #tpu.memory_space<vmem>>
    %dma_start3A_2024 = arith.constant 0 : i32
    %dma_start3A_2025 = tpu.memref_slice %arg5[%add3A_2020, %dma_start3A_2024] : memref<16384x128xf32, #tpu.memory_space<hbm>> -> memref<64x128xf32, #tpu.memory_space<hbm>>
    %dma_start3A_2026 = arith.constant 0 : i32
    %dma_start3A_2027 = tpu.memref_slice %arg5[%add3A_2020, %dma_start3A_2026] : memref<16384x128xf32, #tpu.memory_space<hbm>> -> memref<64x128xf32, #tpu.memory_space<hbm>>
    %dma_start3A_2028 = arith.constant 192 : i32
    %dma_start3A_2029 = arith.constant 0 : i32
    %dma_start3A_2030 = tpu.memref_slice %arg9[%dma_start3A_2028, %dma_start3A_2029] : memref<512x128xf32, #tpu.memory_space<vmem>> -> memref<64x128xf32, #tpu.memory_space<vmem>>
    tpu.enqueue_dma source(%dma_start3A_2030 : memref<64x128xf32, #tpu.memory_space<vmem>>) target(%dma_start3A_2027 : memref<64x128xf32, #tpu.memory_space<hbm>>) target_semaphore(%arg12 : memref<!tpu.dma_semaphore, #tpu.memory_space<semaphore_mem>>)
    %dma_wait3A_2031 = arith.constant 4 : i32
    %dma_wait3A_2032 = arith.constant 256 : i32
    %dma_wait3A_2033 = arith.constant 0 : i32
    %dma_wait3A_2034 = tpu.memref_slice %arg9[%dma_wait3A_2032, %dma_wait3A_2033] : memref<512x128xf32, #tpu.memory_space<vmem>> -> memref<64x128xf32, #tpu.memory_space<vmem>>
    %dma_wait3A_2035 = arith.constant 0 : i32
    %dma_wait3A_2036 = tpu.memref_slice %arg8[%dma_wait3A_2031, %dma_wait3A_2035] : memref<8x64xi32, #tpu.memory_space<vmem>> -> memref<1x64xi32, #tpu.memory_space<vmem>>
    %dma_wait3A_2037 = tpu.memref_squeeze %dma_wait3A_2036 : memref<1x64xi32, #tpu.memory_space<vmem>> -> memref<64xi32, #tpu.memory_space<vmem>>
    %dma_wait3A_2038 = arith.constant 0 : i32
    %dma_wait3A_2039 = arith.constant 0 : i32
    %dma_wait3A_2040 = tpu.memref_slice %arg10[%dma_wait3A_2038, %dma_wait3A_2039] : memref<64x128xf32, #tpu.memory_space<vmem_shared>> -> memref<64x128xf32, #tpu.memory_space<vmem_shared>>
    tpu.wait_indirect_dma semaphore(%arg11 : memref<!tpu.dma_semaphore, #tpu.memory_space<semaphore_mem>>) src(%dma_wait3A_2040 : memref<64x128xf32, #tpu.memory_space<vmem_shared>>) dst(%dma_wait3A_2034 : memref<64x128xf32, #tpu.memory_space<vmem>>)
    %add3A_2041 = arith.constant 256 : i32
    %add3A_2042 = arith.addi %mul3A_2, %add3A_2041 : i32
    %dma_start3A_2043 = arith.constant 256 : i32
    %dma_start3A_2044 = arith.constant 0 : i32
    %dma_start3A_2045 = tpu.memref_slice %arg9[%dma_start3A_2043, %dma_start3A_2044] : memref<512x128xf32, #tpu.memory_space<vmem>> -> memref<64x128xf32, #tpu.memory_space<vmem>>
    %dma_start3A_2046 = arith.constant 0 : i32
    %dma_start3A_2047 = tpu.memref_slice %arg5[%add3A_2042, %dma_start3A_2046] : memref<16384x128xf32, #tpu.memory_space<hbm>> -> memref<64x128xf32, #tpu.memory_space<hbm>>
    %dma_start3A_2048 = arith.constant 0 : i32
    %dma_start3A_2049 = tpu.memref_slice %arg5[%add3A_2042, %dma_start3A_2048] : memref<16384x128xf32, #tpu.memory_space<hbm>> -> memref<64x128xf32, #tpu.memory_space<hbm>>
    %dma_start3A_2050 = arith.constant 256 : i32
    %dma_start3A_2051 = arith.constant 0 : i32
    %dma_start3A_2052 = tpu.memref_slice %arg9[%dma_start3A_2050, %dma_start3A_2051] : memref<512x128xf32, #tpu.memory_space<vmem>> -> memref<64x128xf32, #tpu.memory_space<vmem>>
    tpu.enqueue_dma source(%dma_start3A_2052 : memref<64x128xf32, #tpu.memory_space<vmem>>) target(%dma_start3A_2049 : memref<64x128xf32, #tpu.memory_space<hbm>>) target_semaphore(%arg12 : memref<!tpu.dma_semaphore, #tpu.memory_space<semaphore_mem>>)
    %dma_wait3A_2053 = arith.constant 5 : i32
    %dma_wait3A_2054 = arith.constant 320 : i32
    %dma_wait3A_2055 = arith.constant 0 : i32
    %dma_wait3A_2056 = tpu.memref_slice %arg9[%dma_wait3A_2054, %dma_wait3A_2055] : memref<512x128xf32, #tpu.memory_space<vmem>> -> memref<64x128xf32, #tpu.memory_space<vmem>>
    %dma_wait3A_2057 = arith.constant 0 : i32
    %dma_wait3A_2058 = tpu.memref_slice %arg8[%dma_wait3A_2053, %dma_wait3A_2057] : memref<8x64xi32, #tpu.memory_space<vmem>> -> memref<1x64xi32, #tpu.memory_space<vmem>>
    %dma_wait3A_2059 = tpu.memref_squeeze %dma_wait3A_2058 : memref<1x64xi32, #tpu.memory_space<vmem>> -> memref<64xi32, #tpu.memory_space<vmem>>
    %dma_wait3A_2060 = arith.constant 0 : i32
    %dma_wait3A_2061 = arith.constant 0 : i32
    %dma_wait3A_2062 = tpu.memref_slice %arg10[%dma_wait3A_2060, %dma_wait3A_2061] : memref<64x128xf32, #tpu.memory_space<vmem_shared>> -> memref<64x128xf32, #tpu.memory_space<vmem_shared>>
    tpu.wait_indirect_dma semaphore(%arg11 : memref<!tpu.dma_semaphore, #tpu.memory_space<semaphore_mem>>) src(%dma_wait3A_2062 : memref<64x128xf32, #tpu.memory_space<vmem_shared>>) dst(%dma_wait3A_2056 : memref<64x128xf32, #tpu.memory_space<vmem>>)
    %add3A_2063 = arith.constant 320 : i32
    %add3A_2064 = arith.addi %mul3A_2, %add3A_2063 : i32
    %dma_start3A_2065 = arith.constant 320 : i32
    %dma_start3A_2066 = arith.constant 0 : i32
    %dma_start3A_2067 = tpu.memref_slice %arg9[%dma_start3A_2065, %dma_start3A_2066] : memref<512x128xf32, #tpu.memory_space<vmem>> -> memref<64x128xf32, #tpu.memory_space<vmem>>
    %dma_start3A_2068 = arith.constant 0 : i32
    %dma_start3A_2069 = tpu.memref_slice %arg5[%add3A_2064, %dma_start3A_2068] : memref<16384x128xf32, #tpu.memory_space<hbm>> -> memref<64x128xf32, #tpu.memory_space<hbm>>
    %dma_start3A_2070 = arith.constant 0 : i32
    %dma_start3A_2071 = tpu.memref_slice %arg5[%add3A_2064, %dma_start3A_2070] : memref<16384x128xf32, #tpu.memory_space<hbm>> -> memref<64x128xf32, #tpu.memory_space<hbm>>
    %dma_start3A_2072 = arith.constant 320 : i32
    %dma_start3A_2073 = arith.constant 0 : i32
    %dma_start3A_2074 = tpu.memref_slice %arg9[%dma_start3A_2072, %dma_start3A_2073] : memref<512x128xf32, #tpu.memory_space<vmem>> -> memref<64x128xf32, #tpu.memory_space<vmem>>
    tpu.enqueue_dma source(%dma_start3A_2074 : memref<64x128xf32, #tpu.memory_space<vmem>>) target(%dma_start3A_2071 : memref<64x128xf32, #tpu.memory_space<hbm>>) target_semaphore(%arg12 : memref<!tpu.dma_semaphore, #tpu.memory_space<semaphore_mem>>)
    %dma_wait3A_2075 = arith.constant 6 : i32
    %dma_wait3A_2076 = arith.constant 384 : i32
    %dma_wait3A_2077 = arith.constant 0 : i32
    %dma_wait3A_2078 = tpu.memref_slice %arg9[%dma_wait3A_2076, %dma_wait3A_2077] : memref<512x128xf32, #tpu.memory_space<vmem>> -> memref<64x128xf32, #tpu.memory_space<vmem>>
    %dma_wait3A_2079 = arith.constant 0 : i32
    %dma_wait3A_2080 = tpu.memref_slice %arg8[%dma_wait3A_2075, %dma_wait3A_2079] : memref<8x64xi32, #tpu.memory_space<vmem>> -> memref<1x64xi32, #tpu.memory_space<vmem>>
    %dma_wait3A_2081 = tpu.memref_squeeze %dma_wait3A_2080 : memref<1x64xi32, #tpu.memory_space<vmem>> -> memref<64xi32, #tpu.memory_space<vmem>>
    %dma_wait3A_2082 = arith.constant 0 : i32
    %dma_wait3A_2083 = arith.constant 0 : i32
    %dma_wait3A_2084 = tpu.memref_slice %arg10[%dma_wait3A_2082, %dma_wait3A_2083] : memref<64x128xf32, #tpu.memory_space<vmem_shared>> -> memref<64x128xf32, #tpu.memory_space<vmem_shared>>
    tpu.wait_indirect_dma semaphore(%arg11 : memref<!tpu.dma_semaphore, #tpu.memory_space<semaphore_mem>>) src(%dma_wait3A_2084 : memref<64x128xf32, #tpu.memory_space<vmem_shared>>) dst(%dma_wait3A_2078 : memref<64x128xf32, #tpu.memory_space<vmem>>)
    %add3A_2085 = arith.constant 384 : i32
    %add3A_2086 = arith.addi %mul3A_2, %add3A_2085 : i32
    %dma_start3A_2087 = arith.constant 384 : i32
    %dma_start3A_2088 = arith.constant 0 : i32
    %dma_start3A_2089 = tpu.memref_slice %arg9[%dma_start3A_2087, %dma_start3A_2088] : memref<512x128xf32, #tpu.memory_space<vmem>> -> memref<64x128xf32, #tpu.memory_space<vmem>>
    %dma_start3A_2090 = arith.constant 0 : i32
    %dma_start3A_2091 = tpu.memref_slice %arg5[%add3A_2086, %dma_start3A_2090] : memref<16384x128xf32, #tpu.memory_space<hbm>> -> memref<64x128xf32, #tpu.memory_space<hbm>>
    %dma_start3A_2092 = arith.constant 0 : i32
    %dma_start3A_2093 = tpu.memref_slice %arg5[%add3A_2086, %dma_start3A_2092] : memref<16384x128xf32, #tpu.memory_space<hbm>> -> memref<64x128xf32, #tpu.memory_space<hbm>>
    %dma_start3A_2094 = arith.constant 384 : i32
    %dma_start3A_2095 = arith.constant 0 : i32
    %dma_start3A_2096 = tpu.memref_slice %arg9[%dma_start3A_2094, %dma_start3A_2095] : memref<512x128xf32, #tpu.memory_space<vmem>> -> memref<64x128xf32, #tpu.memory_space<vmem>>
    tpu.enqueue_dma source(%dma_start3A_2096 : memref<64x128xf32, #tpu.memory_space<vmem>>) target(%dma_start3A_2093 : memref<64x128xf32, #tpu.memory_space<hbm>>) target_semaphore(%arg12 : memref<!tpu.dma_semaphore, #tpu.memory_space<semaphore_mem>>)
    %dma_wait3A_2097 = arith.constant 7 : i32
    %dma_wait3A_2098 = arith.constant 448 : i32
    %dma_wait3A_2099 = arith.constant 0 : i32
    %dma_wait3A_2100 = tpu.memref_slice %arg9[%dma_wait3A_2098, %dma_wait3A_2099] : memref<512x128xf32, #tpu.memory_space<vmem>> -> memref<64x128xf32, #tpu.memory_space<vmem>>
    %dma_wait3A_2101 = arith.constant 0 : i32
    %dma_wait3A_2102 = tpu.memref_slice %arg8[%dma_wait3A_2097, %dma_wait3A_2101] : memref<8x64xi32, #tpu.memory_space<vmem>> -> memref<1x64xi32, #tpu.memory_space<vmem>>
    %dma_wait3A_2103 = tpu.memref_squeeze %dma_wait3A_2102 : memref<1x64xi32, #tpu.memory_space<vmem>> -> memref<64xi32, #tpu.memory_space<vmem>>
    %dma_wait3A_2104 = arith.constant 0 : i32
    %dma_wait3A_2105 = arith.constant 0 : i32
    %dma_wait3A_2106 = tpu.memref_slice %arg10[%dma_wait3A_2104, %dma_wait3A_2105] : memref<64x128xf32, #tpu.memory_space<vmem_shared>> -> memref<64x128xf32, #tpu.memory_space<vmem_shared>>
    tpu.wait_indirect_dma semaphore(%arg11 : memref<!tpu.dma_semaphore, #tpu.memory_space<semaphore_mem>>) src(%dma_wait3A_2106 : memref<64x128xf32, #tpu.memory_space<vmem_shared>>) dst(%dma_wait3A_2100 : memref<64x128xf32, #tpu.memory_space<vmem>>)
    %add3A_2107 = arith.constant 448 : i32
    %add3A_2108 = arith.addi %mul3A_2, %add3A_2107 : i32
    %dma_start3A_2109 = arith.constant 448 : i32
    %dma_start3A_2110 = arith.constant 0 : i32
    %dma_start3A_2111 = tpu.memref_slice %arg9[%dma_start3A_2109, %dma_start3A_2110] : memref<512x128xf32, #tpu.memory_space<vmem>> -> memref<64x128xf32, #tpu.memory_space<vmem>>
    %dma_start3A_2112 = arith.constant 0 : i32
    %dma_start3A_2113 = tpu.memref_slice %arg5[%add3A_2108, %dma_start3A_2112] : memref<16384x128xf32, #tpu.memory_space<hbm>> -> memref<64x128xf32, #tpu.memory_space<hbm>>
    %dma_start3A_2114 = arith.constant 0 : i32
    %dma_start3A_2115 = tpu.memref_slice %arg5[%add3A_2108, %dma_start3A_2114] : memref<16384x128xf32, #tpu.memory_space<hbm>> -> memref<64x128xf32, #tpu.memory_space<hbm>>
    %dma_start3A_2116 = arith.constant 448 : i32
    %dma_start3A_2117 = arith.constant 0 : i32
    %dma_start3A_2118 = tpu.memref_slice %arg9[%dma_start3A_2116, %dma_start3A_2117] : memref<512x128xf32, #tpu.memory_space<vmem>> -> memref<64x128xf32, #tpu.memory_space<vmem>>
    tpu.enqueue_dma source(%dma_start3A_2118 : memref<64x128xf32, #tpu.memory_space<vmem>>) target(%dma_start3A_2115 : memref<64x128xf32, #tpu.memory_space<hbm>>) target_semaphore(%arg12 : memref<!tpu.dma_semaphore, #tpu.memory_space<semaphore_mem>>)
    %dma_wait3A_2119 = arith.constant 0 : i32
    %dma_wait3A_2120 = arith.constant 0 : i32
    %dma_wait3A_2121 = tpu.memref_slice %arg9[%dma_wait3A_2119, %dma_wait3A_2120] : memref<512x128xf32, #tpu.memory_space<vmem>> -> memref<64x128xf32, #tpu.memory_space<vmem>>
    %dma_wait3A_2122 = arith.constant 0 : i32
    %dma_wait3A_2123 = tpu.memref_slice %arg5[%add3A_1954, %dma_wait3A_2122] : memref<16384x128xf32, #tpu.memory_space<hbm>> -> memref<64x128xf32, #tpu.memory_space<hbm>>
    %dma_wait3A_2124 = arith.constant 0 : i32
    %dma_wait3A_2125 = tpu.memref_slice %arg5[%add3A_1954, %dma_wait3A_2124] : memref<16384x128xf32, #tpu.memory_space<hbm>> -> memref<64x128xf32, #tpu.memory_space<hbm>>
    %dma_wait3A_2126 = arith.constant 0 : i32
    %dma_wait3A_2127 = arith.constant 0 : i32
    %dma_wait3A_2128 = tpu.memref_slice %arg9[%dma_wait3A_2126, %dma_wait3A_2127] : memref<512x128xf32, #tpu.memory_space<vmem>> -> memref<64x128xf32, #tpu.memory_space<vmem>>
    tpu.wait_dma2 semaphore(%arg12 : memref<!tpu.dma_semaphore, #tpu.memory_space<semaphore_mem>>) src(%dma_wait3A_2128 : memref<64x128xf32, #tpu.memory_space<vmem>>) dst(%dma_wait3A_2125 : memref<64x128xf32, #tpu.memory_space<hbm>>)
    %dma_wait3A_2129 = arith.constant 64 : i32
    %dma_wait3A_2130 = arith.constant 0 : i32
    %dma_wait3A_2131 = tpu.memref_slice %arg9[%dma_wait3A_2129, %dma_wait3A_2130] : memref<512x128xf32, #tpu.memory_space<vmem>> -> memref<64x128xf32, #tpu.memory_space<vmem>>
    %dma_wait3A_2132 = arith.constant 0 : i32
    %dma_wait3A_2133 = tpu.memref_slice %arg5[%add3A_1976, %dma_wait3A_2132] : memref<16384x128xf32, #tpu.memory_space<hbm>> -> memref<64x128xf32, #tpu.memory_space<hbm>>
    %dma_wait3A_2134 = arith.constant 0 : i32
    %dma_wait3A_2135 = tpu.memref_slice %arg5[%add3A_1976, %dma_wait3A_2134] : memref<16384x128xf32, #tpu.memory_space<hbm>> -> memref<64x128xf32, #tpu.memory_space<hbm>>
    %dma_wait3A_2136 = arith.constant 64 : i32
    %dma_wait3A_2137 = arith.constant 0 : i32
    %dma_wait3A_2138 = tpu.memref_slice %arg9[%dma_wait3A_2136, %dma_wait3A_2137] : memref<512x128xf32, #tpu.memory_space<vmem>> -> memref<64x128xf32, #tpu.memory_space<vmem>>
    tpu.wait_dma2 semaphore(%arg12 : memref<!tpu.dma_semaphore, #tpu.memory_space<semaphore_mem>>) src(%dma_wait3A_2138 : memref<64x128xf32, #tpu.memory_space<vmem>>) dst(%dma_wait3A_2135 : memref<64x128xf32, #tpu.memory_space<hbm>>)
    %dma_wait3A_2139 = arith.constant 128 : i32
    %dma_wait3A_2140 = arith.constant 0 : i32
    %dma_wait3A_2141 = tpu.memref_slice %arg9[%dma_wait3A_2139, %dma_wait3A_2140] : memref<512x128xf32, #tpu.memory_space<vmem>> -> memref<64x128xf32, #tpu.memory_space<vmem>>
    %dma_wait3A_2142 = arith.constant 0 : i32
    %dma_wait3A_2143 = tpu.memref_slice %arg5[%add3A_1998, %dma_wait3A_2142] : memref<16384x128xf32, #tpu.memory_space<hbm>> -> memref<64x128xf32, #tpu.memory_space<hbm>>
    %dma_wait3A_2144 = arith.constant 0 : i32
    %dma_wait3A_2145 = tpu.memref_slice %arg5[%add3A_1998, %dma_wait3A_2144] : memref<16384x128xf32, #tpu.memory_space<hbm>> -> memref<64x128xf32, #tpu.memory_space<hbm>>
    %dma_wait3A_2146 = arith.constant 128 : i32
    %dma_wait3A_2147 = arith.constant 0 : i32
    %dma_wait3A_2148 = tpu.memref_slice %arg9[%dma_wait3A_2146, %dma_wait3A_2147] : memref<512x128xf32, #tpu.memory_space<vmem>> -> memref<64x128xf32, #tpu.memory_space<vmem>>
    tpu.wait_dma2 semaphore(%arg12 : memref<!tpu.dma_semaphore, #tpu.memory_space<semaphore_mem>>) src(%dma_wait3A_2148 : memref<64x128xf32, #tpu.memory_space<vmem>>) dst(%dma_wait3A_2145 : memref<64x128xf32, #tpu.memory_space<hbm>>)
    %dma_wait3A_2149 = arith.constant 192 : i32
    %dma_wait3A_2150 = arith.constant 0 : i32
    %dma_wait3A_2151 = tpu.memref_slice %arg9[%dma_wait3A_2149, %dma_wait3A_2150] : memref<512x128xf32, #tpu.memory_space<vmem>> -> memref<64x128xf32, #tpu.memory_space<vmem>>
    %dma_wait3A_2152 = arith.constant 0 : i32
    %dma_wait3A_2153 = tpu.memref_slice %arg5[%add3A_2020, %dma_wait3A_2152] : memref<16384x128xf32, #tpu.memory_space<hbm>> -> memref<64x128xf32, #tpu.memory_space<hbm>>
    %dma_wait3A_2154 = arith.constant 0 : i32
    %dma_wait3A_2155 = tpu.memref_slice %arg5[%add3A_2020, %dma_wait3A_2154] : memref<16384x128xf32, #tpu.memory_space<hbm>> -> memref<64x128xf32, #tpu.memory_space<hbm>>
    %dma_wait3A_2156 = arith.constant 192 : i32
    %dma_wait3A_2157 = arith.constant 0 : i32
    %dma_wait3A_2158 = tpu.memref_slice %arg9[%dma_wait3A_2156, %dma_wait3A_2157] : memref<512x128xf32, #tpu.memory_space<vmem>> -> memref<64x128xf32, #tpu.memory_space<vmem>>
    tpu.wait_dma2 semaphore(%arg12 : memref<!tpu.dma_semaphore, #tpu.memory_space<semaphore_mem>>) src(%dma_wait3A_2158 : memref<64x128xf32, #tpu.memory_space<vmem>>) dst(%dma_wait3A_2155 : memref<64x128xf32, #tpu.memory_space<hbm>>)
    %dma_wait3A_2159 = arith.constant 256 : i32
    %dma_wait3A_2160 = arith.constant 0 : i32
    %dma_wait3A_2161 = tpu.memref_slice %arg9[%dma_wait3A_2159, %dma_wait3A_2160] : memref<512x128xf32, #tpu.memory_space<vmem>> -> memref<64x128xf32, #tpu.memory_space<vmem>>
    %dma_wait3A_2162 = arith.constant 0 : i32
    %dma_wait3A_2163 = tpu.memref_slice %arg5[%add3A_2042, %dma_wait3A_2162] : memref<16384x128xf32, #tpu.memory_space<hbm>> -> memref<64x128xf32, #tpu.memory_space<hbm>>
    %dma_wait3A_2164 = arith.constant 0 : i32
    %dma_wait3A_2165 = tpu.memref_slice %arg5[%add3A_2042, %dma_wait3A_2164] : memref<16384x128xf32, #tpu.memory_space<hbm>> -> memref<64x128xf32, #tpu.memory_space<hbm>>
    %dma_wait3A_2166 = arith.constant 256 : i32
    %dma_wait3A_2167 = arith.constant 0 : i32
    %dma_wait3A_2168 = tpu.memref_slice %arg9[%dma_wait3A_2166, %dma_wait3A_2167] : memref<512x128xf32, #tpu.memory_space<vmem>> -> memref<64x128xf32, #tpu.memory_space<vmem>>
    tpu.wait_dma2 semaphore(%arg12 : memref<!tpu.dma_semaphore, #tpu.memory_space<semaphore_mem>>) src(%dma_wait3A_2168 : memref<64x128xf32, #tpu.memory_space<vmem>>) dst(%dma_wait3A_2165 : memref<64x128xf32, #tpu.memory_space<hbm>>)
    %dma_wait3A_2169 = arith.constant 320 : i32
    %dma_wait3A_2170 = arith.constant 0 : i32
    %dma_wait3A_2171 = tpu.memref_slice %arg9[%dma_wait3A_2169, %dma_wait3A_2170] : memref<512x128xf32, #tpu.memory_space<vmem>> -> memref<64x128xf32, #tpu.memory_space<vmem>>
    %dma_wait3A_2172 = arith.constant 0 : i32
    %dma_wait3A_2173 = tpu.memref_slice %arg5[%add3A_2064, %dma_wait3A_2172] : memref<16384x128xf32, #tpu.memory_space<hbm>> -> memref<64x128xf32, #tpu.memory_space<hbm>>
    %dma_wait3A_2174 = arith.constant 0 : i32
    %dma_wait3A_2175 = tpu.memref_slice %arg5[%add3A_2064, %dma_wait3A_2174] : memref<16384x128xf32, #tpu.memory_space<hbm>> -> memref<64x128xf32, #tpu.memory_space<hbm>>
    %dma_wait3A_2176 = arith.constant 320 : i32
    %dma_wait3A_2177 = arith.constant 0 : i32
    %dma_wait3A_2178 = tpu.memref_slice %arg9[%dma_wait3A_2176, %dma_wait3A_2177] : memref<512x128xf32, #tpu.memory_space<vmem>> -> memref<64x128xf32, #tpu.memory_space<vmem>>
    tpu.wait_dma2 semaphore(%arg12 : memref<!tpu.dma_semaphore, #tpu.memory_space<semaphore_mem>>) src(%dma_wait3A_2178 : memref<64x128xf32, #tpu.memory_space<vmem>>) dst(%dma_wait3A_2175 : memref<64x128xf32, #tpu.memory_space<hbm>>)
    %dma_wait3A_2179 = arith.constant 384 : i32
    %dma_wait3A_2180 = arith.constant 0 : i32
    %dma_wait3A_2181 = tpu.memref_slice %arg9[%dma_wait3A_2179, %dma_wait3A_2180] : memref<512x128xf32, #tpu.memory_space<vmem>> -> memref<64x128xf32, #tpu.memory_space<vmem>>
    %dma_wait3A_2182 = arith.constant 0 : i32
    %dma_wait3A_2183 = tpu.memref_slice %arg5[%add3A_2086, %dma_wait3A_2182] : memref<16384x128xf32, #tpu.memory_space<hbm>> -> memref<64x128xf32, #tpu.memory_space<hbm>>
    %dma_wait3A_2184 = arith.constant 0 : i32
    %dma_wait3A_2185 = tpu.memref_slice %arg5[%add3A_2086, %dma_wait3A_2184] : memref<16384x128xf32, #tpu.memory_space<hbm>> -> memref<64x128xf32, #tpu.memory_space<hbm>>
    %dma_wait3A_2186 = arith.constant 384 : i32
    %dma_wait3A_2187 = arith.constant 0 : i32
    %dma_wait3A_2188 = tpu.memref_slice %arg9[%dma_wait3A_2186, %dma_wait3A_2187] : memref<512x128xf32, #tpu.memory_space<vmem>> -> memref<64x128xf32, #tpu.memory_space<vmem>>
    tpu.wait_dma2 semaphore(%arg12 : memref<!tpu.dma_semaphore, #tpu.memory_space<semaphore_mem>>) src(%dma_wait3A_2188 : memref<64x128xf32, #tpu.memory_space<vmem>>) dst(%dma_wait3A_2185 : memref<64x128xf32, #tpu.memory_space<hbm>>)
    %dma_wait3A_2189 = arith.constant 448 : i32
    %dma_wait3A_2190 = arith.constant 0 : i32
    %dma_wait3A_2191 = tpu.memref_slice %arg9[%dma_wait3A_2189, %dma_wait3A_2190] : memref<512x128xf32, #tpu.memory_space<vmem>> -> memref<64x128xf32, #tpu.memory_space<vmem>>
    %dma_wait3A_2192 = arith.constant 0 : i32
    %dma_wait3A_2193 = tpu.memref_slice %arg5[%add3A_2108, %dma_wait3A_2192] : memref<16384x128xf32, #tpu.memory_space<hbm>> -> memref<64x128xf32, #tpu.memory_space<hbm>>
    %dma_wait3A_2194 = arith.constant 0 : i32
    %dma_wait3A_2195 = tpu.memref_slice %arg5[%add3A_2108, %dma_wait3A_2194] : memref<16384x128xf32, #tpu.memory_space<hbm>> -> memref<64x128xf32, #tpu.memory_space<hbm>>
    %dma_wait3A_2196 = arith.constant 448 : i32
    %dma_wait3A_2197 = arith.constant 0 : i32
    %dma_wait3A_2198 = tpu.memref_slice %arg9[%dma_wait3A_2196, %dma_wait3A_2197] : memref<512x128xf32, #tpu.memory_space<vmem>> -> memref<64x128xf32, #tpu.memory_space<vmem>>
    tpu.wait_dma2 semaphore(%arg12 : memref<!tpu.dma_semaphore, #tpu.memory_space<semaphore_mem>>) src(%dma_wait3A_2198 : memref<64x128xf32, #tpu.memory_space<vmem>>) dst(%dma_wait3A_2195 : memref<64x128xf32, #tpu.memory_space<hbm>>)
    return
  }
}

</mosaic_0001>

<sc_bundles>
// kernel: kernel.3.cloned.1.call-start
scs
__scs_entry_jumppad:
0x0: {  	(pc) =	sbr.rel $0x88, $3  }
0x1: {  	(tag) =	ssettag $0x0;
	lr =	simm.s32 $0x1  }
0x2: {  	[smem:$0x3F9E] =	sst lr;
	_ =	strace $0xD0000000  }
0x3: {  	_ = 	snop  }
0x4: {  	_ = 	snop  }
0x5: {  	_ = 	snop  }
0x6: {  	_ = 	snop  }
0x7: {  	_ = 	snop  }
__scs_overlays_trampoline_lowered:
0x8: {  	[smem:$0x3FAD] =	sst s0  }
0x9: {  	[smem:$0x3FAE] =	sst s1  }
0xa: {  	[smem:$0x3FAF] =	sst s2  }
0xb: {  	[smem:$0x3FB0] =	sst s3  }
0xc: {  	[smem:$0x3FB1] =	sst s4  }
0xd: {  	[smem:$0x3FB2] =	sst s5  }
0xe: {  	[smem:$0x3FB3] =	sst s6  }
0xf: {  	[smem:$0x3FB4] =	sst s7  }
0x10: {  	[smem:$0x3FB5] =	sst s8  }
0x11: {  	[smem:$0x3FB6] =	sst s9;
	s0 =	simm.s32 @!p0 $0x0  }
0x12: {  	s1 =	sld [smem:$0x3F9C];
	s0 =	simm.s32 @p0 $0x1  }
0x13: {  	[smem:$0x3FB7] =	sst s0;
	s0 =	simm.s32 @!p1 $0x0  }
0x14: {  	s2 =	sld [smem:$0x3F9B];
	s0 =	simm.s32 @p1 $0x1  }
0x15: {  	[smem:$0x3FB8] =	sst s0;
	s0 =	simm.s32 @!p2 $0x0  }
0x16: {  	s3 =	sld [smem:$0x3FDB];
	s0 =	simm.s32 @p2 $0x1  }
0x17: {  	s4 =	simm.s32 $0x1BF5;
	[smem:$0x3FBA] =	sst s0  }
0x18: {  	s0 =	sld [smem:$0x3F9D];
	_ =	swait.ge [sflag:s4], $0x0  }
0x19: {  	s7 =	sld [smem:$0x3F9E]  }
0x1a: {  	s8 =	sadd.s32 $0xFFFFE003, lr  }
0x1b: {  	s9 =	sadd.s32 $0xFFFFFEF7, lr;
	s5 =	simm.s32 $0xFFFFFFFF;
	p2 =	slt.u32 s8, $0xFFFFF086  }
0x1c: {  	p1 =	slt.u32 s9, $0xF7A;
	s5 =	simm.s32 @!p2 $0x0  }
0x1d: {  	s5 =	simm.s32 @p1 $0x1;
	p0 =	seq.s32 s7, s2  }
0x1e: {  	s7 =	smul.u32 @!p0 $0xF7A, s2;
	p2 =	seq.s32 @!p0 s5, $0x0  }
0x1f: {  	s9 =	smul.u32 $0xF7A, s1;
	s8 =	simm.s32 @!p0 $0x1BF5;
	p2 =	por !p2, p0  }
0x20: {  	[sflag:s8] =	ssyncset.s32 @!p0 $0xFFFFF086;
	s6 =	sadd.s32 @!p0 s3, s7;
	s7 =	simm.s32 @!p0 $0x108  }
0x21: {  	s3 =	sadd.s32 s3, s9;
	s6 =	sadd.s32 @!p0 $0x88, s6;
	s7 =	simm.s32 @p2 $0x1082  }
0x22: {  	[simem:s7], [sflag:s8] =	dma.local @!p0 [hbm:s6], $0xF7A  }
0x23: {  	s9 =	sor.u32 $0xD0000000, s2;
	s6 =	simm.s32 $0x108;
	_ =	swait.ge @!p0 [sflag:s8], $0x0  }
0x24: {  	s3 =	sadd.s32 $0x88, s3;
	s6 =	simm.s32 @!p1 $0x1082;
	[sflag:s4] =	ssyncset.s32 $0xFFFFF086  }
0x25: {  	[simem:s6], [sflag:s4] =	dma.local [hbm:s3], $0xF7A  }
0x26: {  	[smem:$0x3F9E] =	sst s1;
	(tag) =	ssettag s2;
	_ =	strace s9  }
0x27: {  	s1 =	sld [smem:$0x3FAE]  }
0x28: {  	s2 =	sld [smem:$0x3FAF]  }
0x29: {  	s4 =	sld [smem:$0x3FB1]  }
0x2a: {  	p0 =	seq.s32 s5, $0x0;
	s5 =	sld [smem:$0x3FB2]  }
0x2b: {  	s6 =	sld [smem:$0x3FB3]  }
0x2c: {  	s7 =	sld [smem:$0x3FB4]  }
0x2d: {  	s3 =	simm.s32 $0x108;
	s8 =	sld [smem:$0x3FB5]  }
0x2e: {  	s3 =	simm.s32 @!p0 $0x1082;
	s9 =	sld [smem:$0x3FB6]  }
0x2f: {  	lr =	sadd.s32 s0, s3;
	s0 =	sld [smem:$0x3FAD]  }
0x30: {  	s3 =	sld [smem:$0x3FB0]  }
0x31: {  	[smem:$0x3FB9] =	sst s10  }
0x32: {  	s10 =	sld [smem:$0x3FB7];
	_ =	sdelay $0x3  }
0x33: {  	p0 =	seq.s32 s10, $0x1;
	s10 =	sld [smem:$0x3FB9];
	_ =	sdelay $0x3  }
0x34: {  	[smem:$0x3FB9] =	sst s10  }
0x35: {  	s10 =	sld [smem:$0x3FB8];
	_ =	sdelay $0x3  }
0x36: {  	p1 =	seq.s32 s10, $0x1;
	s10 =	sld [smem:$0x3FB9];
	_ =	sdelay $0x3  }
0x37: {  	[smem:$0x3FB9] =	sst s10  }
0x38: {  	s10 =	sld [smem:$0x3FBA]  }
0x39: {  	_ = 	snop;
	(pc) =	sbr.ind lr, $3  }
0x3a: {  	_ = 	snop  }
0x3b: {  	_ = 	snop  }
0x3c: {  	p2 =	seq.s32 s10, $0x1;
	s10 =	sld [smem:$0x3FB9]  }
0x3d: {  	_ =	shalt  }
0x3e: {  	_ =	shalt  }
0x3f: {  	_ =	shalt  }
0x40: {  	_ =	shalt  }
0x41: {  	_ =	shalt  }
0x42: {  	_ =	shalt  }
0x43: {  	_ =	shalt  }
0x44: {  	_ =	shalt  }
0x45: {  	_ =	shalt  }
0x46: {  	_ =	shalt  }
0x47: {  	_ =	shalt  }
0x48: {  	_ =	shalt  }
0x49: {  	_ =	shalt  }
0x4a: {  	_ =	shalt  }
0x4b: {  	_ =	shalt  }
0x4c: {  	_ =	shalt  }
0x4d: {  	_ =	shalt  }
0x4e: {  	_ =	shalt  }
0x4f: {  	_ =	shalt  }
0x50: {  	_ =	shalt  }
0x51: {  	_ =	shalt  }
0x52: {  	_ =	shalt  }
0x53: {  	_ =	shalt  }
0x54: {  	_ =	shalt  }
0x55: {  	_ =	shalt  }
0x56: {  	_ =	shalt  }
0x57: {  	_ =	shalt  }
0x58: {  	_ =	shalt  }
0x59: {  	_ =	shalt  }
0x5a: {  	_ =	shalt  }
0x5b: {  	_ =	shalt  }
0x5c: {  	_ =	shalt  }
0x5d: {  	_ =	shalt  }
0x5e: {  	_ =	shalt  }
0x5f: {  	_ =	shalt  }
0x60: {  	_ =	shalt  }
0x61: {  	_ =	shalt  }
0x62: {  	_ =	shalt  }
0x63: {  	_ =	shalt  }
0x64: {  	_ =	shalt  }
0x65: {  	_ =	shalt  }
0x66: {  	_ =	shalt  }
0x67: {  	_ =	shalt  }
0x68: {  	_ =	shalt  }
0x69: {  	_ =	shalt  }
0x6a: {  	_ =	shalt  }
0x6b: {  	_ =	shalt  }
0x6c: {  	_ =	shalt  }
0x6d: {  	_ =	shalt  }
0x6e: {  	_ =	shalt  }
0x6f: {  	_ =	shalt  }
0x70: {  	_ =	shalt  }
0x71: {  	_ =	shalt  }
0x72: {  	_ =	shalt  }
0x73: {  	_ =	shalt  }
0x74: {  	_ =	shalt  }
0x75: {  	_ =	shalt  }
0x76: {  	_ =	shalt  }
0x77: {  	_ =	shalt  }
0x78: {  	_ =	shalt  }
0x79: {  	_ =	shalt  }
0x7a: {  	_ =	shalt  }
0x7b: {  	_ =	shalt  }
0x7c: {  	_ =	shalt  }
0x7d: {  	_ =	shalt  }
0x7e: {  	_ =	shalt  }
0x7f: {  	_ =	shalt  }
0x80: {  	_ =	shalt  }
0x81: {  	_ =	shalt  }
0x82: {  	_ =	shalt  }
0x83: {  	_ =	shalt  }
0x84: {  	_ =	shalt  }
0x85: {  	_ =	shalt  }
0x86: {  	_ =	shalt  }
0x87: {  	_ =	shalt  }
.Lfunc_end0:
.L_simem_size_0:
called_computation_lowered:
.L_overlay_start_0:
0x88: {  	s2 =	sld [smem:$0x3FD9]  }
0x89: {  	s3 =	sld [smem:$0x3FFE];
	_ =	sdelay $0x1  }
0x8a: {  	s1 =	srdreg.scid  }
0x8b: {  	s0 =	sand.u32 $0x1, s1  }
0x8c: {  	s18 =	sshll.u32 s0, $0xA;
	s2 =	sadd.s32 s3, s2  }
0x8d: {  	s2 =	sadd.s32 s2, s18  }
0x8e: {  	[smem:$0x3FC5] =	sst s2  }
0x8f: {  	_ = 	snop  }
0x90: {  	s2 =	sld [smem:$0x3FC9]  }
0x91: {  	s19 =	sld [smem:$0x3FC8]  }
0x92: {  	s4 =	sld [smem:$0x3FC7]  }
0x93: {  	s5 =	sld [smem:$0x3FD0];
	(tm) =	ssettm $0x1  }
0x94: {  	s6 =	sld [smem:$0x3FFB];
	_ =	sdelay $0x3  }
0x95: {  	_ =	strace s6  }
0x96: {  	s6 =	sld [smem:$0x3FFC];
	_ =	sdelay $0x3  }
0x97: {  	_ =	strace s6  }
0x98: {  	s6 =	sld [smem:$0x3FFD];
	_ =	sdelay $0x3  }
0x99: {  	_ =	strace s6  }
0x9a: {  	_ =	strace $0x8FFFFFFF  }
0x9b: {  	s20 =	sld [smem:$0x3FDB];
	_ =	sdelay $0x1  }
0x9c: {  	s7 =	simm.s32 $_scs_section_size  }
0x9d: {  	s8 =	simm.s32 $_size__tile_overlayer_lowered;
	s9 =	simm.s32 $_tile_overlayer_lowered  }
0x9e: {  	s23 =	simm.s32 $0x1BFF;
	s22 =	sshll.u32 s9, $0x1;
	s6 =	sadd.s32 s7, s20  }
0x9f: {  	s10 =	simm.s32 $0x0;
	s21 =	sshll.u32 s8, $0x1;
	s8 =	sadd.s32 s22, s6  }
0xa0: {  	[timem:s10], [sflag:s23] =	dma.local [hbm:s8], s21  }
0xa1: {  	_ =	swait.ge [sflag:s23], s21  }
0xa2: {  	s7 =	ssub.s32 $0x0, s21;
	[sflag:s23] =	ssyncset.done $0x0  }
0xa3: {  	[sflag:s23] =	ssyncadd.s32 s7;
	_ =	sdelay $0x1  }
0xa4: {  	s24 =	simm.s32 $0x1B8B  }
0xa5: {  	_ =	swait.ge [sflag:s24], $0x1  }
0xa6: {  	[sflag:s24] =	ssyncset.done $0x0  }
0xa7: {  	s25 =	simm.s32 $0x1B8E;
	[sflag:s24] =	ssyncadd.s32 $0xFFFFFFFF  }
0xa8: {  	s26 =	simm.s32 $execute0_lowered;
	[smem:$0x3FD2] =	sst s25  }
0xa9: {  	s7 =	sshll.u32 s26, $0x1;
	_ =	strace $0x80000046;
	[dreg:$0x1] =	wrdreg $0xFFFFFFFF  }
0xaa: {  	s28 =	simm.s32 $_size_execute0_lowered;
	s6 =	sadd.s32 s6, s7;
	[dreg:$0x0] =	wrdreg $0x0  }
0xab: {  	s7 =	sshll.u32 s28, $0x1;
	[dreg:$0x2] =	wrdreg s6  }
0xac: {  	[dreg:$0x3] =	wrdreg s7  }
0xad: {  	[dreg:$0x4] =	wrdreg $0xC0  }
0xae: {  	_ =	task [dreg:s10], $0x5FFFF  }
0xaf: {  	[dreg:$0x1] =	wrdreg $0xFFFFFFFF  }
0xb0: {  	[dreg:$0x0] =	wrdreg $0x60  }
0xb1: {  	[dreg:$0x2] =	wrdreg s2  }
0xb2: {  	[dreg:$0x3] =	wrdreg s19  }
0xb3: {  	[dreg:$0x4] =	wrdreg s4  }
0xb4: {  	[dreg:$0x5] =	wrdreg s5  }
0xb5: {  	[dreg:$0x6] =	wrdreg $0x108000  }
0xb6: {  	[dreg:$0x7] =	wrdreg $0x9  }
0xb7: {  	_ =	task.clear_ibuf [dreg:s10], $0x8FFFF;
	_ =	strace $0x90000046  }
0xb8: {  	s29 =	simm.s32 $0x9;
	_ =	strace $0x80000048  }
0xb9: {  	_ =	swait.ge [sflag:s29], $0x1  }
0xba: {  	[sflag:s29] =	ssyncadd.s32 $0xFFFFFFFF  }
0xbb: {  	_ =	strace $0x90000048  }
0xbc: {  	_ =	sfence  }
0xbd: {  	s30 =	sld [smem:$0x0];
	_ =	sdelay $0x2  }
0xbe: {  	s31 =	sshll.u32 s1, $0xD;
	s1 =	sshrl.u32 s1, $0x2  }
0xbf: {  	s3 =	sand.u32 $0x4000, s31;
	s1 =	sadd.s32 s1, s30  }
0xc0: {  	s0 =	sor.u32 s3, s0;
	s1 =	sshll.u32 s1, $0x11  }
0xc1: {  	s0 =	sor.u32 s1, s0  }
0xc2: {  	s0 =	sadd.s32 $0x8F2B, s0  }
0xc3: {  	[sflag:s0] =	ssyncadd.remote.s32 $0x1  }
0xc4: {  	_ =	sfence.sel $0xFFFF  }
0xc5: {  	[dreg:$0x0] =	wrdreg $0xFFFFFFFF;
	(pc) =	sbr.abs _section_cstart, $3  }
0xc6: {  	[dreg:$0x1] =	wrdreg $0xFFFFFFFF  }
0xc7: {  	_ =	task.clear_ibuf [dreg:s10], $0x2FFFF;
	_ =	strace $0x9FFFFFFF  }
0xc8: {  	(tm) =	ssettm $0x7FFFFFFF  }
0xc9: {  	_ =	shalt  }
tec
execute0_lowered:
.L_overlay_start_1:
0x0: {  	(tag) =	ssettag $0x1  }
0x1: {  	s3 =	rddreg [dreg:$0x0]  }
0x2: {  	s4 =	rddreg [dreg:$0x1]  }
0x3: {  	s0 =	rddreg [dreg:$0x2];
	s22 =	srdreg.scid  }
0x4: {  	s5 =	rddreg [dreg:$0x3];
	s8 =	stileid.u32  }
0x5: {  	s1 =	rddreg [dreg:$0x4];
	s2 =	simm.s32 $0x0;
	s10 =	simm.s32 $0x1  }
0x6: {  	s11 =	simm.s32 $0x40;
	s12 =	simm.s32 $0x400;
	s13 =	simm.s32 $0x800  }
0x7: {  	s14 =	simm.s32 $0x480;
	s15 =	simm.s32 $0x2800;
	s16 =	simm.s32 $0x500  }
0x8: {  	s17 =	simm.s32 $0x4800;
	s18 =	simm.s32 $0x580;
	s19 =	simm.s32 $0x6800  }
0x9: {  	s20 =	simm.s32 $0x600;
	s21 =	simm.s32 $0x8800;
	[dreg:$0x6] =	wrdreg s0  }
0xa: {  	s28 =	simm.s32 $0xE800;
	s29 =	simm.s32 $0x2;
	s0 =	rddreg [dreg:$0x5]  }
0xb: {  	s6 =	sand.u32 $0x1, s22;
	s7 =	sshll.u32 s8, $0xA;
	[smem:$0x7FF] =	sst s2  }
0xc: {  	p0 =	sne.s32 s8, $0x0;
	s22 =	simm.s32 $0x680;
	s9 =	sshll.u32 s6, $0x9  }
0xd: {  	_ =	strace $0x80000047;
	s24 =	ssub.s32 $0x2, s6;
	s7 =	sor.u32 s9, s7  }
0xe: {  	s8 =	sshrl.u32 @!p0 s1, $0x3;
	s6 =	sshrl.u32 s24, $0x1;
	s9 =	sshrl.u32 s7, $0x3  }
0xf: {  	s7 =	sshll.u32 s7, $0x4;
	s30 =	ssub.s32 s24, s6;
	s3 =	sadd.s32 s3, s9  }
0x10: {  	s4 =	sadd.s32 s4, s9;
	[dreg:$0x7] =	wrdreg s3;
	s3 =	sadd.s32 s5, s7  }
0x11: {  	s24 =	simm.s32 $0x700;
	[dreg:$0x8] =	wrdreg s4;
	s23 =	sadd.s32 $0x400, s3  }
0x12: {  	s9 =	simm.s32 $0x200;
	s25 =	sadd.s32 $0x800, s3;
	[dreg:$0x9] =	wrdreg s23  }
0x13: {  	s7 =	smax.u32 s30, $0x1;
	s26 =	sadd.s32 $0xC00, s3;
	[dreg:$0xa] =	wrdreg s25  }
0x14: {  	s31 =	sadd.s32 $0x1000, s3;
	s4 =	sadd.s32 $0x1400, s3;
	[dreg:$0xb] =	wrdreg s26  }
0x15: {  	s5 =	sadd.s32 $0x1800, s3;
	s6 =	sadd.s32 $0x1C00, s3;
	[dreg:$0xc] =	wrdreg s31  }
0x16: {  	v0 =	vimm.s32 $0x0;
	s23 =	simm.s32 $0xA800;
	s25 =	simm.s32 $0xC800;
	s26 =	simm.s32 $0x780  }
.LBB2_1:
0x17: {  	s30 =	rddreg [dreg:$0x6];
	s31 =	simm.s32 @!p0 $0x1C02  }
0x18: {  	[spmem:s8], [sflag:s31] =	dma.local @!p0 [hbm:s30], $0x400  }
0x19: {  	s30 =	rddreg [dreg:$0x7]  }
0x1a: {  	[tilespmem:s2], [sflag:$0x1] =	stream.linear.gather [hbm4b:s30+s2], $0x200, $0x38;
	[tilespmem:$0x10A00] =	vst v63  }
0x1b: {  	s31 =	rddreg [dreg:$0x8]  }
0x1c: {  	[tilespmem:s9], [sflag:$0x1] =	stream.linear.gather [hbm4b:s31+s2], $0x200, $0x38;
	[tilespmem:$0x10A00] =	vst v63  }
0x1d: {  	_ =	swait.ge [sflag:s10], $0x200  }
0x1e: {  	[sflag:s10] =	ssyncset.done $0x0  }
0x1f: {  	[sflag:s10] =	ssyncadd.s32 $0xFFFFFE00  }
0x20: {  	_ =	swait.ge [sflag:s10], $0x200  }
0x21: {  	[sflag:s10] =	ssyncset.done $0x0  }
0x22: {  	[sflag:s10] =	ssyncadd.s32 $0xFFFFFE00  }
0x23: {  	v1 =	vld [tilespmem:$0x200]  }
0x24: {  	v2 =	vld [tilespmem:$0x0]  }
0x25: {  	v3 =	vld [tilespmem:$0x210]  }
0x26: {  	v5 =	vld [tilespmem:$0x10]  }
0x27: {  	v22 =	vld [tilespmem:$0x220]  }
0x28: {  	v24 =	vld [tilespmem:$0x20]  }
0x29: {  	v29 =	vld [tilespmem:$0x30]  }
0x2a: {  	v35 =	vld [tilespmem:$0x40]  }
0x2b: {  	v42 =	vld [tilespmem:$0x50]  }
0x2c: {  	v49 =	vld [tilespmem:$0x60]  }
0x2d: {  	v56 =	vld [tilespmem:$0x70];
	v1 =	vadd.f32 v1, v1  }
0x2e: {  	v2 =	vadd.f32 $-5.000000000e-01, v2;
	v3 =	vadd.f32 v3, v3  }
0x2f: {  	v28 =	vld [tilespmem:$0x230];
	v21 =	vadd.f32 $-5.000000000e-01, v5;
	v5 =	vadd.f32 v22, v22  }
0x30: {  	v26 =	vadd.f32 $-5.000000000e-01, v24;
	v33 =	vadd.f32 $-5.000000000e-01, v29  }
0x31: {  	v63 =	vld [tilespmem:$0x80];
	v39 =	vadd.f32 $-5.000000000e-01, v35;
	v46 =	vadd.f32 $-5.000000000e-01, v42  }
0x32: {  	v53 =	vadd.f32 $-5.000000000e-01, v49;
	v60 =	vadd.f32 $-5.000000000e-01, v56  }
0x33: {  	v1 =	vadd.f32 $-5.000000000e-01, v1;
	v4 =	vtrunc.f32 v2;
	v3 =	vadd.f32 $-5.000000000e-01, v3  }
0x34: {  	v23 =	vtrunc.f32 v21;
	v27 =	vadd.f32 $-5.000000000e-01, v5;
	v5 =	vadd.f32 v28, v28  }
0x35: {  	v24 =	vld [tilespmem:$0x90];
	v6 =	vcvt.f32.s32 v4;
	vm0 =	vgt.f32 v2, v4;
	v8 =	vcvt.f32.s32 v23  }
0x36: {  	vm12 =	vgt.f32 v21, v23;
	v21 =	vadd.f32 $-5.000000000e-01, v63;
	v7 =	vtrunc.f32 v1  }
0x37: {  	v25 =	vtrunc.f32 v3;
	v31 =	vtrunc.f32 v27;
	v5 =	vadd.f32 $-5.000000000e-01, v5  }
0x38: {  	v2 =	vcvt.f32.s32 v7;
	vm1 =	vgt.f32 v1, v7;
	v1 =	vsel vm0, $0x1, v0  }
0x39: {  	v9 =	vcvt.f32.s32 v25;
	vm13 =	vgt.f32 v3, v25;
	v7 =	vtrunc.f32 v26  }
0x3a: {  	v10 =	vcvt.f32.s32 v31;
	vm5 =	vgt.f32 v27, v31;
	v28 =	vadd.f32 $-5.000000000e-01, v24  }
0x3b: {  	v20 =	vsel vm1, $0x1, v0;
	v1 =	vadd.s32 v6, v1;
	v6 =	vsel vm12, $0x1, v0  }
0x3c: {  	v4 =	vsel vm13, $0x1, v0;
	v30 =	vcvt.f32.s32 v7;
	vm4 =	vgt.f32 v26, v7  }
0x3d: {  	v37 =	vtrunc.f32 v5;
	v2 =	vadd.s32 v2, v20;
	vm10 =	vgt.s32 v1, $0x0  }
0x3e: {  	v3 =	vadd.s32 v8, v6;
	v4 =	vadd.s32 v9, v4;
	v7 =	vsel vm4, $0x1, v0  }
0x3f: {  	v6 =	vsel vm5, $0x1, v0;
	v8 =	vtrunc.f32 v33;
	v11 =	vcvt.f32.s32 v37  }
0x40: {  	vm9 =	vgt.f32 v5, v37;
	v9 =	vtrunc.f32 v39;
	vm11 =	vgt.s32 v2, $0x0  }
0x41: {  	v1 =	vnsel vm10, $0x0, v1;
	vm14 =	vgt.s32 v3, $0x0;
	vm15 =	vgt.s32 v4, $0x0  }
0x42: {  	v32 =	vadd.s32 v30, v7;
	v6 =	vadd.s32 v10, v6;
	v36 =	vcvt.f32.s32 v8  }
0x43: {  	vm8 =	vgt.f32 v33, v8;
	v7 =	vsel vm9, $0x1, v0;
	v43 =	vcvt.f32.s32 v9  }
0x44: {  	vm12 =	vgt.f32 v39, v9;
	v10 =	vtrunc.f32 v46;
	v2 =	vnsel vm11, $0x0, v2  }
0x45: {  	v1 =	vmin.u32 v1, $0x7;
	v3 =	vnsel vm14, $0x0, v3;
	vm6 =	vgt.s32 v32, $0x0  }
0x46: {  	v31 =	vld [tilespmem:$0xA0];
	vm7 =	vgt.s32 v6, $0x0;
	v8 =	vsel vm8, $0x1, v0;
	v7 =	vadd.s32 v11, v7  }
0x47: {  	v41 =	vld [tilespmem:$0x250];
	v9 =	vsel vm12, $0x1, v0;
	v50 =	vcvt.f32.s32 v10;
	vm4 =	vgt.f32 v46, v10  }
0x48: {  	v11 =	vtrunc.f32 v53;
	v2 =	vmin.u32 v2, $0x7;
	v3 =	vmin.u32 v3, $0x7  }
0x49: {  	v38 =	vadd.s32 v36, v8;
	vm11 =	vgt.s32 v7, $0x0;
	v45 =	vadd.s32 v43, v9  }
0x4a: {  	v10 =	vsel vm4, $0x1, v0;
	v57 =	vcvt.f32.s32 v11;
	vm8 =	vgt.f32 v53, v11  }
0x4b: {  	v35 =	vadd.f32 $-5.000000000e-01, v31;
	v2 =	vshll.u32 v2, $0x3;
	vm10 =	vgt.s32 v38, $0x0  }
0x4c: {  	v40 =	vnsel vm11, $0x0, v7;
	vm14 =	vgt.s32 v45, $0x0;
	v7 =	vadd.f32 v41, v41  }
0x4d: {  	v34 =	vld [tilespmem:$0x240];
	v52 =	vadd.s32 v50, v10;
	v11 =	vsel vm8, $0x1, v0;
	v1 =	vor.u32 v1, v2  }
0x4e: {  	v2 =	vnsel vm15, $0x0, v4;
	v4 =	vnsel vm6, $0x0, v32;
	v5 =	vnsel vm10, $0x0, v38  }
0x4f: {  	vm6 =	vgt.s32 v52, $0x0;
	v59 =	vadd.s32 v57, v11;
	v2 =	vmin.u32 v2, $0x7  }
0x50: {  	v38 =	vld [tilespmem:$0xB0];
	v4 =	vmin.u32 v4, $0x7;
	v7 =	vadd.f32 $-5.000000000e-01, v7;
	v2 =	vshll.u32 v2, $0x3  }
0x51: {  	v5 =	vmin.u32 v5, $0x7;
	vm10 =	vgt.s32 v59, $0x0;
	v2 =	vor.u32 v3, v2  }
0x52: {  	v3 =	vnsel vm7, $0x0, v6;
	v6 =	vadd.f32 v34, v34;
	v51 =	vtrunc.f32 v7  }
0x53: {  	v3 =	vmin.u32 v3, $0x7;
	v13 =	vcvt.f32.s32 v51;
	vm5 =	vgt.f32 v7, v51  }
0x54: {  	v7 =	vnsel vm6, $0x0, v52;
	v3 =	vshll.u32 v3, $0x3;
	v6 =	vadd.f32 $-5.000000000e-01, v6  }
0x55: {  	v55 =	vld [tilespmem:$0x270];
	v9 =	vsel vm5, $0x1, v0;
	v7 =	vmin.u32 v7, $0x7;
	v42 =	vadd.f32 $-5.000000000e-01, v38  }
0x56: {  	v3 =	vor.u32 v4, v3;
	v4 =	vmin.u32 v40, $0x7;
	v9 =	vadd.s32 v13, v9  }
0x57: {  	v52 =	vld [tilespmem:$0xD0];
	v13 =	vtrunc.f32 v21;
	v44 =	vtrunc.f32 v6;
	v4 =	vshll.u32 v4, $0x3  }
0x58: {  	vm7 =	vgt.s32 v9, $0x0;
	v25 =	vcvt.f32.s32 v13;
	vm4 =	vgt.f32 v21, v13  }
0x59: {  	v12 =	vcvt.f32.s32 v44;
	vm13 =	vgt.f32 v6, v44;
	v6 =	vnsel vm14, $0x0, v45  }
0x5a: {  	v48 =	vld [tilespmem:$0x260];
	v4 =	vor.u32 v5, v4;
	v54 =	vnsel vm7, $0x0, v9;
	v9 =	vadd.f32 v55, v55  }
0x5b: {  	v13 =	vsel vm4, $0x1, v0;
	v8 =	vsel vm13, $0x1, v0;
	v6 =	vmin.u32 v6, $0x7  }
0x5c: {  	v45 =	vld [tilespmem:$0xC0];
	v27 =	vadd.s32 v25, v13;
	v56 =	vadd.f32 $-5.000000000e-01, v52;
	v8 =	vadd.s32 v12, v8  }
0x5d: {  	v9 =	vadd.f32 $-5.000000000e-01, v9;
	v12 =	vtrunc.f32 v60;
	vm6 =	vgt.s32 v27, $0x0  }
0x5e: {  	vm15 =	vgt.s32 v8, $0x0;
	v18 =	vcvt.f32.s32 v12;
	vm12 =	vgt.f32 v60, v12  }
0x5f: {  	v47 =	vnsel vm15, $0x0, v8;
	v8 =	vadd.f32 v48, v48;
	v19 =	vtrunc.f32 v9  }
0x60: {  	v12 =	vsel vm12, $0x1, v0;
	v5 =	vmin.u32 v47, $0x7;
	v15 =	vcvt.f32.s32 v19  }
0x61: {  	vm13 =	vgt.f32 v9, v19;
	v20 =	vadd.s32 v18, v12;
	v49 =	vadd.f32 $-5.000000000e-01, v45  }
0x62: {  	v5 =	vshll.u32 v5, $0x3;
	v8 =	vadd.f32 $-5.000000000e-01, v8;
	v11 =	vsel vm13, $0x1, v0  }
0x63: {  	v23 =	vld [tilespmem:$0x290];
	vm14 =	vgt.s32 v20, $0x0;
	v5 =	vor.u32 v6, v5;
	v6 =	vmin.u32 v54, $0x7  }
0x64: {  	v11 =	vadd.s32 v15, v11;
	v9 =	vnsel vm14, $0x0, v20;
	v15 =	vtrunc.f32 v35  }
0x65: {  	v58 =	vtrunc.f32 v8;
	v6 =	vshll.u32 v6, $0x3;
	vm15 =	vgt.s32 v11, $0x0  }
0x66: {  	v9 =	vmin.u32 v9, $0x7;
	v39 =	vcvt.f32.s32 v15;
	vm12 =	vgt.f32 v35, v15  }
0x67: {  	v14 =	vcvt.f32.s32 v58;
	vm9 =	vgt.f32 v8, v58;
	v8 =	vnsel vm10, $0x0, v59  }
0x68: {  	v62 =	vld [tilespmem:$0x280];
	v6 =	vor.u32 v7, v6;
	v22 =	vnsel vm15, $0x0, v11;
	v11 =	vadd.f32 v23, v23  }
0x69: {  	v15 =	vsel vm12, $0x1, v0;
	v10 =	vsel vm9, $0x1, v0;
	v8 =	vmin.u32 v8, $0x7  }
0x6a: {  	v59 =	vld [tilespmem:$0xE0];
	v41 =	vadd.s32 v39, v15;
	v10 =	vadd.s32 v14, v10;
	v11 =	vadd.f32 $-5.000000000e-01, v11  }
0x6b: {  	v14 =	vtrunc.f32 v28;
	vm14 =	vgt.s32 v41, $0x0;
	vm11 =	vgt.s32 v10, $0x0  }
0x6c: {  	v32 =	vcvt.f32.s32 v14;
	vm8 =	vgt.f32 v28, v14;
	v61 =	vnsel vm11, $0x0, v10  }
0x6d: {  	v10 =	vadd.f32 v62, v62;
	v33 =	vtrunc.f32 v11;
	v14 =	vsel vm8, $0x1, v0  }
0x6e: {  	v7 =	vmin.u32 v61, $0x7;
	v17 =	vcvt.f32.s32 v33;
	vm9 =	vgt.f32 v11, v33  }
0x6f: {  	v34 =	vadd.s32 v32, v14;
	v63 =	vadd.f32 $-5.000000000e-01, v59;
	v7 =	vshll.u32 v7, $0x3  }
0x70: {  	v10 =	vadd.f32 $-5.000000000e-01, v10;
	v13 =	vsel vm9, $0x1, v0;
	vm10 =	vgt.s32 v34, $0x0  }
0x71: {  	v37 =	vld [tilespmem:$0x2B0];
	v7 =	vor.u32 v8, v7;
	v8 =	vmin.u32 v22, $0x7;
	v13 =	vadd.s32 v17, v13  }
0x72: {  	v11 =	vnsel vm10, $0x0, v34;
	v17 =	vtrunc.f32 v49;
	v26 =	vtrunc.f32 v10  }
0x73: {  	v33 =	vld [tilespmem:$0x100];
	v8 =	vshll.u32 v8, $0x3;
	vm11 =	vgt.s32 v13, $0x0;
	v11 =	vmin.u32 v11, $0x7  }
0x74: {  	v53 =	vcvt.f32.s32 v17;
	vm8 =	vgt.f32 v49, v17;
	v16 =	vcvt.f32.s32 v26  }
0x75: {  	vm5 =	vgt.f32 v10, v26;
	v10 =	vnsel vm6, $0x0, v27;
	v8 =	vor.u32 v9, v8  }
0x76: {  	v30 =	vld [tilespmem:$0x2A0];
	v36 =	vnsel vm11, $0x0, v13;
	v13 =	vadd.f32 v37, v37;
	v17 =	vsel vm8, $0x1, v0  }
0x77: {  	v12 =	vsel vm5, $0x1, v0;
	v10 =	vmin.u32 v10, $0x7;
	v55 =	vadd.s32 v53, v17  }
0x78: {  	v26 =	vld [tilespmem:$0xF0];
	v37 =	vadd.f32 $-5.000000000e-01, v33;
	v12 =	vadd.s32 v16, v12;
	v13 =	vadd.f32 $-5.000000000e-01, v13  }
0x79: {  	v16 =	vtrunc.f32 v42;
	vm10 =	vgt.s32 v55, $0x0;
	vm7 =	vgt.s32 v12, $0x0  }
0x7a: {  	v46 =	vcvt.f32.s32 v16;
	vm4 =	vgt.f32 v42, v16;
	v29 =	vnsel vm7, $0x0, v12  }
0x7b: {  	v12 =	vadd.f32 v30, v30;
	v47 =	vtrunc.f32 v13;
	v16 =	vsel vm4, $0x1, v0  }
0x7c: {  	v9 =	vmin.u32 v29, $0x7;
	v19 =	vcvt.f32.s32 v47;
	vm5 =	vgt.f32 v13, v47  }
0x7d: {  	v48 =	vadd.s32 v46, v16;
	v30 =	vadd.f32 $-5.000000000e-01, v26;
	v9 =	vshll.u32 v9, $0x3  }
0x7e: {  	v12 =	vadd.f32 $-5.000000000e-01, v12;
	v15 =	vsel vm5, $0x1, v0;
	vm6 =	vgt.s32 v48, $0x0  }
0x7f: {  	v51 =	vld [tilespmem:$0x2D0];
	v9 =	vor.u32 v10, v9;
	v10 =	vmin.u32 v36, $0x7;
	v15 =	vadd.s32 v19, v15  }
0x80: {  	v13 =	vnsel vm6, $0x0, v48;
	v19 =	vtrunc.f32 v63;
	v40 =	vtrunc.f32 v12  }
0x81: {  	v47 =	vld [tilespmem:$0x120];
	v10 =	vshll.u32 v10, $0x3;
	vm7 =	vgt.s32 v15, $0x0;
	v13 =	vmin.u32 v13, $0x7  }
0x82: {  	v27 =	vcvt.f32.s32 v19;
	vm4 =	vgt.f32 v63, v19;
	v18 =	vcvt.f32.s32 v40  }
0x83: {  	vm13 =	vgt.f32 v12, v40;
	v12 =	vnsel vm14, $0x0, v41;
	v10 =	vor.u32 v11, v10  }
0x84: {  	v44 =	vld [tilespmem:$0x2C0];
	v50 =	vnsel vm7, $0x0, v15;
	v15 =	vadd.f32 v51, v51;
	v19 =	vsel vm4, $0x1, v0  }
0x85: {  	v14 =	vsel vm13, $0x1, v0;
	v12 =	vmin.u32 v12, $0x7;
	v29 =	vadd.s32 v27, v19  }
0x86: {  	v40 =	vld [tilespmem:$0x110];
	v51 =	vadd.f32 $-5.000000000e-01, v47;
	v14 =	vadd.s32 v18, v14;
	v15 =	vadd.f32 $-5.000000000e-01, v15  }
0x87: {  	v18 =	vtrunc.f32 v56;
	vm6 =	vgt.s32 v29, $0x0;
	vm15 =	vgt.s32 v14, $0x0  }
0x88: {  	v60 =	vcvt.f32.s32 v18;
	vm12 =	vgt.f32 v56, v18;
	v43 =	vnsel vm15, $0x0, v14  }
0x89: {  	v14 =	vadd.f32 v44, v44;
	v61 =	vtrunc.f32 v15;
	v18 =	vsel vm12, $0x1, v0  }
0x8a: {  	v11 =	vmin.u32 v43, $0x7;
	v21 =	vcvt.f32.s32 v61;
	vm13 =	vgt.f32 v15, v61  }
0x8b: {  	v62 =	vadd.s32 v60, v18;
	v44 =	vadd.f32 $-5.000000000e-01, v40;
	v11 =	vshll.u32 v11, $0x3  }
0x8c: {  	v14 =	vadd.f32 $-5.000000000e-01, v14;
	v17 =	vsel vm13, $0x1, v0;
	vm14 =	vgt.s32 v62, $0x0  }
0x8d: {  	v25 =	vld [tilespmem:$0x2F0];
	v11 =	vor.u32 v12, v11;
	v12 =	vmin.u32 v50, $0x7;
	v17 =	vadd.s32 v21, v17  }
0x8e: {  	v15 =	vnsel vm14, $0x0, v62;
	v21 =	vtrunc.f32 v37;
	v54 =	vtrunc.f32 v14  }
0x8f: {  	v12 =	vshll.u32 v12, $0x3;
	vm15 =	vgt.s32 v17, $0x0;
	v15 =	vmin.u32 v15, $0x7  }
0x90: {  	v41 =	vcvt.f32.s32 v21;
	vm12 =	vgt.f32 v37, v21;
	v20 =	vcvt.f32.s32 v54  }
0x91: {  	v58 =	vld [tilespmem:$0x2E0];
	vm9 =	vgt.f32 v14, v54;
	v14 =	vnsel vm10, $0x0, v55;
	v12 =	vor.u32 v13, v12  }
0x92: {  	v24 =	vnsel vm15, $0x0, v17;
	v17 =	vadd.f32 v25, v25;
	v21 =	vsel vm12, $0x1, v0  }
0x93: {  	v16 =	vsel vm9, $0x1, v0;
	v14 =	vmin.u32 v14, $0x7;
	v43 =	vadd.s32 v41, v21  }
0x94: {  	v54 =	vld [tilespmem:$0x130];
	v16 =	vadd.s32 v20, v16;
	v17 =	vadd.f32 $-5.000000000e-01, v17;
	v20 =	vtrunc.f32 v30  }
0x95: {  	vm14 =	vgt.s32 v43, $0x0;
	vm11 =	vgt.s32 v16, $0x0;
	v34 =	vcvt.f32.s32 v20  }
0x96: {  	vm8 =	vgt.f32 v30, v20;
	v57 =	vnsel vm11, $0x0, v16;
	v16 =	vadd.f32 v58, v58  }
0x97: {  	v35 =	vtrunc.f32 v17;
	v20 =	vsel vm8, $0x1, v0;
	v13 =	vmin.u32 v57, $0x7  }
0x98: {  	v23 =	vcvt.f32.s32 v35;
	vm9 =	vgt.f32 v17, v35;
	v36 =	vadd.s32 v34, v20  }
0x99: {  	v58 =	vadd.f32 $-5.000000000e-01, v54;
	v13 =	vshll.u32 v13, $0x3;
	v16 =	vadd.f32 $-5.000000000e-01, v16  }
0x9a: {  	v19 =	vsel vm9, $0x1, v0;
	vm10 =	vgt.s32 v36, $0x0;
	v13 =	vor.u32 v14, v13  }
0x9b: {  	v39 =	vld [tilespmem:$0x310];
	v14 =	vmin.u32 v24, $0x7;
	v19 =	vadd.s32 v23, v19;
	v17 =	vnsel vm10, $0x0, v36  }
0x9c: {  	v23 =	vtrunc.f32 v51;
	v28 =	vtrunc.f32 v16;
	v14 =	vshll.u32 v14, $0x3  }
0x9d: {  	vm11 =	vgt.s32 v19, $0x0;
	v17 =	vmin.u32 v17, $0x7;
	v55 =	vcvt.f32.s32 v23  }
0x9e: {  	vm8 =	vgt.f32 v51, v23;
	v22 =	vcvt.f32.s32 v28;
	vm5 =	vgt.f32 v16, v28  }
0x9f: {  	v32 =	vld [tilespmem:$0x300];
	v16 =	vnsel vm6, $0x0, v29;
	v14 =	vor.u32 v15, v14;
	v38 =	vnsel vm11, $0x0, v19  }
0xa0: {  	v19 =	vadd.f32 v39, v39;
	v23 =	vsel vm8, $0x1, v0;
	v18 =	vsel vm5, $0x1, v0  }
0xa1: {  	v61 =	vld [tilespmem:$0x140];
	v16 =	vmin.u32 v16, $0x7;
	v57 =	vadd.s32 v55, v23;
	v18 =	vadd.s32 v22, v18  }
0xa2: {  	v19 =	vadd.f32 $-5.000000000e-01, v19;
	v22 =	vtrunc.f32 v44;
	vm10 =	vgt.s32 v57, $0x0  }
0xa3: {  	vm7 =	vgt.s32 v18, $0x0;
	v48 =	vcvt.f32.s32 v22;
	vm4 =	vgt.f32 v44, v22  }
0xa4: {  	v31 =	vnsel vm7, $0x0, v18;
	v18 =	vadd.f32 v32, v32;
	v49 =	vtrunc.f32 v19  }
0xa5: {  	v34 =	vld [tilespmem:$0x150];
	v22 =	vsel vm4, $0x1, v0;
	v15 =	vmin.u32 v31, $0x7;
	v25 =	vcvt.f32.s32 v49  }
0xa6: {  	vm5 =	vgt.f32 v19, v49;
	v50 =	vadd.s32 v48, v22;
	v31 =	vadd.f32 $-5.000000000e-01, v61  }
0xa7: {  	v15 =	vshll.u32 v15, $0x3;
	v18 =	vadd.f32 $-5.000000000e-01, v18;
	v21 =	vsel vm5, $0x1, v0  }
0xa8: {  	vm6 =	vgt.s32 v50, $0x0;
	v15 =	vor.u32 v16, v15;
	v16 =	vmin.u32 v38, $0x7  }
0xa9: {  	v53 =	vld [tilespmem:$0x330];
	v21 =	vadd.s32 v25, v21;
	v19 =	vnsel vm6, $0x0, v50;
	v25 =	vtrunc.f32 v31  }
0xaa: {  	v61 =	vld [tilespmem:$0x390];
	v38 =	vadd.f32 $-5.000000000e-01, v34;
	v42 =	vtrunc.f32 v18;
	v16 =	vshll.u32 v16, $0x3  }
0xab: {  	vm7 =	vgt.s32 v21, $0x0;
	v19 =	vmin.u32 v19, $0x7;
	v35 =	vcvt.f32.s32 v25  }
0xac: {  	vm4 =	vgt.f32 v31, v25;
	v24 =	vcvt.f32.s32 v42;
	vm13 =	vgt.f32 v18, v42  }
0xad: {  	v46 =	vld [tilespmem:$0x320];
	v18 =	vnsel vm14, $0x0, v43;
	v16 =	vor.u32 v17, v16;
	v52 =	vnsel vm7, $0x0, v21  }
0xae: {  	v21 =	vadd.f32 v53, v53;
	v25 =	vsel vm4, $0x1, v0;
	v20 =	vsel vm13, $0x1, v0  }
0xaf: {  	v18 =	vmin.u32 v18, $0x7;
	v37 =	vadd.s32 v35, v25;
	v35 =	vadd.f32 v61, v61  }
0xb0: {  	v41 =	vld [tilespmem:$0x160];
	v20 =	vadd.s32 v24, v20;
	v21 =	vadd.f32 $-5.000000000e-01, v21;
	v24 =	vtrunc.f32 v58  }
0xb1: {  	vm6 =	vgt.s32 v37, $0x0;
	vm15 =	vgt.s32 v20, $0x0;
	v62 =	vcvt.f32.s32 v24  }
0xb2: {  	vm12 =	vgt.f32 v58, v24;
	v45 =	vnsel vm15, $0x0, v20;
	v20 =	vadd.f32 v46, v46  }
0xb3: {  	v63 =	vtrunc.f32 v21;
	v24 =	vsel vm12, $0x1, v0;
	v17 =	vmin.u32 v45, $0x7  }
0xb4: {  	v27 =	vcvt.f32.s32 v63;
	vm13 =	vgt.f32 v21, v63;
	v30 =	vadd.s32 v62, v24  }
0xb5: {  	v45 =	vadd.f32 $-5.000000000e-01, v41;
	v17 =	vshll.u32 v17, $0x3;
	v20 =	vadd.f32 $-5.000000000e-01, v20  }
0xb6: {  	v33 =	vld [tilespmem:$0x350];
	v23 =	vsel vm13, $0x1, v0;
	vm14 =	vgt.s32 v30, $0x0;
	v17 =	vor.u32 v18, v17  }
0xb7: {  	v46 =	vld [tilespmem:$0x370];
	v18 =	vmin.u32 v52, $0x7;
	v23 =	vadd.s32 v27, v23;
	v21 =	vnsel vm14, $0x0, v30  }
0xb8: {  	v49 =	vtrunc.f32 v45;
	v56 =	vtrunc.f32 v20;
	v18 =	vshll.u32 v18, $0x3  }
0xb9: {  	vm15 =	vgt.s32 v23, $0x0;
	v21 =	vmin.u32 v21, $0x7;
	v50 =	vcvt.f32.s32 v49  }
0xba: {  	vm12 =	vgt.f32 v45, v49;
	v26 =	vcvt.f32.s32 v56;
	vm9 =	vgt.f32 v20, v56  }
0xbb: {  	v60 =	vld [tilespmem:$0x340];
	v20 =	vnsel vm10, $0x0, v57;
	v32 =	vnsel vm15, $0x0, v23;
	v23 =	vadd.f32 v33, v33  }
0xbc: {  	v18 =	vor.u32 v19, v18;
	v27 =	vadd.f32 v46, v46;
	v22 =	vsel vm9, $0x1, v0  }
0xbd: {  	v20 =	vmin.u32 v20, $0x7;
	v22 =	vadd.s32 v26, v22;
	v23 =	vadd.f32 $-5.000000000e-01, v23  }
0xbe: {  	v26 =	vtrunc.f32 v38;
	v27 =	vadd.f32 $-5.000000000e-01, v27;
	vm11 =	vgt.s32 v22, $0x0  }
0xbf: {  	v42 =	vcvt.f32.s32 v26;
	vm8 =	vgt.f32 v38, v26;
	v59 =	vnsel vm11, $0x0, v22  }
0xc0: {  	v22 =	vadd.f32 v60, v60;
	v43 =	vtrunc.f32 v23;
	v26 =	vsel vm8, $0x1, v0  }
0xc1: {  	v56 =	vtrunc.f32 v27;
	v19 =	vmin.u32 v59, $0x7;
	v29 =	vcvt.f32.s32 v43  }
0xc2: {  	vm9 =	vgt.f32 v23, v43;
	v44 =	vadd.s32 v42, v26;
	v31 =	vcvt.f32.s32 v56  }
0xc3: {  	v48 =	vld [tilespmem:$0x170];
	v19 =	vshll.u32 v19, $0x3;
	v22 =	vadd.f32 $-5.000000000e-01, v22;
	v25 =	vsel vm9, $0x1, v0  }
0xc4: {  	v62 =	vld [tilespmem:$0x190];
	vm10 =	vgt.s32 v44, $0x0;
	v19 =	vor.u32 v20, v19;
	v20 =	vmin.u32 v32, $0x7  }
0xc5: {  	v25 =	vadd.s32 v29, v25;
	v23 =	vnsel vm10, $0x0, v44;
	v36 =	vtrunc.f32 v22  }
0xc6: {  	v20 =	vshll.u32 v20, $0x3;
	vm11 =	vgt.s32 v25, $0x0;
	v23 =	vmin.u32 v23, $0x7  }
0xc7: {  	v53 =	vld [tilespmem:$0x180];
	v28 =	vcvt.f32.s32 v36;
	vm5 =	vgt.f32 v22, v36;
	v22 =	vnsel vm6, $0x0, v37  }
0xc8: {  	v57 =	vld [tilespmem:$0x380];
	v20 =	vor.u32 v21, v20;
	v47 =	vnsel vm11, $0x0, v25;
	v25 =	vadd.f32 $-5.000000000e-01, v48  }
0xc9: {  	v49 =	vld [tilespmem:$0x1B0];
	v37 =	vadd.f32 $-5.000000000e-01, v62;
	v24 =	vsel vm5, $0x1, v0;
	v22 =	vmin.u32 v22, $0x7  }
0xca: {  	v40 =	vld [tilespmem:$0x360];
	vm5 =	vgt.f32 v27, v56;
	v24 =	vadd.s32 v28, v24;
	v28 =	vsel vm12, $0x1, v0  }
0xcb: {  	v54 =	vtrunc.f32 v25;
	v59 =	vsel vm5, $0x1, v0;
	v41 =	vtrunc.f32 v37  }
0xcc: {  	vm7 =	vgt.s32 v24, $0x0;
	v52 =	vadd.s32 v50, v28;
	v55 =	vcvt.f32.s32 v54  }
0xcd: {  	v48 =	vld [tilespmem:$0x3B0];
	vm4 =	vgt.f32 v25, v54;
	v28 =	vadd.f32 $-5.000000000e-01, v53;
	v25 =	vadd.f32 v57, v57  }
0xce: {  	v43 =	vcvt.f32.s32 v41;
	vm11 =	vgt.f32 v37, v41;
	v57 =	vadd.f32 $-5.000000000e-01, v49  }
0xcf: {  	v39 =	vnsel vm7, $0x0, v24;
	v24 =	vadd.f32 v40, v40;
	vm14 =	vgt.s32 v52, $0x0  }
0xd0: {  	v29 =	vsel vm4, $0x1, v0;
	v46 =	vsel vm11, $0x1, v0;
	v21 =	vmin.u32 v39, $0x7  }
0xd1: {  	v58 =	vadd.s32 v55, v29;
	v29 =	vadd.s32 v31, v59;
	v25 =	vadd.f32 $-5.000000000e-01, v25  }
0xd2: {  	v60 =	vtrunc.f32 v28;
	v39 =	vadd.f32 $-5.000000000e-01, v35;
	v55 =	vadd.f32 v48, v48  }
0xd3: {  	v21 =	vshll.u32 v21, $0x3;
	v24 =	vadd.f32 $-5.000000000e-01, v24;
	vm6 =	vgt.s32 v58, $0x0  }
0xd4: {  	vm7 =	vgt.s32 v29, $0x0;
	v32 =	vcvt.f32.s32 v60;
	vm8 =	vgt.f32 v28, v60  }
0xd5: {  	v41 =	vld [tilespmem:$0x1E0];
	v60 =	vtrunc.f32 v57;
	v21 =	vor.u32 v22, v21;
	v22 =	vmin.u32 v47, $0x7  }
0xd6: {  	v49 =	vld [tilespmem:$0x1F0];
	v27 =	vnsel vm6, $0x0, v58;
	v29 =	vnsel vm7, $0x0, v29;
	v63 =	vsel vm8, $0x1, v0  }
0xd7: {  	v34 =	vtrunc.f32 v25;
	v44 =	vtrunc.f32 v39;
	v47 =	vadd.s32 v43, v46  }
0xd8: {  	vm8 =	vgt.f32 v57, v60;
	v51 =	vtrunc.f32 v24;
	v22 =	vshll.u32 v22, $0x3  }
0xd9: {  	v45 =	vld [tilespmem:$0x3A0];
	v27 =	vmin.u32 v27, $0x7;
	v36 =	vcvt.f32.s32 v34;
	vm10 =	vgt.f32 v25, v34  }
0xda: {  	[tilespmem:$0x480] =	vst v5;
	vm12 =	vgt.f32 v39, v44;
	v34 =	vsel vm8, $0x1, v0;
	v5 =	vadd.f32 $-5.000000000e-01, v41  }
0xdb: {  	[tilespmem:$0x4B0] =	vst v8;
	v39 =	vld [tilespmem:$0x3D0];
	v8 =	vadd.f32 $-5.000000000e-01, v49;
	v30 =	vcvt.f32.s32 v51;
	vm13 =	vgt.f32 v24, v51  }
0xdc: {  	v58 =	vld [tilespmem:$0x3C0];
	v24 =	vnsel vm14, $0x0, v52;
	v23 =	vor.u32 v23, v22;
	v38 =	vsel vm10, $0x1, v0  }
0xdd: {  	v25 =	vsel vm12, $0x1, v0;
	vm14 =	vgt.s32 v47, $0x0;
	v26 =	vsel vm13, $0x1, v0  }
0xde: {  	v26 =	vadd.s32 v30, v26;
	v30 =	vmin.u32 v29, $0x7;
	v29 =	vadd.f32 v45, v45  }
0xdf: {  	v42 =	vld [tilespmem:$0x1A0];
	v24 =	vmin.u32 v24, $0x7;
	v57 =	vtrunc.f32 v8;
	vm15 =	vgt.s32 v26, $0x0  }
0xe0: {  	v59 =	vld [tilespmem:$0x1C0];
	v26 =	vnsel vm15, $0x0, v26;
	v29 =	vadd.f32 $-5.000000000e-01, v29;
	v43 =	vadd.f32 v39, v39  }
0xe1: {  	v37 =	vld [tilespmem:$0x1D0];
	v62 =	vadd.f32 v58, v58;
	v58 =	vcvt.f32.s32 v57;
	v26 =	vmin.u32 v26, $0x7  }
0xe2: {  	[tilespmem:$0x4A0] =	vst v7;
	v26 =	vshll.u32 v26, $0x3;
	v53 =	vtrunc.f32 v29;
	v7 =	vadd.f32 $-5.000000000e-01, v43  }
0xe3: {  	v22 =	vor.u32 v24, v26;
	v24 =	vadd.s32 v32, v63;
	v26 =	vshll.u32 v30, $0x3  }
0xe4: {  	v30 =	vadd.f32 $-5.000000000e-01, v42;
	v54 =	vcvt.f32.s32 v53;
	vm5 =	vgt.f32 v29, v53  }
0xe5: {  	v29 =	vadd.f32 $-5.000000000e-01, v55;
	v63 =	vcvt.f32.s32 v60;
	v32 =	vadd.f32 $-5.000000000e-01, v59  }
0xe6: {  	v42 =	vadd.f32 $-5.000000000e-01, v37;
	vm9 =	vgt.s32 v24, $0x0;
	v56 =	vsel vm5, $0x1, v0  }
0xe7: {  	v46 =	vtrunc.f32 v7;
	v33 =	vnsel vm9, $0x0, v24;
	v24 =	vor.u32 v27, v26  }
0xe8: {  	v26 =	vadd.s32 v36, v38;
	v27 =	vnsel vm14, $0x0, v47;
	v50 =	vtrunc.f32 v30  }
0xe9: {  	[tilespmem:$0x400] =	vst v1;
	v28 =	vadd.s32 v54, v56;
	v61 =	vtrunc.f32 v29;
	v1 =	vadd.s32 v63, v34  }
0xea: {  	v35 =	vtrunc.f32 v32;
	v45 =	vtrunc.f32 v42;
	vm5 =	vgt.f32 v7, v46  }
0xeb: {  	v40 =	vmin.u32 v33, $0x7;
	v33 =	vcvt.f32.s32 v44;
	vm13 =	vgt.s32 v26, $0x0  }
0xec: {  	v27 =	vmin.u32 v27, $0x7;
	vm4 =	vgt.f32 v30, v50;
	v51 =	vcvt.f32.s32 v50  }
0xed: {  	vm7 =	vgt.s32 v28, $0x0;
	vm9 =	vgt.f32 v29, v61;
	v30 =	vcvt.f32.s32 v61  }
0xee: {  	[tilespmem:$0x410] =	vst v2;
	v29 =	vadd.f32 $-5.000000000e-01, v62;
	v2 =	vcvt.f32.s32 v35;
	vm10 =	vgt.f32 v32, v35  }
0xef: {  	vm12 =	vgt.s32 v1, $0x0;
	v50 =	vsel vm5, $0x1, v0;
	v26 =	vnsel vm13, $0x0, v26  }
0xf0: {  	[tilespmem:$0x420] =	vst v3;
	v52 =	vsel vm4, $0x1, v0;
	v28 =	vnsel vm7, $0x0, v28;
	v3 =	vsel vm10, $0x1, v0  }
0xf1: {  	v1 =	vnsel vm12, $0x0, v1;
	vm4 =	vgt.f32 v42, v45;
	v25 =	vadd.s32 v33, v25  }
0xf2: {  	v26 =	vmin.u32 v26, $0x7;
	v28 =	vmin.u32 v28, $0x7;
	v33 =	vsel vm9, $0x1, v0  }
0xf3: {  	v47 =	vld [tilespmem:$0x3F0];
	v36 =	vtrunc.f32 v29;
	v2 =	vadd.s32 v2, v3;
	v1 =	vmin.u32 v1, $0x7  }
0xf4: {  	[tilespmem:$0x500] =	vst v9;
	v9 =	vsel vm4, $0x1, v0;
	vm9 =	vgt.f32 v8, v57;
	vm15 =	vgt.s32 v25, $0x0  }
0xf5: {  	v44 =	vld [tilespmem:$0x3E0];
	v26 =	vshll.u32 v26, $0x3;
	v28 =	vshll.u32 v28, $0x3;
	vm11 =	vgt.f32 v29, v36  }
0xf6: {  	v38 =	vcvt.f32.s32 v36;
	vm14 =	vgt.s32 v2, $0x0;
	v60 =	vsel vm9, $0x1, v0  }
0xf7: {  	v25 =	vnsel vm15, $0x0, v25;
	v26 =	vor.u32 v40, v26;
	v3 =	vsel vm11, $0x1, v0  }
0xf8: {  	[tilespmem:$0x490] =	vst v6;
	v2 =	vnsel vm14, $0x0, v2;
	v6 =	vadd.f32 v47, v47;
	v8 =	vadd.s32 v58, v60  }
0xf9: {  	[tilespmem:$0x430] =	vst v4;
	v25 =	vmin.u32 v25, $0x7;
	v3 =	vadd.s32 v38, v3;
	v2 =	vmin.u32 v2, $0x7  }
0xfa: {  	[tilespmem:$0x510] =	vst v10;
	v48 =	vadd.f32 v44, v44;
	vm14 =	vgt.s32 v8, $0x0;
	v25 =	vshll.u32 v25, $0x3  }
0xfb: {  	[tilespmem:$0x520] =	vst v11;
	vm15 =	vgt.s32 v3, $0x0;
	v6 =	vadd.f32 $-5.000000000e-01, v6;
	v8 =	vnsel vm14, $0x0, v8  }
0xfc: {  	[tilespmem:$0x530] =	vst v12;
	v25 =	vor.u32 v27, v25;
	v27 =	vadd.s32 v51, v52;
	v3 =	vnsel vm15, $0x0, v3  }
0xfd: {  	[tilespmem:$0x580] =	vst v13;
	v51 =	vtrunc.f32 v5;
	v7 =	vadd.f32 $-5.000000000e-01, v48;
	vm6 =	vgt.s32 v27, $0x0  }
0xfe: {  	[tilespmem:$0x590] =	vst v14;
	v3 =	vmin.u32 v3, $0x7;
	v52 =	vcvt.f32.s32 v51;
	v27 =	vnsel vm6, $0x0, v27  }
0xff: {  	[tilespmem:$0x5A0] =	vst v15;
	v59 =	vtrunc.f32 v6;
	v3 =	vshll.u32 v3, $0x3;
	v27 =	vmin.u32 v27, $0x7  }
0x100: {  	[tilespmem:$0x5B0] =	vst v16;
	vm6 =	vgt.f32 v5, v51;
	v27 =	vor.u32 v27, v28;
	v28 =	vadd.s32 v30, v33  }
0x101: {  	[tilespmem:$0x600] =	vst v17;
	v54 =	vtrunc.f32 v7;
	vm10 =	vgt.f32 v6, v59;
	vm13 =	vgt.s32 v28, $0x0  }
0x102: {  	[tilespmem:$0x610] =	vst v18;
	v61 =	vcvt.f32.s32 v59;
	v2 =	vor.u32 v2, v3;
	v40 =	vnsel vm13, $0x0, v28  }
0x103: {  	[tilespmem:$0x620] =	vst v19;
	v3 =	vcvt.f32.s32 v45;
	v53 =	vsel vm6, $0x1, v0;
	v4 =	vmin.u32 v40, $0x7  }
0x104: {  	[tilespmem:$0x630] =	vst v20;
	vm7 =	vgt.f32 v7, v54;
	v55 =	vcvt.f32.s32 v54;
	v4 =	vshll.u32 v4, $0x3  }
0x105: {  	[tilespmem:$0x680] =	vst v21;
	v62 =	vsel vm10, $0x1, v0;
	v1 =	vor.u32 v1, v4;
	v4 =	vcvt.f32.s32 v46  }
0x106: {  	[tilespmem:$0x690] =	vst v23;
	v5 =	vadd.s32 v52, v53;
	v56 =	vsel vm7, $0x1, v0;
	v6 =	vadd.s32 v61, v62  }
0x107: {  	[tilespmem:$0x6A0] =	vst v22;
	v3 =	vadd.s32 v3, v9;
	v7 =	vadd.s32 v55, v56;
	v4 =	vadd.s32 v4, v50  }
0x108: {  	[tilespmem:$0x6B0] =	vst v24;
	vm12 =	vgt.s32 v5, $0x0;
	vm15 =	vgt.s32 v6, $0x0;
	vm11 =	vgt.s32 v4, $0x0  }
0x109: {  	[tilespmem:$0x700] =	vst v26;
	vm8 =	vgt.s32 v3, $0x0;
	v5 =	vnsel vm12, $0x0, v5;
	v4 =	vnsel vm11, $0x0, v4  }
0x10a: {  	[tilespmem:$0x710] =	vst v25;
	vm13 =	vgt.s32 v7, $0x0;
	v3 =	vnsel vm8, $0x0, v3;
	v4 =	vmin.u32 v4, $0x7  }
0x10b: {  	[tilespmem:$0x780] =	vst v2;
	v7 =	vnsel vm13, $0x0, v7;
	v3 =	vmin.u32 v3, $0x7;
	v4 =	vshll.u32 v4, $0x3  }
0x10c: {  	v63 =	vmin.u32 v7, $0x7;
	[tilespmem:$0x730] =	vst v1;
	v1 =	vor.u32 v3, v4;
	v3 =	vnsel vm15, $0x0, v6  }
0x10d: {  	[tilespmem:$0x720] =	vst v27;
	v2 =	vmin.u32 v5, $0x7;
	v4 =	vshll.u32 v63, $0x3;
	v3 =	vmin.u32 v3, $0x7  }
0x10e: {  	[tilespmem:$0x790] =	vst v1;
	v1 =	vor.u32 v2, v4;
	v2 =	vmin.u32 v8, $0x7;
	v3 =	vshll.u32 v3, $0x3  }
0x10f: {  	[tilespmem:$0x7A0] =	vst v1;
	v1 =	vor.u32 v2, v3  }
0x110: {  	s30 =	simm.s32 @!p0 $0x2;
	[tilespmem:$0x7B0] =	vst v1  }
0x111: {  	_ =	swait.ge @!p0 [sflag:s30], $0x400  }
0x112: {  	[sflag:s30] =	ssyncset.done @!p0 $0x0  }
0x113: {  	[sflag:s30] =	ssyncadd.s32 @!p0 $0xFFFFFC00  }
0x114: {  	[bflag:$0x0] =	sbarrier.arrive $0xFFFF  }
0x115: {  	[tilespmem:s13], [sflag:$0x1] =	stream.indirect.gather [spmem:s1], $0x80, s12, s11, $0xb8;
	[tilespmem:$0x10A00] =	vst v63  }
0x116: {  	_ = 	snop  }
0x117: {  	[tilespmem:s15], [sflag:$0x1] =	stream.indirect.gather [spmem:s1], $0x80, s14, s11, $0xb8;
	[tilespmem:$0x10A00] =	vst v63  }
0x118: {  	_ = 	snop  }
0x119: {  	[tilespmem:s17], [sflag:$0x1] =	stream.indirect.gather [spmem:s1], $0x80, s16, s11, $0xb8;
	[tilespmem:$0x10A00] =	vst v63  }
0x11a: {  	_ = 	snop  }
0x11b: {  	[tilespmem:s19], [sflag:$0x1] =	stream.indirect.gather [spmem:s1], $0x80, s18, s11, $0xb8;
	[tilespmem:$0x10A00] =	vst v63  }
0x11c: {  	_ = 	snop  }
0x11d: {  	[tilespmem:s21], [sflag:$0x1] =	stream.indirect.gather [spmem:s1], $0x80, s20, s11, $0xb8;
	[tilespmem:$0x10A00] =	vst v63  }
0x11e: {  	_ = 	snop  }
0x11f: {  	[tilespmem:s23], [sflag:$0x1] =	stream.indirect.gather [spmem:s1], $0x80, s22, s11, $0xb8;
	[tilespmem:$0x10A00] =	vst v63  }
0x120: {  	_ = 	snop  }
0x121: {  	[tilespmem:s25], [sflag:$0x1] =	stream.indirect.gather [spmem:s1], $0x80, s24, s11, $0xb8;
	[tilespmem:$0x10A00] =	vst v63  }
0x122: {  	_ = 	snop  }
0x123: {  	[tilespmem:s28], [sflag:$0x1] =	stream.indirect.gather [spmem:s1], $0x80, s26, s11, $0xb8;
	[tilespmem:$0x10A00] =	vst v63  }
0x124: {  	_ =	swait.ge [sflag:s10], $0x2000  }
0x125: {  	[sflag:s10] =	ssyncset.done $0x0  }
0x126: {  	[sflag:s10] =	ssyncadd.s32 $0xFFFFE000  }
0x127: {  	[hbm4b:s3+s2] =	stream.linear.scatter [tilespmem:s13], [sflag:$0x2], $0x2000, $0x38;
	[tilespmem:$0x10A00] =	vst v63  }
0x128: {  	_ =	swait.ge [sflag:s10], $0x2000  }
0x129: {  	[sflag:s10] =	ssyncset.done $0x0  }
0x12a: {  	s31 =	rddreg [dreg:$0x9];
	[sflag:s10] =	ssyncadd.s32 $0xFFFFE000  }
0x12b: {  	[hbm4b:s31+s2] =	stream.linear.scatter [tilespmem:s15], [sflag:$0x2], $0x2000, $0x38;
	[tilespmem:$0x10A00] =	vst v63  }
0x12c: {  	_ =	swait.ge [sflag:s10], $0x2000  }
0x12d: {  	[sflag:s10] =	ssyncset.done $0x0  }
0x12e: {  	s31 =	rddreg [dreg:$0xa];
	[sflag:s10] =	ssyncadd.s32 $0xFFFFE000  }
0x12f: {  	[hbm4b:s31+s2] =	stream.linear.scatter [tilespmem:s17], [sflag:$0x2], $0x2000, $0x38;
	[tilespmem:$0x10A00] =	vst v63  }
0x130: {  	_ =	swait.ge [sflag:s10], $0x2000  }
0x131: {  	[sflag:s10] =	ssyncset.done $0x0  }
0x132: {  	s31 =	rddreg [dreg:$0xb];
	[sflag:s10] =	ssyncadd.s32 $0xFFFFE000  }
0x133: {  	[hbm4b:s31+s2] =	stream.linear.scatter [tilespmem:s19], [sflag:$0x2], $0x2000, $0x38;
	[tilespmem:$0x10A00] =	vst v63  }
0x134: {  	_ =	swait.ge [sflag:s10], $0x2000  }
0x135: {  	[sflag:s10] =	ssyncset.done $0x0  }
0x136: {  	s31 =	rddreg [dreg:$0xc];
	[sflag:s10] =	ssyncadd.s32 $0xFFFFE000  }
0x137: {  	[hbm4b:s31+s2] =	stream.linear.scatter [tilespmem:s21], [sflag:$0x2], $0x2000, $0x38;
	[tilespmem:$0x10A00] =	vst v63  }
0x138: {  	_ =	swait.ge [sflag:s10], $0x2000  }
0x139: {  	[sflag:s10] =	ssyncset.done $0x0  }
0x13a: {  	[sflag:s10] =	ssyncadd.s32 $0xFFFFE000  }
0x13b: {  	[hbm4b:s4+s2] =	stream.linear.scatter [tilespmem:s23], [sflag:$0x2], $0x2000, $0x38;
	[tilespmem:$0x10A00] =	vst v63  }
0x13c: {  	_ =	swait.ge [sflag:s10], $0x2000  }
0x13d: {  	[sflag:s10] =	ssyncset.done $0x0  }
0x13e: {  	[sflag:s10] =	ssyncadd.s32 $0xFFFFE000  }
0x13f: {  	[hbm4b:s5+s2] =	stream.linear.scatter [tilespmem:s25], [sflag:$0x2], $0x2000, $0x38;
	[tilespmem:$0x10A00] =	vst v63  }
0x140: {  	_ =	swait.ge [sflag:s10], $0x2000  }
0x141: {  	[sflag:s10] =	ssyncset.done $0x0  }
0x142: {  	[sflag:s10] =	ssyncadd.s32 $0xFFFFE000  }
0x143: {  	[hbm4b:s6+s2] =	stream.linear.scatter [tilespmem:s28], [sflag:$0x2], $0x2000, $0x38;
	[tilespmem:$0x10A00] =	vst v63  }
0x144: {  	_ =	swait.ge [sflag:s29], $0x2000  }
0x145: {  	[sflag:s29] =	ssyncset.done $0x0  }
0x146: {  	[sflag:s29] =	ssyncadd.s32 $0xFFFFE000  }
0x147: {  	_ =	swait.ge [sflag:s29], $0x2000  }
0x148: {  	[sflag:s29] =	ssyncset.done $0x0  }
0x149: {  	[sflag:s29] =	ssyncadd.s32 $0xFFFFE000  }
0x14a: {  	_ =	swait.ge [sflag:s29], $0x2000  }
0x14b: {  	[sflag:s29] =	ssyncset.done $0x0  }
0x14c: {  	[sflag:s29] =	ssyncadd.s32 $0xFFFFE000  }
0x14d: {  	_ =	swait.ge [sflag:s29], $0x2000  }
0x14e: {  	[sflag:s29] =	ssyncset.done $0x0  }
0x14f: {  	[sflag:s29] =	ssyncadd.s32 $0xFFFFE000  }
0x150: {  	_ =	swait.ge [sflag:s29], $0x2000  }
0x151: {  	[sflag:s29] =	ssyncset.done $0x0  }
0x152: {  	[sflag:s29] =	ssyncadd.s32 $0xFFFFE000  }
0x153: {  	_ =	swait.ge [sflag:s29], $0x2000  }
0x154: {  	[sflag:s29] =	ssyncset.done $0x0  }
0x155: {  	s7 =	sadd.s32 $0xFFFFFFFF, s7;
	[sflag:s29] =	ssyncadd.s32 $0xFFFFE000  }
0x156: {  	p1 =	sne.s32 s7, $0x0;
	_ =	swait.ge [sflag:s29], $0x2000  }
.Ltmp0:
0x157: {  	[sflag:s29] =	ssyncset.done $0x0;
	(pc) =	sbr.rel @p1 .LBB2_1-.Ltmp0, $4  }
0x158: {  	[sflag:s29] =	ssyncadd.s32 $0xFFFFE000  }
0x159: {  	_ =	swait.ge [sflag:s29], $0x2000  }
0x15a: {  	[sflag:s29] =	ssyncset.done $0x0  }
0x15b: {  	[sflag:s29] =	ssyncadd.s32 $0xFFFFE000  }
0x15c: {  	_ =	sfence.sel $0x180000  }
0x15d: {  	[bflag:$0x0] =	sbarrier.arrive $0xFFFF  }
0x15e: {  	_ =	strace $0x90000047  }
0x15f: {  	s0 =	sadd.s32 @!p0 $0x100000, s0;
	[bflag:$0x2] =	sbarrier.arrive $0xFFFF  }
0x160: {  	[sflag:s0] =	ssyncadd.tile.s32 @!p0 $0x1;
	_ =	shalt  }
.Lfunc_end2:
_tile_overlayer_lowered:
.L_overlay_start_2:
0x161: {  	(tag) =	ssettag $0x2  }
0x162: {  	s0 =	rddreg [dreg:$0x0];
	s2 =	stileid.u32  }
0x163: {  	s1 =	rddreg [dreg:$0x1];
	p0 =	sne.s32 s2, $0x0  }
0x164: {  	s3 =	rddreg [dreg:$0x2];
	[bflag:$0x3] =	sbarrier.arrive $0xFFFF;
	s2 =	simm.s32 @!p0 $0x1C03  }
0x165: {  	[timem:s3], [sflag:s2] =	dma.local @!p0 [hbm:s0], s1  }
0x166: {  	s0 =	simm.s32 @!p0 $0x3  }
0x167: {  	_ =	swait.ge @!p0 [sflag:s0], s1  }
0x168: {  	s1 =	ssub.s32 @!p0 $0x0, s1;
	[sflag:s0] =	ssyncset.done @!p0 $0x0  }
0x169: {  	[sflag:s0] =	ssyncadd.s32 @!p0 s1  }
0x16a: {  	[bflag:$0x3] =	sbarrier.arrive $0xFFFF  }
0x16b: {  	_ =	shalt  }

</sc_bundles>
